<compile_context>
chip_gen: v7x
topology: tpu7x:2x2x1
jax: 0.10.2.dev20260603
libtpu: 0.0.44.dev20260713+nightly
codegen_flags: <defaults>
</compile_context>

<pallas_src>
import functools
import math

import jax
import jax.numpy as jnp
import numpy as np
from jax import lax
from jax.experimental import pallas as pl
from jax.experimental.pallas import tpu as pltpu
from jax.experimental.pallas import tpu_sc as plsc

N_FFT = 1024
WIN_LENGTH = 1024
HOP = 256
SR = 44100

CHUNK = 128
NCHUNK = 65
FPAD = CHUNK * NCHUNK
KPAD = 528
TILE_W = 136
NB_F = 513
TILE_WORDS = NB_F * TILE_W
BATCH_FRAMES = 16
BATCH_PTS = BATCH_FRAMES * KPAD
NBATCH = CHUNK // BATCH_FRAMES


def _arg(values):
    return (jnp.angle(values) / (2.0 * np.pi)) % 1.0



FRAME_BLOCK = 128


def _framing_body(xp1_ref, xp2_ref, win_ref, out1_ref, out2_ref, *, n_frames):
    b = pl.program_id(0)
    win = win_ref[...]

    def row(i, carry):
        m = b * FRAME_BLOCK + i
        mc = jnp.minimum(m, n_frames - 1)
        off = mc * HOP
        seg1 = xp1_ref[pl.ds(off, N_FFT)]
        seg2 = xp2_ref[pl.ds(off, N_FFT)]
        out1_ref[pl.ds(i, 1), :] = (seg1 * win).reshape(1, N_FFT)
        out2_ref[pl.ds(i, 1), :] = (seg2 * win).reshape(1, N_FFT)
        return carry

    lax.fori_loop(0, FRAME_BLOCK, row, 0)


def _run_framing(xp1, xp2, window, n_frames):
    grid = (n_frames + FRAME_BLOCK - 1) // FRAME_BLOCK
    full1 = pl.BlockSpec(xp1.shape, lambda b: (0,))
    fullw = pl.BlockSpec(window.shape, lambda b: (0,))
    out_spec = pl.BlockSpec((FRAME_BLOCK, N_FFT), lambda b: (b, 0))
    return pl.pallas_call(
        functools.partial(_framing_body, n_frames=n_frames),
        grid=(grid,),
        in_specs=[full1, full1, fullw],
        out_specs=[out_spec, out_spec],
        out_shape=[
            jax.ShapeDtypeStruct((n_frames, N_FFT), jnp.float32),
            jax.ShapeDtypeStruct((n_frames, N_FFT), jnp.float32),
        ],
    )(xp1, xp2, window)



def _prep_body(f_ref, t_ref, w_ref, idx_ref, wm_ref, *, wf, wt, t_hi,
               nb_f, nb_t, block_rows):
    b = pl.program_id(0)
    f = f_ref[...]
    t = t_ref[...]
    w = w_ref[...]
    fi = jnp.clip(jnp.floor((f - 0.0) / wf).astype(jnp.int32), 0, nb_f - 1)
    ti = jnp.clip(jnp.floor(t / wt).astype(jnp.int32), 0, nb_t - 1)
    inb = (f >= 0.0) & (f <= 0.5) & (t >= 0.0) & (t <= t_hi)
    wm = jnp.where(inb, w, jnp.zeros_like(w))
    m = b * block_rows + lax.broadcasted_iota(jnp.int32, f.shape, 0)
    dt = jnp.clip(ti - m, -1, 4)
    mmod = m - (m // CHUNK) * CHUNK
    idx_ref[...] = fi * TILE_W + mmod + 1 + dt
    wm_ref[...] = wm


def _run_prep(f2, t2, w2, nb_f, nb_t, wf, wt, t_hi):
    block_rows = 128
    grid = FPAD // block_rows
    spec = pl.BlockSpec((block_rows, KPAD), lambda b: (b, 0))
    return pl.pallas_call(
        functools.partial(_prep_body, wf=wf, wt=wt, t_hi=t_hi, nb_f=nb_f,
                          nb_t=nb_t, block_rows=block_rows),
        grid=(grid,),
        in_specs=[spec, spec, spec],
        out_specs=[spec, spec],
        out_shape=[
            jax.ShapeDtypeStruct((FPAD, KPAD), jnp.int32),
            jax.ShapeDtypeStruct((FPAD, KPAD), jnp.float32),
        ],
    )(f2, t2, w2)



def _sc_hist_body(idx_hbm, w_hbm, tiles_hbm, idx_v, w_v, hist_v):
    cid = lax.axis_index("c")
    sid = lax.axis_index("s")
    wid = sid * 2 + cid

    def zero_body(i, carry):
        hist_v[pl.ds(i * 16, 16)] = jnp.zeros((16,), jnp.float32)
        return carry

    def scat_body(i, carry):
        iv = idx_v[pl.ds(i * 16, 16)]
        wv = w_v[pl.ds(i * 16, 16)]
        plsc.addupdate_scatter(hist_v, [iv], wv)
        return carry

    for rep in range(3):
        c = rep * 32 + wid

        @pl.when(c < NCHUNK)
        def _():
            lax.fori_loop(0, TILE_WORDS // 16, zero_body, 0)
            for j in range(NBATCH):
                off = pl.multiple_of(c * (CHUNK * KPAD) + j * BATCH_PTS, 8)
                pltpu.sync_copy(idx_hbm.at[pl.ds(off, BATCH_PTS)], idx_v)
                pltpu.sync_copy(w_hbm.at[pl.ds(off, BATCH_PTS)], w_v)
                lax.fori_loop(0, BATCH_PTS // 16, scat_body, 0)
            pltpu.sync_copy(hist_v, tiles_hbm.at[c])


def _run_sc_hist(idx_flat, w_flat):
    mesh = plsc.VectorSubcoreMesh(core_axis_name="c", subcore_axis_name="s")
    return pl.kernel(
        _sc_hist_body,
        out_type=jax.ShapeDtypeStruct((NCHUNK, TILE_WORDS), jnp.float32),
        mesh=mesh,
        compiler_params=pltpu.CompilerParams(needs_layout_passes=False),
        scratch_types=[
            pltpu.VMEM((BATCH_PTS,), jnp.int32),
            pltpu.VMEM((BATCH_PTS,), jnp.float32),
            pltpu.VMEM((TILE_WORDS,), jnp.float32),
        ],
    )(idx_flat, w_flat)



def _combine_body(tc_ref, tl_ref, tr_ref, out_ref):
    b = pl.program_id(0)
    tc = tc_ref[0]
    tl = tl_ref[0]
    tr = tr_ref[0]
    acc = tc[:, 1:CHUNK + 1]
    left = jnp.concatenate(
        [tl[:, CHUNK + 1:CHUNK + 5], jnp.zeros((NB_F, CHUNK - 4), jnp.float32)],
        axis=1)
    right = jnp.concatenate(
        [jnp.zeros((NB_F, CHUNK - 1), jnp.float32), tr[:, 0:1]], axis=1)
    acc = acc + jnp.where(b > 0, left, 0.0) + jnp.where(b < NCHUNK - 1, right, 0.0)
    out_ref[...] = 20.0 * jnp.log10(jnp.maximum(jnp.float32(1e-06), acc))


def _run_combine(tiles, nb_t):
    tiles3 = tiles.reshape(NCHUNK, NB_F, TILE_W)
    tile_spec_c = pl.BlockSpec((1, NB_F, TILE_W), lambda b: (b, 0, 0))
    tile_spec_l = pl.BlockSpec((1, NB_F, TILE_W),
                               lambda b: (jnp.maximum(b - 1, 0), 0, 0))
    tile_spec_r = pl.BlockSpec((1, NB_F, TILE_W),
                               lambda b: (jnp.minimum(b + 1, NCHUNK - 1), 0, 0))
    return pl.pallas_call(
        _combine_body,
        grid=(NCHUNK,),
        in_specs=[tile_spec_c, tile_spec_l, tile_spec_r],
        out_specs=pl.BlockSpec((NB_F, CHUNK), lambda b: (0, b)),
        out_shape=jax.ShapeDtypeStruct((NB_F, nb_t), jnp.float32),
    )(tiles3, tiles3, tiles3)



def kernel(signal, window):
    pad = N_FFT // 2
    n_frames = 1 + signal.shape[0] // HOP
    ts = jnp.roll(signal, 1).at[0].set(0.0)
    xp1 = jnp.pad(signal, (pad, pad), mode='reflect')
    xp2 = jnp.pad(ts, (pad, pad), mode='reflect')
    frames1, frames2 = _run_framing(xp1, xp2, window, n_frames)
    spec = jnp.fft.rfft(frames1, axis=1)
    spec_ts = jnp.fft.rfft(frames2, axis=1)
    spec_mag = jnp.abs(spec) / spec.shape[1]
    inst_freqs = _arg(spec * jnp.conj(spec_ts))

    fs = jnp.roll(spec, 1, axis=1).at[:, 0].set(0.0)
    time_delays = 0.5 - _arg(spec * jnp.conj(fs))

    win_duration = WIN_LENGTH / SR
    duration = signal.shape[0] / SR
    win_start_times = jnp.arange(0.0, duration, HOP / SR)
    eps = float(np.finfo(np.float32).eps)
    win_center = win_start_times + win_duration / 2 + eps
    reassigned_times = win_center[:, None] + time_delays * win_duration

    n_frames, nb_f = spec.shape
    output_frame_count = int(np.ceil(duration * SR / HOP))
    t_hi = output_frame_count * HOP / SR
    nb_t = output_frame_count
    wf = (0.5 - 0.0) / nb_f
    wt = (t_hi - 0.0) / nb_t

    padding = ((0, FPAD - n_frames), (0, KPAD - nb_f))
    f2 = jnp.pad(inst_freqs, padding)
    t2 = jnp.pad(reassigned_times, padding)
    w2 = jnp.pad(spec_mag, padding)

    idx_arr, wm = _run_prep(f2, t2, w2, nb_f, nb_t, wf, wt, t_hi)
    tiles = _run_sc_hist(idx_arr.reshape(-1), wm.reshape(-1))
    return _run_combine(tiles, nb_t)

# --- scband reference (transcript-rebuilt; emitter-appended) ---
"""Pipeline reference for scband-reassigned-spectrogram-8040178778301 (READ-ONLY COPY).

The authoritative reference and input builder live on the scoring server;
editing this copy changes nothing except your own understanding.
"""

import jax, jax.numpy as jnp
import numpy as np

N_FFT = 1024
WIN_LENGTH = 1024
HOP = 256
SR = 44100
POWER = 1
SIG_LEN = 2097252


def hann_window():
    n = jnp.arange(N_FFT, dtype=jnp.float32)
    return (0.5 - 0.5 * jnp.cos(2.0 * jnp.pi * n / N_FFT)).astype(jnp.float32)


def stft(x, window):
    # torchaudio.transforms.Spectrogram defaults: center=True, pad_mode='reflect',
    # onesided=True, normalized=False, power=None (complex output)
    pad = N_FFT // 2
    xp = jnp.pad(x, (pad, pad), mode='reflect')
    n_frames = 1 + (xp.shape[0] - N_FFT) // HOP
    idx = jnp.arange(n_frames)[:, None] * HOP + jnp.arange(N_FFT)[None, :]
    frames = xp[idx] * window[None, :]
    return jnp.fft.rfft(frames, axis=1).T  # [freq_bins, n_frames]


def arg(values):
    return (jnp.angle(values) / (2.0 * np.pi)) % 1.0


def setup_inputs(seed: int = 0) -> dict:
    key = jax.random.key(seed)
    signal = jax.random.normal(key, (SIG_LEN,), dtype=jnp.float32)
    return {"signal": signal, "window": hann_window()}


def reference(signal, window):
    spec = stft(signal, window)
    spec_mag = jnp.abs(spec) / spec.shape[0]

    # instantaneous frequencies
    ts = jnp.roll(signal, 1).at[0].set(0.0)
    spec_ts = stft(ts, window)
    inst_freqs = arg(spec * jnp.conj(spec_ts))

    # instantaneous time delays
    fs = jnp.roll(spec, 1, axis=0).at[0, :].set(0.0)
    time_delays = 0.5 - arg(spec * jnp.conj(fs))

    win_duration = WIN_LENGTH / SR
    input_bin_count = inst_freqs.shape[0]
    duration = signal.shape[0] / SR
    win_start_times = jnp.arange(0.0, duration, HOP / SR)
    eps = float(np.finfo(np.float32).eps)
    win_center_times = jnp.tile(win_start_times + win_duration / 2 + eps, (input_bin_count, 1))
    reassigned_times = win_center_times + time_delays * win_duration
    reassigned_freqs = inst_freqs

    output_frame_count = int(np.ceil(duration * SR / HOP))
    t_hi = output_frame_count * HOP / SR
    nb_f, nb_t = spec_mag.shape
    lo_f, hi_f = 0.0, 0.5  # onesided

    f = reassigned_freqs.ravel()
    t = reassigned_times.ravel()
    w = spec_mag.ravel()

    wf = (hi_f - lo_f) / nb_f
    wt = (t_hi - 0.0) / nb_t
    inb = (f >= lo_f) & (f <= hi_f) & (t >= 0.0) & (t <= t_hi)
    fi = jnp.clip(jnp.floor((f - lo_f) / wf).astype(jnp.int32), 0, nb_f - 1)
    ti = jnp.clip(jnp.floor(t / wt).astype(jnp.int32), 0, nb_t - 1)
    flat = fi * nb_t + ti
    hist = jnp.zeros(nb_f * nb_t, dtype=spec_mag.dtype).at[flat].add(
        jnp.where(inb, w, jnp.zeros_like(w))).reshape(nb_f, nb_t)

    reassigned_spectrogram = hist ** POWER
    return 20.0 * jnp.log10(jnp.maximum(jnp.float32(1e-06), reassigned_spectrogram))

if __name__ == "__main__":
    import jax
    _d = setup_inputs()
    print(jax.jit(kernel)(*tuple(_d.values())))

</pallas_src>

<mosaic_0001>
#map = affine_map<(d0, d1) -> (0)>
#map1 = affine_map<(d0, d1) -> (0, 0)>
module attributes {stable_mosaic.version = 14 : i64} {
  func.func @_sc_hist_body(%arg0: i32, %arg1: i32, %arg2: memref<4392960xi32, #tpu.memory_space<hbm>>, %arg3: memref<4392960xf32, #tpu.memory_space<hbm>>, %arg4: memref<65x69768xf32, #tpu.memory_space<hbm>>, %arg5: memref<8448xi32, #tpu.memory_space<vmem>>, %arg6: memref<8448xf32, #tpu.memory_space<vmem>>, %arg7: memref<69768xf32, #tpu.memory_space<vmem>>) attributes {dimension_semantics = [#tpu.dimension_semantics<core_parallel>, #tpu.dimension_semantics<subcore_parallel>], iteration_bounds = array<i64: 2, 16>, scalar_prefetch = 0 : i64, scratch_operands = 3 : i64, tpu.core_type = #tpu.core_type<sc_vector_subcore>, window_params = [{transform_indices = #map}, {transform_indices = #map}, {transform_indices = #map1}]} {
    %mul3A = arith.constant 2 : i32
    %mul3A_0 = arith.muli %arg1, %mul3A : i32
    %add3A = arith.addi %mul3A_0, %arg0 : i32
    %add3A_1 = arith.constant 0 : i32
    %add3A_2 = arith.addi %add3A_1, %add3A : i32
    %lt3A = arith.constant 65 : i32
    %lt3A_3 = arith.cmpi slt, %add3A_2, %lt3A : i32
    %convert_element_type3A = arith.extui %lt3A_3 : i1 to i32
    %cond3A = arith.constant 0 : i32
    %cond3A_4 = arith.cmpi ne, %convert_element_type3A, %cond3A : i32
    scf.if %cond3A_4 {
      %scan3A = arith.constant 0 : i32
      %scan3A_19 = arith.constant 0 : i32
      %scan3A_20 = arith.constant 4360 : i32
      %scan3A_21 = arith.addi %scan3A_19, %scan3A_20 : i32
      %scan3A_22 = arith.constant 1 : i32
      scf.for %scan3A_111 = %scan3A_19 to %scan3A_21 step %scan3A_22  : i32 {
        %broadcast_in_dim3A = arith.constant 0.000000e+00 : f32
        %broadcast_in_dim3A_112 = vector.broadcast %broadcast_in_dim3A : f32 to vector<16xf32>
        %mul3A_113 = arith.constant 16 : i32
        %mul3A_114 = arith.muli %scan3A_111, %mul3A_113 : i32
        %swap3A = arith.index_cast %mul3A_114 : i32 to index
        %swap3A_115 = tpu.vector_load %arg7[%swap3A] {strides = array<i32>} : memref<69768xf32, #tpu.memory_space<vmem>>, vector<16xf32>,
        tpu.vector_store %arg7[%swap3A], %broadcast_in_dim3A_112 {strides = array<i32>} : memref<69768xf32, #tpu.memory_space<vmem>>, vector<16xf32>,
      }
      %scan3A_23 = arith.constant 4360 : i32
      %mul3A_24 = arith.constant 67584 : i32
      %mul3A_25 = arith.muli %add3A_2, %mul3A_24 : i32
      %add3A_26 = arith.constant 0 : i32
      %add3A_27 = arith.addi %mul3A_25, %add3A_26 : i32
      %multiple_of3A = tpu.assume_multiple %add3A_27, 8 : i32
      "tpu.region"() ({
        %run_scoped3A = tpu.sem_alloc : memref<!tpu.dma_semaphore, #tpu.memory_space<semaphore_mem>>
        %dma_start3A = tpu.memref_slice %arg2[%multiple_of3A] : memref<4392960xi32, #tpu.memory_space<hbm>> -> memref<8448xi32, #tpu.memory_space<hbm>>
        %dma_start3A_111 = tpu.memref_slice %arg2[%multiple_of3A] : memref<4392960xi32, #tpu.memory_space<hbm>> -> memref<8448xi32, #tpu.memory_space<hbm>>
        tpu.enqueue_dma source(%dma_start3A_111 : memref<8448xi32, #tpu.memory_space<hbm>>) target(%arg5 : memref<8448xi32, #tpu.memory_space<vmem>>) target_semaphore(%run_scoped3A : memref<!tpu.dma_semaphore, #tpu.memory_space<semaphore_mem>>)
        %dma_wait3A = tpu.memref_slice %arg2[%multiple_of3A] : memref<4392960xi32, #tpu.memory_space<hbm>> -> memref<8448xi32, #tpu.memory_space<hbm>>
        %dma_wait3A_112 = tpu.memref_slice %arg2[%multiple_of3A] : memref<4392960xi32, #tpu.memory_space<hbm>> -> memref<8448xi32, #tpu.memory_space<hbm>>
        tpu.wait_dma2 semaphore(%run_scoped3A : memref<!tpu.dma_semaphore, #tpu.memory_space<semaphore_mem>>) src(%dma_wait3A_112 : memref<8448xi32, #tpu.memory_space<hbm>>) dst(%arg5 : memref<8448xi32, #tpu.memory_space<vmem>>)
        tpu.yield
      }) : () -> ()
      "tpu.region"() ({
        %run_scoped3A = tpu.sem_alloc : memref<!tpu.dma_semaphore, #tpu.memory_space<semaphore_mem>>
        %dma_start3A = tpu.memref_slice %arg3[%multiple_of3A] : memref<4392960xf32, #tpu.memory_space<hbm>> -> memref<8448xf32, #tpu.memory_space<hbm>>
        %dma_start3A_111 = tpu.memref_slice %arg3[%multiple_of3A] : memref<4392960xf32, #tpu.memory_space<hbm>> -> memref<8448xf32, #tpu.memory_space<hbm>>
        tpu.enqueue_dma source(%dma_start3A_111 : memref<8448xf32, #tpu.memory_space<hbm>>) target(%arg6 : memref<8448xf32, #tpu.memory_space<vmem>>) target_semaphore(%run_scoped3A : memref<!tpu.dma_semaphore, #tpu.memory_space<semaphore_mem>>)
        %dma_wait3A = tpu.memref_slice %arg3[%multiple_of3A] : memref<4392960xf32, #tpu.memory_space<hbm>> -> memref<8448xf32, #tpu.memory_space<hbm>>
        %dma_wait3A_112 = tpu.memref_slice %arg3[%multiple_of3A] : memref<4392960xf32, #tpu.memory_space<hbm>> -> memref<8448xf32, #tpu.memory_space<hbm>>
        tpu.wait_dma2 semaphore(%run_scoped3A : memref<!tpu.dma_semaphore, #tpu.memory_space<semaphore_mem>>) src(%dma_wait3A_112 : memref<8448xf32, #tpu.memory_space<hbm>>) dst(%arg6 : memref<8448xf32, #tpu.memory_space<vmem>>)
        tpu.yield
      }) : () -> ()
      %scan3A_28 = arith.constant 0 : i32
      %scan3A_29 = arith.constant 0 : i32
      %scan3A_30 = arith.constant 528 : i32
      %scan3A_31 = arith.addi %scan3A_29, %scan3A_30 : i32
      %scan3A_32 = arith.constant 1 : i32
      scf.for %scan3A_111 = %scan3A_29 to %scan3A_31 step %scan3A_32  : i32 {
        %mul3A_112 = arith.constant 16 : i32
        %mul3A_113 = arith.muli %scan3A_111, %mul3A_112 : i32
        %get3A = arith.index_cast %mul3A_113 : i32 to index
        %get3A_114 = tpu.vector_load %arg5[%get3A] {strides = array<i32>} : memref<8448xi32, #tpu.memory_space<vmem>>, vector<16xi32>,
        %mul3A_115 = arith.constant 16 : i32
        %mul3A_116 = arith.muli %scan3A_111, %mul3A_115 : i32
        %get3A_117 = arith.index_cast %mul3A_116 : i32 to index
        %get3A_118 = tpu.vector_load %arg6[%get3A_117] {strides = array<i32>} : memref<8448xf32, #tpu.memory_space<vmem>>, vector<16xf32>,
        tpu.vector_store_idx %arg7[%get3A_114], %get3A_118 {add = true} : memref<69768xf32, #tpu.memory_space<vmem>>[vector<16xi32>], vector<16xf32>,
      }
      %scan3A_33 = arith.constant 528 : i32
      %mul3A_34 = arith.constant 67584 : i32
      %mul3A_35 = arith.muli %add3A_2, %mul3A_34 : i32
      %add3A_36 = arith.constant 8448 : i32
      %add3A_37 = arith.addi %mul3A_35, %add3A_36 : i32
      %multiple_of3A_38 = tpu.assume_multiple %add3A_37, 8 : i32
      "tpu.region"() ({
        %run_scoped3A = tpu.sem_alloc : memref<!tpu.dma_semaphore, #tpu.memory_space<semaphore_mem>>
        %dma_start3A = tpu.memref_slice %arg2[%multiple_of3A_38] : memref<4392960xi32, #tpu.memory_space<hbm>> -> memref<8448xi32, #tpu.memory_space<hbm>>
        %dma_start3A_111 = tpu.memref_slice %arg2[%multiple_of3A_38] : memref<4392960xi32, #tpu.memory_space<hbm>> -> memref<8448xi32, #tpu.memory_space<hbm>>
        tpu.enqueue_dma source(%dma_start3A_111 : memref<8448xi32, #tpu.memory_space<hbm>>) target(%arg5 : memref<8448xi32, #tpu.memory_space<vmem>>) target_semaphore(%run_scoped3A : memref<!tpu.dma_semaphore, #tpu.memory_space<semaphore_mem>>)
        %dma_wait3A = tpu.memref_slice %arg2[%multiple_of3A_38] : memref<4392960xi32, #tpu.memory_space<hbm>> -> memref<8448xi32, #tpu.memory_space<hbm>>
        %dma_wait3A_112 = tpu.memref_slice %arg2[%multiple_of3A_38] : memref<4392960xi32, #tpu.memory_space<hbm>> -> memref<8448xi32, #tpu.memory_space<hbm>>
        tpu.wait_dma2 semaphore(%run_scoped3A : memref<!tpu.dma_semaphore, #tpu.memory_space<semaphore_mem>>) src(%dma_wait3A_112 : memref<8448xi32, #tpu.memory_space<hbm>>) dst(%arg5 : memref<8448xi32, #tpu.memory_space<vmem>>)
        tpu.yield
      }) : () -> ()
      "tpu.region"() ({
        %run_scoped3A = tpu.sem_alloc : memref<!tpu.dma_semaphore, #tpu.memory_space<semaphore_mem>>
        %dma_start3A = tpu.memref_slice %arg3[%multiple_of3A_38] : memref<4392960xf32, #tpu.memory_space<hbm>> -> memref<8448xf32, #tpu.memory_space<hbm>>
        %dma_start3A_111 = tpu.memref_slice %arg3[%multiple_of3A_38] : memref<4392960xf32, #tpu.memory_space<hbm>> -> memref<8448xf32, #tpu.memory_space<hbm>>
        tpu.enqueue_dma source(%dma_start3A_111 : memref<8448xf32, #tpu.memory_space<hbm>>) target(%arg6 : memref<8448xf32, #tpu.memory_space<vmem>>) target_semaphore(%run_scoped3A : memref<!tpu.dma_semaphore, #tpu.memory_space<semaphore_mem>>)
        %dma_wait3A = tpu.memref_slice %arg3[%multiple_of3A_38] : memref<4392960xf32, #tpu.memory_space<hbm>> -> memref<8448xf32, #tpu.memory_space<hbm>>
        %dma_wait3A_112 = tpu.memref_slice %arg3[%multiple_of3A_38] : memref<4392960xf32, #tpu.memory_space<hbm>> -> memref<8448xf32, #tpu.memory_space<hbm>>
        tpu.wait_dma2 semaphore(%run_scoped3A : memref<!tpu.dma_semaphore, #tpu.memory_space<semaphore_mem>>) src(%dma_wait3A_112 : memref<8448xf32, #tpu.memory_space<hbm>>) dst(%arg6 : memref<8448xf32, #tpu.memory_space<vmem>>)
        tpu.yield
      }) : () -> ()
      %scan3A_39 = arith.constant 0 : i32
      %scan3A_40 = arith.constant 0 : i32
      %scan3A_41 = arith.constant 528 : i32
      %scan3A_42 = arith.addi %scan3A_40, %scan3A_41 : i32
      %scan3A_43 = arith.constant 1 : i32
      scf.for %scan3A_111 = %scan3A_40 to %scan3A_42 step %scan3A_43  : i32 {
        %mul3A_112 = arith.constant 16 : i32
        %mul3A_113 = arith.muli %scan3A_111, %mul3A_112 : i32
        %get3A = arith.index_cast %mul3A_113 : i32 to index
        %get3A_114 = tpu.vector_load %arg5[%get3A] {strides = array<i32>} : memref<8448xi32, #tpu.memory_space<vmem>>, vector<16xi32>,
        %mul3A_115 = arith.constant 16 : i32
        %mul3A_116 = arith.muli %scan3A_111, %mul3A_115 : i32
        %get3A_117 = arith.index_cast %mul3A_116 : i32 to index
        %get3A_118 = tpu.vector_load %arg6[%get3A_117] {strides = array<i32>} : memref<8448xf32, #tpu.memory_space<vmem>>, vector<16xf32>,
        tpu.vector_store_idx %arg7[%get3A_114], %get3A_118 {add = true} : memref<69768xf32, #tpu.memory_space<vmem>>[vector<16xi32>], vector<16xf32>,
      }
      %scan3A_44 = arith.constant 528 : i32
      %mul3A_45 = arith.constant 67584 : i32
      %mul3A_46 = arith.muli %add3A_2, %mul3A_45 : i32
      %add3A_47 = arith.constant 16896 : i32
      %add3A_48 = arith.addi %mul3A_46, %add3A_47 : i32
      %multiple_of3A_49 = tpu.assume_multiple %add3A_48, 8 : i32
      "tpu.region"() ({
        %run_scoped3A = tpu.sem_alloc : memref<!tpu.dma_semaphore, #tpu.memory_space<semaphore_mem>>
        %dma_start3A = tpu.memref_slice %arg2[%multiple_of3A_49] : memref<4392960xi32, #tpu.memory_space<hbm>> -> memref<8448xi32, #tpu.memory_space<hbm>>
        %dma_start3A_111 = tpu.memref_slice %arg2[%multiple_of3A_49] : memref<4392960xi32, #tpu.memory_space<hbm>> -> memref<8448xi32, #tpu.memory_space<hbm>>
        tpu.enqueue_dma source(%dma_start3A_111 : memref<8448xi32, #tpu.memory_space<hbm>>) target(%arg5 : memref<8448xi32, #tpu.memory_space<vmem>>) target_semaphore(%run_scoped3A : memref<!tpu.dma_semaphore, #tpu.memory_space<semaphore_mem>>)
        %dma_wait3A = tpu.memref_slice %arg2[%multiple_of3A_49] : memref<4392960xi32, #tpu.memory_space<hbm>> -> memref<8448xi32, #tpu.memory_space<hbm>>
        %dma_wait3A_112 = tpu.memref_slice %arg2[%multiple_of3A_49] : memref<4392960xi32, #tpu.memory_space<hbm>> -> memref<8448xi32, #tpu.memory_space<hbm>>
        tpu.wait_dma2 semaphore(%run_scoped3A : memref<!tpu.dma_semaphore, #tpu.memory_space<semaphore_mem>>) src(%dma_wait3A_112 : memref<8448xi32, #tpu.memory_space<hbm>>) dst(%arg5 : memref<8448xi32, #tpu.memory_space<vmem>>)
        tpu.yield
      }) : () -> ()
      "tpu.region"() ({
        %run_scoped3A = tpu.sem_alloc : memref<!tpu.dma_semaphore, #tpu.memory_space<semaphore_mem>>
        %dma_start3A = tpu.memref_slice %arg3[%multiple_of3A_49] : memref<4392960xf32, #tpu.memory_space<hbm>> -> memref<8448xf32, #tpu.memory_space<hbm>>
        %dma_start3A_111 = tpu.memref_slice %arg3[%multiple_of3A_49] : memref<4392960xf32, #tpu.memory_space<hbm>> -> memref<8448xf32, #tpu.memory_space<hbm>>
        tpu.enqueue_dma source(%dma_start3A_111 : memref<8448xf32, #tpu.memory_space<hbm>>) target(%arg6 : memref<8448xf32, #tpu.memory_space<vmem>>) target_semaphore(%run_scoped3A : memref<!tpu.dma_semaphore, #tpu.memory_space<semaphore_mem>>)
        %dma_wait3A = tpu.memref_slice %arg3[%multiple_of3A_49] : memref<4392960xf32, #tpu.memory_space<hbm>> -> memref<8448xf32, #tpu.memory_space<hbm>>
        %dma_wait3A_112 = tpu.memref_slice %arg3[%multiple_of3A_49] : memref<4392960xf32, #tpu.memory_space<hbm>> -> memref<8448xf32, #tpu.memory_space<hbm>>
        tpu.wait_dma2 semaphore(%run_scoped3A : memref<!tpu.dma_semaphore, #tpu.memory_space<semaphore_mem>>) src(%dma_wait3A_112 : memref<8448xf32, #tpu.memory_space<hbm>>) dst(%arg6 : memref<8448xf32, #tpu.memory_space<vmem>>)
        tpu.yield
      }) : () -> ()
      %scan3A_50 = arith.constant 0 : i32
      %scan3A_51 = arith.constant 0 : i32
      %scan3A_52 = arith.constant 528 : i32
      %scan3A_53 = arith.addi %scan3A_51, %scan3A_52 : i32
      %scan3A_54 = arith.constant 1 : i32
      scf.for %scan3A_111 = %scan3A_51 to %scan3A_53 step %scan3A_54  : i32 {
        %mul3A_112 = arith.constant 16 : i32
        %mul3A_113 = arith.muli %scan3A_111, %mul3A_112 : i32
        %get3A = arith.index_cast %mul3A_113 : i32 to index
        %get3A_114 = tpu.vector_load %arg5[%get3A] {strides = array<i32>} : memref<8448xi32, #tpu.memory_space<vmem>>, vector<16xi32>,
        %mul3A_115 = arith.constant 16 : i32
        %mul3A_116 = arith.muli %scan3A_111, %mul3A_115 : i32
        %get3A_117 = arith.index_cast %mul3A_116 : i32 to index
        %get3A_118 = tpu.vector_load %arg6[%get3A_117] {strides = array<i32>} : memref<8448xf32, #tpu.memory_space<vmem>>, vector<16xf32>,
        tpu.vector_store_idx %arg7[%get3A_114], %get3A_118 {add = true} : memref<69768xf32, #tpu.memory_space<vmem>>[vector<16xi32>], vector<16xf32>,
      }
      %scan3A_55 = arith.constant 528 : i32
      %mul3A_56 = arith.constant 67584 : i32
      %mul3A_57 = arith.muli %add3A_2, %mul3A_56 : i32
      %add3A_58 = arith.constant 25344 : i32
      %add3A_59 = arith.addi %mul3A_57, %add3A_58 : i32
      %multiple_of3A_60 = tpu.assume_multiple %add3A_59, 8 : i32
      "tpu.region"() ({
        %run_scoped3A = tpu.sem_alloc : memref<!tpu.dma_semaphore, #tpu.memory_space<semaphore_mem>>
        %dma_start3A = tpu.memref_slice %arg2[%multiple_of3A_60] : memref<4392960xi32, #tpu.memory_space<hbm>> -> memref<8448xi32, #tpu.memory_space<hbm>>
        %dma_start3A_111 = tpu.memref_slice %arg2[%multiple_of3A_60] : memref<4392960xi32, #tpu.memory_space<hbm>> -> memref<8448xi32, #tpu.memory_space<hbm>>
        tpu.enqueue_dma source(%dma_start3A_111 : memref<8448xi32, #tpu.memory_space<hbm>>) target(%arg5 : memref<8448xi32, #tpu.memory_space<vmem>>) target_semaphore(%run_scoped3A : memref<!tpu.dma_semaphore, #tpu.memory_space<semaphore_mem>>)
        %dma_wait3A = tpu.memref_slice %arg2[%multiple_of3A_60] : memref<4392960xi32, #tpu.memory_space<hbm>> -> memref<8448xi32, #tpu.memory_space<hbm>>
        %dma_wait3A_112 = tpu.memref_slice %arg2[%multiple_of3A_60] : memref<4392960xi32, #tpu.memory_space<hbm>> -> memref<8448xi32, #tpu.memory_space<hbm>>
        tpu.wait_dma2 semaphore(%run_scoped3A : memref<!tpu.dma_semaphore, #tpu.memory_space<semaphore_mem>>) src(%dma_wait3A_112 : memref<8448xi32, #tpu.memory_space<hbm>>) dst(%arg5 : memref<8448xi32, #tpu.memory_space<vmem>>)
        tpu.yield
      }) : () -> ()
      "tpu.region"() ({
        %run_scoped3A = tpu.sem_alloc : memref<!tpu.dma_semaphore, #tpu.memory_space<semaphore_mem>>
        %dma_start3A = tpu.memref_slice %arg3[%multiple_of3A_60] : memref<4392960xf32, #tpu.memory_space<hbm>> -> memref<8448xf32, #tpu.memory_space<hbm>>
        %dma_start3A_111 = tpu.memref_slice %arg3[%multiple_of3A_60] : memref<4392960xf32, #tpu.memory_space<hbm>> -> memref<8448xf32, #tpu.memory_space<hbm>>
        tpu.enqueue_dma source(%dma_start3A_111 : memref<8448xf32, #tpu.memory_space<hbm>>) target(%arg6 : memref<8448xf32, #tpu.memory_space<vmem>>) target_semaphore(%run_scoped3A : memref<!tpu.dma_semaphore, #tpu.memory_space<semaphore_mem>>)
        %dma_wait3A = tpu.memref_slice %arg3[%multiple_of3A_60] : memref<4392960xf32, #tpu.memory_space<hbm>> -> memref<8448xf32, #tpu.memory_space<hbm>>
        %dma_wait3A_112 = tpu.memref_slice %arg3[%multiple_of3A_60] : memref<4392960xf32, #tpu.memory_space<hbm>> -> memref<8448xf32, #tpu.memory_space<hbm>>
        tpu.wait_dma2 semaphore(%run_scoped3A : memref<!tpu.dma_semaphore, #tpu.memory_space<semaphore_mem>>) src(%dma_wait3A_112 : memref<8448xf32, #tpu.memory_space<hbm>>) dst(%arg6 : memref<8448xf32, #tpu.memory_space<vmem>>)
        tpu.yield
      }) : () -> ()
      %scan3A_61 = arith.constant 0 : i32
      %scan3A_62 = arith.constant 0 : i32
      %scan3A_63 = arith.constant 528 : i32
      %scan3A_64 = arith.addi %scan3A_62, %scan3A_63 : i32
      %scan3A_65 = arith.constant 1 : i32
      scf.for %scan3A_111 = %scan3A_62 to %scan3A_64 step %scan3A_65  : i32 {
        %mul3A_112 = arith.constant 16 : i32
        %mul3A_113 = arith.muli %scan3A_111, %mul3A_112 : i32
        %get3A = arith.index_cast %mul3A_113 : i32 to index
        %get3A_114 = tpu.vector_load %arg5[%get3A] {strides = array<i32>} : memref<8448xi32, #tpu.memory_space<vmem>>, vector<16xi32>,
        %mul3A_115 = arith.constant 16 : i32
        %mul3A_116 = arith.muli %scan3A_111, %mul3A_115 : i32
        %get3A_117 = arith.index_cast %mul3A_116 : i32 to index
        %get3A_118 = tpu.vector_load %arg6[%get3A_117] {strides = array<i32>} : memref<8448xf32, #tpu.memory_space<vmem>>, vector<16xf32>,
        tpu.vector_store_idx %arg7[%get3A_114], %get3A_118 {add = true} : memref<69768xf32, #tpu.memory_space<vmem>>[vector<16xi32>], vector<16xf32>,
      }
      %scan3A_66 = arith.constant 528 : i32
      %mul3A_67 = arith.constant 67584 : i32
      %mul3A_68 = arith.muli %add3A_2, %mul3A_67 : i32
      %add3A_69 = arith.constant 33792 : i32
      %add3A_70 = arith.addi %mul3A_68, %add3A_69 : i32
      %multiple_of3A_71 = tpu.assume_multiple %add3A_70, 8 : i32
      "tpu.region"() ({
        %run_scoped3A = tpu.sem_alloc : memref<!tpu.dma_semaphore, #tpu.memory_space<semaphore_mem>>
        %dma_start3A = tpu.memref_slice %arg2[%multiple_of3A_71] : memref<4392960xi32, #tpu.memory_space<hbm>> -> memref<8448xi32, #tpu.memory_space<hbm>>
        %dma_start3A_111 = tpu.memref_slice %arg2[%multiple_of3A_71] : memref<4392960xi32, #tpu.memory_space<hbm>> -> memref<8448xi32, #tpu.memory_space<hbm>>
        tpu.enqueue_dma source(%dma_start3A_111 : memref<8448xi32, #tpu.memory_space<hbm>>) target(%arg5 : memref<8448xi32, #tpu.memory_space<vmem>>) target_semaphore(%run_scoped3A : memref<!tpu.dma_semaphore, #tpu.memory_space<semaphore_mem>>)
        %dma_wait3A = tpu.memref_slice %arg2[%multiple_of3A_71] : memref<4392960xi32, #tpu.memory_space<hbm>> -> memref<8448xi32, #tpu.memory_space<hbm>>
        %dma_wait3A_112 = tpu.memref_slice %arg2[%multiple_of3A_71] : memref<4392960xi32, #tpu.memory_space<hbm>> -> memref<8448xi32, #tpu.memory_space<hbm>>
        tpu.wait_dma2 semaphore(%run_scoped3A : memref<!tpu.dma_semaphore, #tpu.memory_space<semaphore_mem>>) src(%dma_wait3A_112 : memref<8448xi32, #tpu.memory_space<hbm>>) dst(%arg5 : memref<8448xi32, #tpu.memory_space<vmem>>)
        tpu.yield
      }) : () -> ()
      "tpu.region"() ({
        %run_scoped3A = tpu.sem_alloc : memref<!tpu.dma_semaphore, #tpu.memory_space<semaphore_mem>>
        %dma_start3A = tpu.memref_slice %arg3[%multiple_of3A_71] : memref<4392960xf32, #tpu.memory_space<hbm>> -> memref<8448xf32, #tpu.memory_space<hbm>>
        %dma_start3A_111 = tpu.memref_slice %arg3[%multiple_of3A_71] : memref<4392960xf32, #tpu.memory_space<hbm>> -> memref<8448xf32, #tpu.memory_space<hbm>>
        tpu.enqueue_dma source(%dma_start3A_111 : memref<8448xf32, #tpu.memory_space<hbm>>) target(%arg6 : memref<8448xf32, #tpu.memory_space<vmem>>) target_semaphore(%run_scoped3A : memref<!tpu.dma_semaphore, #tpu.memory_space<semaphore_mem>>)
        %dma_wait3A = tpu.memref_slice %arg3[%multiple_of3A_71] : memref<4392960xf32, #tpu.memory_space<hbm>> -> memref<8448xf32, #tpu.memory_space<hbm>>
        %dma_wait3A_112 = tpu.memref_slice %arg3[%multiple_of3A_71] : memref<4392960xf32, #tpu.memory_space<hbm>> -> memref<8448xf32, #tpu.memory_space<hbm>>
        tpu.wait_dma2 semaphore(%run_scoped3A : memref<!tpu.dma_semaphore, #tpu.memory_space<semaphore_mem>>) src(%dma_wait3A_112 : memref<8448xf32, #tpu.memory_space<hbm>>) dst(%arg6 : memref<8448xf32, #tpu.memory_space<vmem>>)
        tpu.yield
      }) : () -> ()
      %scan3A_72 = arith.constant 0 : i32
      %scan3A_73 = arith.constant 0 : i32
      %scan3A_74 = arith.constant 528 : i32
      %scan3A_75 = arith.addi %scan3A_73, %scan3A_74 : i32
      %scan3A_76 = arith.constant 1 : i32
      scf.for %scan3A_111 = %scan3A_73 to %scan3A_75 step %scan3A_76  : i32 {
        %mul3A_112 = arith.constant 16 : i32
        %mul3A_113 = arith.muli %scan3A_111, %mul3A_112 : i32
        %get3A = arith.index_cast %mul3A_113 : i32 to index
        %get3A_114 = tpu.vector_load %arg5[%get3A] {strides = array<i32>} : memref<8448xi32, #tpu.memory_space<vmem>>, vector<16xi32>,
        %mul3A_115 = arith.constant 16 : i32
        %mul3A_116 = arith.muli %scan3A_111, %mul3A_115 : i32
        %get3A_117 = arith.index_cast %mul3A_116 : i32 to index
        %get3A_118 = tpu.vector_load %arg6[%get3A_117] {strides = array<i32>} : memref<8448xf32, #tpu.memory_space<vmem>>, vector<16xf32>,
        tpu.vector_store_idx %arg7[%get3A_114], %get3A_118 {add = true} : memref<69768xf32, #tpu.memory_space<vmem>>[vector<16xi32>], vector<16xf32>,
      }
      %scan3A_77 = arith.constant 528 : i32
      %mul3A_78 = arith.constant 67584 : i32
      %mul3A_79 = arith.muli %add3A_2, %mul3A_78 : i32
      %add3A_80 = arith.constant 42240 : i32
      %add3A_81 = arith.addi %mul3A_79, %add3A_80 : i32
      %multiple_of3A_82 = tpu.assume_multiple %add3A_81, 8 : i32
      "tpu.region"() ({
        %run_scoped3A = tpu.sem_alloc : memref<!tpu.dma_semaphore, #tpu.memory_space<semaphore_mem>>
        %dma_start3A = tpu.memref_slice %arg2[%multiple_of3A_82] : memref<4392960xi32, #tpu.memory_space<hbm>> -> memref<8448xi32, #tpu.memory_space<hbm>>
        %dma_start3A_111 = tpu.memref_slice %arg2[%multiple_of3A_82] : memref<4392960xi32, #tpu.memory_space<hbm>> -> memref<8448xi32, #tpu.memory_space<hbm>>
        tpu.enqueue_dma source(%dma_start3A_111 : memref<8448xi32, #tpu.memory_space<hbm>>) target(%arg5 : memref<8448xi32, #tpu.memory_space<vmem>>) target_semaphore(%run_scoped3A : memref<!tpu.dma_semaphore, #tpu.memory_space<semaphore_mem>>)
        %dma_wait3A = tpu.memref_slice %arg2[%multiple_of3A_82] : memref<4392960xi32, #tpu.memory_space<hbm>> -> memref<8448xi32, #tpu.memory_space<hbm>>
        %dma_wait3A_112 = tpu.memref_slice %arg2[%multiple_of3A_82] : memref<4392960xi32, #tpu.memory_space<hbm>> -> memref<8448xi32, #tpu.memory_space<hbm>>
        tpu.wait_dma2 semaphore(%run_scoped3A : memref<!tpu.dma_semaphore, #tpu.memory_space<semaphore_mem>>) src(%dma_wait3A_112 : memref<8448xi32, #tpu.memory_space<hbm>>) dst(%arg5 : memref<8448xi32, #tpu.memory_space<vmem>>)
        tpu.yield
      }) : () -> ()
      "tpu.region"() ({
        %run_scoped3A = tpu.sem_alloc : memref<!tpu.dma_semaphore, #tpu.memory_space<semaphore_mem>>
        %dma_start3A = tpu.memref_slice %arg3[%multiple_of3A_82] : memref<4392960xf32, #tpu.memory_space<hbm>> -> memref<8448xf32, #tpu.memory_space<hbm>>
        %dma_start3A_111 = tpu.memref_slice %arg3[%multiple_of3A_82] : memref<4392960xf32, #tpu.memory_space<hbm>> -> memref<8448xf32, #tpu.memory_space<hbm>>
        tpu.enqueue_dma source(%dma_start3A_111 : memref<8448xf32, #tpu.memory_space<hbm>>) target(%arg6 : memref<8448xf32, #tpu.memory_space<vmem>>) target_semaphore(%run_scoped3A : memref<!tpu.dma_semaphore, #tpu.memory_space<semaphore_mem>>)
        %dma_wait3A = tpu.memref_slice %arg3[%multiple_of3A_82] : memref<4392960xf32, #tpu.memory_space<hbm>> -> memref<8448xf32, #tpu.memory_space<hbm>>
        %dma_wait3A_112 = tpu.memref_slice %arg3[%multiple_of3A_82] : memref<4392960xf32, #tpu.memory_space<hbm>> -> memref<8448xf32, #tpu.memory_space<hbm>>
        tpu.wait_dma2 semaphore(%run_scoped3A : memref<!tpu.dma_semaphore, #tpu.memory_space<semaphore_mem>>) src(%dma_wait3A_112 : memref<8448xf32, #tpu.memory_space<hbm>>) dst(%arg6 : memref<8448xf32, #tpu.memory_space<vmem>>)
        tpu.yield
      }) : () -> ()
      %scan3A_83 = arith.constant 0 : i32
      %scan3A_84 = arith.constant 0 : i32
      %scan3A_85 = arith.constant 528 : i32
      %scan3A_86 = arith.addi %scan3A_84, %scan3A_85 : i32
      %scan3A_87 = arith.constant 1 : i32
      scf.for %scan3A_111 = %scan3A_84 to %scan3A_86 step %scan3A_87  : i32 {
        %mul3A_112 = arith.constant 16 : i32
        %mul3A_113 = arith.muli %scan3A_111, %mul3A_112 : i32
        %get3A = arith.index_cast %mul3A_113 : i32 to index
        %get3A_114 = tpu.vector_load %arg5[%get3A] {strides = array<i32>} : memref<8448xi32, #tpu.memory_space<vmem>>, vector<16xi32>,
        %mul3A_115 = arith.constant 16 : i32
        %mul3A_116 = arith.muli %scan3A_111, %mul3A_115 : i32
        %get3A_117 = arith.index_cast %mul3A_116 : i32 to index
        %get3A_118 = tpu.vector_load %arg6[%get3A_117] {strides = array<i32>} : memref<8448xf32, #tpu.memory_space<vmem>>, vector<16xf32>,
        tpu.vector_store_idx %arg7[%get3A_114], %get3A_118 {add = true} : memref<69768xf32, #tpu.memory_space<vmem>>[vector<16xi32>], vector<16xf32>,
      }
      %scan3A_88 = arith.constant 528 : i32
      %mul3A_89 = arith.constant 67584 : i32
      %mul3A_90 = arith.muli %add3A_2, %mul3A_89 : i32
      %add3A_91 = arith.constant 50688 : i32
      %add3A_92 = arith.addi %mul3A_90, %add3A_91 : i32
      %multiple_of3A_93 = tpu.assume_multiple %add3A_92, 8 : i32
      "tpu.region"() ({
        %run_scoped3A = tpu.sem_alloc : memref<!tpu.dma_semaphore, #tpu.memory_space<semaphore_mem>>
        %dma_start3A = tpu.memref_slice %arg2[%multiple_of3A_93] : memref<4392960xi32, #tpu.memory_space<hbm>> -> memref<8448xi32, #tpu.memory_space<hbm>>
        %dma_start3A_111 = tpu.memref_slice %arg2[%multiple_of3A_93] : memref<4392960xi32, #tpu.memory_space<hbm>> -> memref<8448xi32, #tpu.memory_space<hbm>>
        tpu.enqueue_dma source(%dma_start3A_111 : memref<8448xi32, #tpu.memory_space<hbm>>) target(%arg5 : memref<8448xi32, #tpu.memory_space<vmem>>) target_semaphore(%run_scoped3A : memref<!tpu.dma_semaphore, #tpu.memory_space<semaphore_mem>>)
        %dma_wait3A = tpu.memref_slice %arg2[%multiple_of3A_93] : memref<4392960xi32, #tpu.memory_space<hbm>> -> memref<8448xi32, #tpu.memory_space<hbm>>
        %dma_wait3A_112 = tpu.memref_slice %arg2[%multiple_of3A_93] : memref<4392960xi32, #tpu.memory_space<hbm>> -> memref<8448xi32, #tpu.memory_space<hbm>>
        tpu.wait_dma2 semaphore(%run_scoped3A : memref<!tpu.dma_semaphore, #tpu.memory_space<semaphore_mem>>) src(%dma_wait3A_112 : memref<8448xi32, #tpu.memory_space<hbm>>) dst(%arg5 : memref<8448xi32, #tpu.memory_space<vmem>>)
        tpu.yield
      }) : () -> ()
      "tpu.region"() ({
        %run_scoped3A = tpu.sem_alloc : memref<!tpu.dma_semaphore, #tpu.memory_space<semaphore_mem>>
        %dma_start3A = tpu.memref_slice %arg3[%multiple_of3A_93] : memref<4392960xf32, #tpu.memory_space<hbm>> -> memref<8448xf32, #tpu.memory_space<hbm>>
        %dma_start3A_111 = tpu.memref_slice %arg3[%multiple_of3A_93] : memref<4392960xf32, #tpu.memory_space<hbm>> -> memref<8448xf32, #tpu.memory_space<hbm>>
        tpu.enqueue_dma source(%dma_start3A_111 : memref<8448xf32, #tpu.memory_space<hbm>>) target(%arg6 : memref<8448xf32, #tpu.memory_space<vmem>>) target_semaphore(%run_scoped3A : memref<!tpu.dma_semaphore, #tpu.memory_space<semaphore_mem>>)
        %dma_wait3A = tpu.memref_slice %arg3[%multiple_of3A_93] : memref<4392960xf32, #tpu.memory_space<hbm>> -> memref<8448xf32, #tpu.memory_space<hbm>>
        %dma_wait3A_112 = tpu.memref_slice %arg3[%multiple_of3A_93] : memref<4392960xf32, #tpu.memory_space<hbm>> -> memref<8448xf32, #tpu.memory_space<hbm>>
        tpu.wait_dma2 semaphore(%run_scoped3A : memref<!tpu.dma_semaphore, #tpu.memory_space<semaphore_mem>>) src(%dma_wait3A_112 : memref<8448xf32, #tpu.memory_space<hbm>>) dst(%arg6 : memref<8448xf32, #tpu.memory_space<vmem>>)
        tpu.yield
      }) : () -> ()
      %scan3A_94 = arith.constant 0 : i32
      %scan3A_95 = arith.constant 0 : i32
      %scan3A_96 = arith.constant 528 : i32
      %scan3A_97 = arith.addi %scan3A_95, %scan3A_96 : i32
      %scan3A_98 = arith.constant 1 : i32
      scf.for %scan3A_111 = %scan3A_95 to %scan3A_97 step %scan3A_98  : i32 {
        %mul3A_112 = arith.constant 16 : i32
        %mul3A_113 = arith.muli %scan3A_111, %mul3A_112 : i32
        %get3A = arith.index_cast %mul3A_113 : i32 to index
        %get3A_114 = tpu.vector_load %arg5[%get3A] {strides = array<i32>} : memref<8448xi32, #tpu.memory_space<vmem>>, vector<16xi32>,
        %mul3A_115 = arith.constant 16 : i32
        %mul3A_116 = arith.muli %scan3A_111, %mul3A_115 : i32
        %get3A_117 = arith.index_cast %mul3A_116 : i32 to index
        %get3A_118 = tpu.vector_load %arg6[%get3A_117] {strides = array<i32>} : memref<8448xf32, #tpu.memory_space<vmem>>, vector<16xf32>,
        tpu.vector_store_idx %arg7[%get3A_114], %get3A_118 {add = true} : memref<69768xf32, #tpu.memory_space<vmem>>[vector<16xi32>], vector<16xf32>,
      }
      %scan3A_99 = arith.constant 528 : i32
      %mul3A_100 = arith.constant 67584 : i32
      %mul3A_101 = arith.muli %add3A_2, %mul3A_100 : i32
      %add3A_102 = arith.constant 59136 : i32
      %add3A_103 = arith.addi %mul3A_101, %add3A_102 : i32
      %multiple_of3A_104 = tpu.assume_multiple %add3A_103, 8 : i32
      "tpu.region"() ({
        %run_scoped3A = tpu.sem_alloc : memref<!tpu.dma_semaphore, #tpu.memory_space<semaphore_mem>>
        %dma_start3A = tpu.memref_slice %arg2[%multiple_of3A_104] : memref<4392960xi32, #tpu.memory_space<hbm>> -> memref<8448xi32, #tpu.memory_space<hbm>>
        %dma_start3A_111 = tpu.memref_slice %arg2[%multiple_of3A_104] : memref<4392960xi32, #tpu.memory_space<hbm>> -> memref<8448xi32, #tpu.memory_space<hbm>>
        tpu.enqueue_dma source(%dma_start3A_111 : memref<8448xi32, #tpu.memory_space<hbm>>) target(%arg5 : memref<8448xi32, #tpu.memory_space<vmem>>) target_semaphore(%run_scoped3A : memref<!tpu.dma_semaphore, #tpu.memory_space<semaphore_mem>>)
        %dma_wait3A = tpu.memref_slice %arg2[%multiple_of3A_104] : memref<4392960xi32, #tpu.memory_space<hbm>> -> memref<8448xi32, #tpu.memory_space<hbm>>
        %dma_wait3A_112 = tpu.memref_slice %arg2[%multiple_of3A_104] : memref<4392960xi32, #tpu.memory_space<hbm>> -> memref<8448xi32, #tpu.memory_space<hbm>>
        tpu.wait_dma2 semaphore(%run_scoped3A : memref<!tpu.dma_semaphore, #tpu.memory_space<semaphore_mem>>) src(%dma_wait3A_112 : memref<8448xi32, #tpu.memory_space<hbm>>) dst(%arg5 : memref<8448xi32, #tpu.memory_space<vmem>>)
        tpu.yield
      }) : () -> ()
      "tpu.region"() ({
        %run_scoped3A = tpu.sem_alloc : memref<!tpu.dma_semaphore, #tpu.memory_space<semaphore_mem>>
        %dma_start3A = tpu.memref_slice %arg3[%multiple_of3A_104] : memref<4392960xf32, #tpu.memory_space<hbm>> -> memref<8448xf32, #tpu.memory_space<hbm>>
        %dma_start3A_111 = tpu.memref_slice %arg3[%multiple_of3A_104] : memref<4392960xf32, #tpu.memory_space<hbm>> -> memref<8448xf32, #tpu.memory_space<hbm>>
        tpu.enqueue_dma source(%dma_start3A_111 : memref<8448xf32, #tpu.memory_space<hbm>>) target(%arg6 : memref<8448xf32, #tpu.memory_space<vmem>>) target_semaphore(%run_scoped3A : memref<!tpu.dma_semaphore, #tpu.memory_space<semaphore_mem>>)
        %dma_wait3A = tpu.memref_slice %arg3[%multiple_of3A_104] : memref<4392960xf32, #tpu.memory_space<hbm>> -> memref<8448xf32, #tpu.memory_space<hbm>>
        %dma_wait3A_112 = tpu.memref_slice %arg3[%multiple_of3A_104] : memref<4392960xf32, #tpu.memory_space<hbm>> -> memref<8448xf32, #tpu.memory_space<hbm>>
        tpu.wait_dma2 semaphore(%run_scoped3A : memref<!tpu.dma_semaphore, #tpu.memory_space<semaphore_mem>>) src(%dma_wait3A_112 : memref<8448xf32, #tpu.memory_space<hbm>>) dst(%arg6 : memref<8448xf32, #tpu.memory_space<vmem>>)
        tpu.yield
      }) : () -> ()
      %scan3A_105 = arith.constant 0 : i32
      %scan3A_106 = arith.constant 0 : i32
      %scan3A_107 = arith.constant 528 : i32
      %scan3A_108 = arith.addi %scan3A_106, %scan3A_107 : i32
      %scan3A_109 = arith.constant 1 : i32
      scf.for %scan3A_111 = %scan3A_106 to %scan3A_108 step %scan3A_109  : i32 {
        %mul3A_112 = arith.constant 16 : i32
        %mul3A_113 = arith.muli %scan3A_111, %mul3A_112 : i32
        %get3A = arith.index_cast %mul3A_113 : i32 to index
        %get3A_114 = tpu.vector_load %arg5[%get3A] {strides = array<i32>} : memref<8448xi32, #tpu.memory_space<vmem>>, vector<16xi32>,
        %mul3A_115 = arith.constant 16 : i32
        %mul3A_116 = arith.muli %scan3A_111, %mul3A_115 : i32
        %get3A_117 = arith.index_cast %mul3A_116 : i32 to index
        %get3A_118 = tpu.vector_load %arg6[%get3A_117] {strides = array<i32>} : memref<8448xf32, #tpu.memory_space<vmem>>, vector<16xf32>,
        tpu.vector_store_idx %arg7[%get3A_114], %get3A_118 {add = true} : memref<69768xf32, #tpu.memory_space<vmem>>[vector<16xi32>], vector<16xf32>,
      }
      %scan3A_110 = arith.constant 528 : i32
      "tpu.region"() ({
        %run_scoped3A = tpu.sem_alloc : memref<!tpu.dma_semaphore, #tpu.memory_space<semaphore_mem>>
        %dma_start3A = arith.constant 0 : i32
        %dma_start3A_111 = tpu.memref_slice %arg4[%add3A_2, %dma_start3A] : memref<65x69768xf32, #tpu.memory_space<hbm>> -> memref<1x69768xf32, #tpu.memory_space<hbm>>
        %dma_start3A_112 = tpu.memref_squeeze %dma_start3A_111 : memref<1x69768xf32, #tpu.memory_space<hbm>> -> memref<69768xf32, #tpu.memory_space<hbm>>
        %dma_start3A_113 = arith.constant 0 : i32
        %dma_start3A_114 = tpu.memref_slice %arg4[%add3A_2, %dma_start3A_113] : memref<65x69768xf32, #tpu.memory_space<hbm>> -> memref<1x69768xf32, #tpu.memory_space<hbm>>
        %dma_start3A_115 = tpu.memref_squeeze %dma_start3A_114 : memref<1x69768xf32, #tpu.memory_space<hbm>> -> memref<69768xf32, #tpu.memory_space<hbm>>
        tpu.enqueue_dma source(%arg7 : memref<69768xf32, #tpu.memory_space<vmem>>) target(%dma_start3A_115 : memref<69768xf32, #tpu.memory_space<hbm>>) target_semaphore(%run_scoped3A : memref<!tpu.dma_semaphore, #tpu.memory_space<semaphore_mem>>)
        %dma_wait3A = arith.constant 0 : i32
        %dma_wait3A_116 = tpu.memref_slice %arg4[%add3A_2, %dma_wait3A] : memref<65x69768xf32, #tpu.memory_space<hbm>> -> memref<1x69768xf32, #tpu.memory_space<hbm>>
        %dma_wait3A_117 = tpu.memref_squeeze %dma_wait3A_116 : memref<1x69768xf32, #tpu.memory_space<hbm>> -> memref<69768xf32, #tpu.memory_space<hbm>>
        %dma_wait3A_118 = arith.constant 0 : i32
        %dma_wait3A_119 = tpu.memref_slice %arg4[%add3A_2, %dma_wait3A_118] : memref<65x69768xf32, #tpu.memory_space<hbm>> -> memref<1x69768xf32, #tpu.memory_space<hbm>>
        %dma_wait3A_120 = tpu.memref_squeeze %dma_wait3A_119 : memref<1x69768xf32, #tpu.memory_space<hbm>> -> memref<69768xf32, #tpu.memory_space<hbm>>
        tpu.wait_dma2 semaphore(%run_scoped3A : memref<!tpu.dma_semaphore, #tpu.memory_space<semaphore_mem>>) src(%arg7 : memref<69768xf32, #tpu.memory_space<vmem>>) dst(%dma_wait3A_120 : memref<69768xf32, #tpu.memory_space<hbm>>)
        tpu.yield
      }) : () -> ()
    } else {
    }
    %add3A_5 = arith.constant 32 : i32
    %add3A_6 = arith.addi %add3A_5, %add3A : i32
    %lt3A_7 = arith.constant 65 : i32
    %lt3A_8 = arith.cmpi slt, %add3A_6, %lt3A_7 : i32
    %convert_element_type3A_9 = arith.extui %lt3A_8 : i1 to i32
    %cond3A_10 = arith.constant 0 : i32
    %cond3A_11 = arith.cmpi ne, %convert_element_type3A_9, %cond3A_10 : i32
    scf.if %cond3A_11 {
      %scan3A = arith.constant 0 : i32
      %scan3A_19 = arith.constant 0 : i32
      %scan3A_20 = arith.constant 4360 : i32
      %scan3A_21 = arith.addi %scan3A_19, %scan3A_20 : i32
      %scan3A_22 = arith.constant 1 : i32
      scf.for %scan3A_111 = %scan3A_19 to %scan3A_21 step %scan3A_22  : i32 {
        %broadcast_in_dim3A = arith.constant 0.000000e+00 : f32
        %broadcast_in_dim3A_112 = vector.broadcast %broadcast_in_dim3A : f32 to vector<16xf32>
        %mul3A_113 = arith.constant 16 : i32
        %mul3A_114 = arith.muli %scan3A_111, %mul3A_113 : i32
        %swap3A = arith.index_cast %mul3A_114 : i32 to index
        %swap3A_115 = tpu.vector_load %arg7[%swap3A] {strides = array<i32>} : memref<69768xf32, #tpu.memory_space<vmem>>, vector<16xf32>,
        tpu.vector_store %arg7[%swap3A], %broadcast_in_dim3A_112 {strides = array<i32>} : memref<69768xf32, #tpu.memory_space<vmem>>, vector<16xf32>,
      }
      %scan3A_23 = arith.constant 4360 : i32
      %mul3A_24 = arith.constant 67584 : i32
      %mul3A_25 = arith.muli %add3A_6, %mul3A_24 : i32
      %add3A_26 = arith.constant 0 : i32
      %add3A_27 = arith.addi %mul3A_25, %add3A_26 : i32
      %multiple_of3A = tpu.assume_multiple %add3A_27, 8 : i32
      "tpu.region"() ({
        %run_scoped3A = tpu.sem_alloc : memref<!tpu.dma_semaphore, #tpu.memory_space<semaphore_mem>>
        %dma_start3A = tpu.memref_slice %arg2[%multiple_of3A] : memref<4392960xi32, #tpu.memory_space<hbm>> -> memref<8448xi32, #tpu.memory_space<hbm>>
        %dma_start3A_111 = tpu.memref_slice %arg2[%multiple_of3A] : memref<4392960xi32, #tpu.memory_space<hbm>> -> memref<8448xi32, #tpu.memory_space<hbm>>
        tpu.enqueue_dma source(%dma_start3A_111 : memref<8448xi32, #tpu.memory_space<hbm>>) target(%arg5 : memref<8448xi32, #tpu.memory_space<vmem>>) target_semaphore(%run_scoped3A : memref<!tpu.dma_semaphore, #tpu.memory_space<semaphore_mem>>)
        %dma_wait3A = tpu.memref_slice %arg2[%multiple_of3A] : memref<4392960xi32, #tpu.memory_space<hbm>> -> memref<8448xi32, #tpu.memory_space<hbm>>
        %dma_wait3A_112 = tpu.memref_slice %arg2[%multiple_of3A] : memref<4392960xi32, #tpu.memory_space<hbm>> -> memref<8448xi32, #tpu.memory_space<hbm>>
        tpu.wait_dma2 semaphore(%run_scoped3A : memref<!tpu.dma_semaphore, #tpu.memory_space<semaphore_mem>>) src(%dma_wait3A_112 : memref<8448xi32, #tpu.memory_space<hbm>>) dst(%arg5 : memref<8448xi32, #tpu.memory_space<vmem>>)
        tpu.yield
      }) : () -> ()
      "tpu.region"() ({
        %run_scoped3A = tpu.sem_alloc : memref<!tpu.dma_semaphore, #tpu.memory_space<semaphore_mem>>
        %dma_start3A = tpu.memref_slice %arg3[%multiple_of3A] : memref<4392960xf32, #tpu.memory_space<hbm>> -> memref<8448xf32, #tpu.memory_space<hbm>>
        %dma_start3A_111 = tpu.memref_slice %arg3[%multiple_of3A] : memref<4392960xf32, #tpu.memory_space<hbm>> -> memref<8448xf32, #tpu.memory_space<hbm>>
        tpu.enqueue_dma source(%dma_start3A_111 : memref<8448xf32, #tpu.memory_space<hbm>>) target(%arg6 : memref<8448xf32, #tpu.memory_space<vmem>>) target_semaphore(%run_scoped3A : memref<!tpu.dma_semaphore, #tpu.memory_space<semaphore_mem>>)
        %dma_wait3A = tpu.memref_slice %arg3[%multiple_of3A] : memref<4392960xf32, #tpu.memory_space<hbm>> -> memref<8448xf32, #tpu.memory_space<hbm>>
        %dma_wait3A_112 = tpu.memref_slice %arg3[%multiple_of3A] : memref<4392960xf32, #tpu.memory_space<hbm>> -> memref<8448xf32, #tpu.memory_space<hbm>>
        tpu.wait_dma2 semaphore(%run_scoped3A : memref<!tpu.dma_semaphore, #tpu.memory_space<semaphore_mem>>) src(%dma_wait3A_112 : memref<8448xf32, #tpu.memory_space<hbm>>) dst(%arg6 : memref<8448xf32, #tpu.memory_space<vmem>>)
        tpu.yield
      }) : () -> ()
      %scan3A_28 = arith.constant 0 : i32
      %scan3A_29 = arith.constant 0 : i32
      %scan3A_30 = arith.constant 528 : i32
      %scan3A_31 = arith.addi %scan3A_29, %scan3A_30 : i32
      %scan3A_32 = arith.constant 1 : i32
      scf.for %scan3A_111 = %scan3A_29 to %scan3A_31 step %scan3A_32  : i32 {
        %mul3A_112 = arith.constant 16 : i32
        %mul3A_113 = arith.muli %scan3A_111, %mul3A_112 : i32
        %get3A = arith.index_cast %mul3A_113 : i32 to index
        %get3A_114 = tpu.vector_load %arg5[%get3A] {strides = array<i32>} : memref<8448xi32, #tpu.memory_space<vmem>>, vector<16xi32>,
        %mul3A_115 = arith.constant 16 : i32
        %mul3A_116 = arith.muli %scan3A_111, %mul3A_115 : i32
        %get3A_117 = arith.index_cast %mul3A_116 : i32 to index
        %get3A_118 = tpu.vector_load %arg6[%get3A_117] {strides = array<i32>} : memref<8448xf32, #tpu.memory_space<vmem>>, vector<16xf32>,
        tpu.vector_store_idx %arg7[%get3A_114], %get3A_118 {add = true} : memref<69768xf32, #tpu.memory_space<vmem>>[vector<16xi32>], vector<16xf32>,
      }
      %scan3A_33 = arith.constant 528 : i32
      %mul3A_34 = arith.constant 67584 : i32
      %mul3A_35 = arith.muli %add3A_6, %mul3A_34 : i32
      %add3A_36 = arith.constant 8448 : i32
      %add3A_37 = arith.addi %mul3A_35, %add3A_36 : i32
      %multiple_of3A_38 = tpu.assume_multiple %add3A_37, 8 : i32
      "tpu.region"() ({
        %run_scoped3A = tpu.sem_alloc : memref<!tpu.dma_semaphore, #tpu.memory_space<semaphore_mem>>
        %dma_start3A = tpu.memref_slice %arg2[%multiple_of3A_38] : memref<4392960xi32, #tpu.memory_space<hbm>> -> memref<8448xi32, #tpu.memory_space<hbm>>
        %dma_start3A_111 = tpu.memref_slice %arg2[%multiple_of3A_38] : memref<4392960xi32, #tpu.memory_space<hbm>> -> memref<8448xi32, #tpu.memory_space<hbm>>
        tpu.enqueue_dma source(%dma_start3A_111 : memref<8448xi32, #tpu.memory_space<hbm>>) target(%arg5 : memref<8448xi32, #tpu.memory_space<vmem>>) target_semaphore(%run_scoped3A : memref<!tpu.dma_semaphore, #tpu.memory_space<semaphore_mem>>)
        %dma_wait3A = tpu.memref_slice %arg2[%multiple_of3A_38] : memref<4392960xi32, #tpu.memory_space<hbm>> -> memref<8448xi32, #tpu.memory_space<hbm>>
        %dma_wait3A_112 = tpu.memref_slice %arg2[%multiple_of3A_38] : memref<4392960xi32, #tpu.memory_space<hbm>> -> memref<8448xi32, #tpu.memory_space<hbm>>
        tpu.wait_dma2 semaphore(%run_scoped3A : memref<!tpu.dma_semaphore, #tpu.memory_space<semaphore_mem>>) src(%dma_wait3A_112 : memref<8448xi32, #tpu.memory_space<hbm>>) dst(%arg5 : memref<8448xi32, #tpu.memory_space<vmem>>)
        tpu.yield
      }) : () -> ()
      "tpu.region"() ({
        %run_scoped3A = tpu.sem_alloc : memref<!tpu.dma_semaphore, #tpu.memory_space<semaphore_mem>>
        %dma_start3A = tpu.memref_slice %arg3[%multiple_of3A_38] : memref<4392960xf32, #tpu.memory_space<hbm>> -> memref<8448xf32, #tpu.memory_space<hbm>>
        %dma_start3A_111 = tpu.memref_slice %arg3[%multiple_of3A_38] : memref<4392960xf32, #tpu.memory_space<hbm>> -> memref<8448xf32, #tpu.memory_space<hbm>>
        tpu.enqueue_dma source(%dma_start3A_111 : memref<8448xf32, #tpu.memory_space<hbm>>) target(%arg6 : memref<8448xf32, #tpu.memory_space<vmem>>) target_semaphore(%run_scoped3A : memref<!tpu.dma_semaphore, #tpu.memory_space<semaphore_mem>>)
        %dma_wait3A = tpu.memref_slice %arg3[%multiple_of3A_38] : memref<4392960xf32, #tpu.memory_space<hbm>> -> memref<8448xf32, #tpu.memory_space<hbm>>
        %dma_wait3A_112 = tpu.memref_slice %arg3[%multiple_of3A_38] : memref<4392960xf32, #tpu.memory_space<hbm>> -> memref<8448xf32, #tpu.memory_space<hbm>>
        tpu.wait_dma2 semaphore(%run_scoped3A : memref<!tpu.dma_semaphore, #tpu.memory_space<semaphore_mem>>) src(%dma_wait3A_112 : memref<8448xf32, #tpu.memory_space<hbm>>) dst(%arg6 : memref<8448xf32, #tpu.memory_space<vmem>>)
        tpu.yield
      }) : () -> ()
      %scan3A_39 = arith.constant 0 : i32
      %scan3A_40 = arith.constant 0 : i32
      %scan3A_41 = arith.constant 528 : i32
      %scan3A_42 = arith.addi %scan3A_40, %scan3A_41 : i32
      %scan3A_43 = arith.constant 1 : i32
      scf.for %scan3A_111 = %scan3A_40 to %scan3A_42 step %scan3A_43  : i32 {
        %mul3A_112 = arith.constant 16 : i32
        %mul3A_113 = arith.muli %scan3A_111, %mul3A_112 : i32
        %get3A = arith.index_cast %mul3A_113 : i32 to index
        %get3A_114 = tpu.vector_load %arg5[%get3A] {strides = array<i32>} : memref<8448xi32, #tpu.memory_space<vmem>>, vector<16xi32>,
        %mul3A_115 = arith.constant 16 : i32
        %mul3A_116 = arith.muli %scan3A_111, %mul3A_115 : i32
        %get3A_117 = arith.index_cast %mul3A_116 : i32 to index
        %get3A_118 = tpu.vector_load %arg6[%get3A_117] {strides = array<i32>} : memref<8448xf32, #tpu.memory_space<vmem>>, vector<16xf32>,
        tpu.vector_store_idx %arg7[%get3A_114], %get3A_118 {add = true} : memref<69768xf32, #tpu.memory_space<vmem>>[vector<16xi32>], vector<16xf32>,
      }
      %scan3A_44 = arith.constant 528 : i32
      %mul3A_45 = arith.constant 67584 : i32
      %mul3A_46 = arith.muli %add3A_6, %mul3A_45 : i32
      %add3A_47 = arith.constant 16896 : i32
      %add3A_48 = arith.addi %mul3A_46, %add3A_47 : i32
      %multiple_of3A_49 = tpu.assume_multiple %add3A_48, 8 : i32
      "tpu.region"() ({
        %run_scoped3A = tpu.sem_alloc : memref<!tpu.dma_semaphore, #tpu.memory_space<semaphore_mem>>
        %dma_start3A = tpu.memref_slice %arg2[%multiple_of3A_49] : memref<4392960xi32, #tpu.memory_space<hbm>> -> memref<8448xi32, #tpu.memory_space<hbm>>
        %dma_start3A_111 = tpu.memref_slice %arg2[%multiple_of3A_49] : memref<4392960xi32, #tpu.memory_space<hbm>> -> memref<8448xi32, #tpu.memory_space<hbm>>
        tpu.enqueue_dma source(%dma_start3A_111 : memref<8448xi32, #tpu.memory_space<hbm>>) target(%arg5 : memref<8448xi32, #tpu.memory_space<vmem>>) target_semaphore(%run_scoped3A : memref<!tpu.dma_semaphore, #tpu.memory_space<semaphore_mem>>)
        %dma_wait3A = tpu.memref_slice %arg2[%multiple_of3A_49] : memref<4392960xi32, #tpu.memory_space<hbm>> -> memref<8448xi32, #tpu.memory_space<hbm>>
        %dma_wait3A_112 = tpu.memref_slice %arg2[%multiple_of3A_49] : memref<4392960xi32, #tpu.memory_space<hbm>> -> memref<8448xi32, #tpu.memory_space<hbm>>
        tpu.wait_dma2 semaphore(%run_scoped3A : memref<!tpu.dma_semaphore, #tpu.memory_space<semaphore_mem>>) src(%dma_wait3A_112 : memref<8448xi32, #tpu.memory_space<hbm>>) dst(%arg5 : memref<8448xi32, #tpu.memory_space<vmem>>)
        tpu.yield
      }) : () -> ()
      "tpu.region"() ({
        %run_scoped3A = tpu.sem_alloc : memref<!tpu.dma_semaphore, #tpu.memory_space<semaphore_mem>>
        %dma_start3A = tpu.memref_slice %arg3[%multiple_of3A_49] : memref<4392960xf32, #tpu.memory_space<hbm>> -> memref<8448xf32, #tpu.memory_space<hbm>>
        %dma_start3A_111 = tpu.memref_slice %arg3[%multiple_of3A_49] : memref<4392960xf32, #tpu.memory_space<hbm>> -> memref<8448xf32, #tpu.memory_space<hbm>>
        tpu.enqueue_dma source(%dma_start3A_111 : memref<8448xf32, #tpu.memory_space<hbm>>) target(%arg6 : memref<8448xf32, #tpu.memory_space<vmem>>) target_semaphore(%run_scoped3A : memref<!tpu.dma_semaphore, #tpu.memory_space<semaphore_mem>>)
        %dma_wait3A = tpu.memref_slice %arg3[%multiple_of3A_49] : memref<4392960xf32, #tpu.memory_space<hbm>> -> memref<8448xf32, #tpu.memory_space<hbm>>
        %dma_wait3A_112 = tpu.memref_slice %arg3[%multiple_of3A_49] : memref<4392960xf32, #tpu.memory_space<hbm>> -> memref<8448xf32, #tpu.memory_space<hbm>>
        tpu.wait_dma2 semaphore(%run_scoped3A : memref<!tpu.dma_semaphore, #tpu.memory_space<semaphore_mem>>) src(%dma_wait3A_112 : memref<8448xf32, #tpu.memory_space<hbm>>) dst(%arg6 : memref<8448xf32, #tpu.memory_space<vmem>>)
        tpu.yield
      }) : () -> ()
      %scan3A_50 = arith.constant 0 : i32
      %scan3A_51 = arith.constant 0 : i32
      %scan3A_52 = arith.constant 528 : i32
      %scan3A_53 = arith.addi %scan3A_51, %scan3A_52 : i32
      %scan3A_54 = arith.constant 1 : i32
      scf.for %scan3A_111 = %scan3A_51 to %scan3A_53 step %scan3A_54  : i32 {
        %mul3A_112 = arith.constant 16 : i32
        %mul3A_113 = arith.muli %scan3A_111, %mul3A_112 : i32
        %get3A = arith.index_cast %mul3A_113 : i32 to index
        %get3A_114 = tpu.vector_load %arg5[%get3A] {strides = array<i32>} : memref<8448xi32, #tpu.memory_space<vmem>>, vector<16xi32>,
        %mul3A_115 = arith.constant 16 : i32
        %mul3A_116 = arith.muli %scan3A_111, %mul3A_115 : i32
        %get3A_117 = arith.index_cast %mul3A_116 : i32 to index
        %get3A_118 = tpu.vector_load %arg6[%get3A_117] {strides = array<i32>} : memref<8448xf32, #tpu.memory_space<vmem>>, vector<16xf32>,
        tpu.vector_store_idx %arg7[%get3A_114], %get3A_118 {add = true} : memref<69768xf32, #tpu.memory_space<vmem>>[vector<16xi32>], vector<16xf32>,
      }
      %scan3A_55 = arith.constant 528 : i32
      %mul3A_56 = arith.constant 67584 : i32
      %mul3A_57 = arith.muli %add3A_6, %mul3A_56 : i32
      %add3A_58 = arith.constant 25344 : i32
      %add3A_59 = arith.addi %mul3A_57, %add3A_58 : i32
      %multiple_of3A_60 = tpu.assume_multiple %add3A_59, 8 : i32
      "tpu.region"() ({
        %run_scoped3A = tpu.sem_alloc : memref<!tpu.dma_semaphore, #tpu.memory_space<semaphore_mem>>
        %dma_start3A = tpu.memref_slice %arg2[%multiple_of3A_60] : memref<4392960xi32, #tpu.memory_space<hbm>> -> memref<8448xi32, #tpu.memory_space<hbm>>
        %dma_start3A_111 = tpu.memref_slice %arg2[%multiple_of3A_60] : memref<4392960xi32, #tpu.memory_space<hbm>> -> memref<8448xi32, #tpu.memory_space<hbm>>
        tpu.enqueue_dma source(%dma_start3A_111 : memref<8448xi32, #tpu.memory_space<hbm>>) target(%arg5 : memref<8448xi32, #tpu.memory_space<vmem>>) target_semaphore(%run_scoped3A : memref<!tpu.dma_semaphore, #tpu.memory_space<semaphore_mem>>)
        %dma_wait3A = tpu.memref_slice %arg2[%multiple_of3A_60] : memref<4392960xi32, #tpu.memory_space<hbm>> -> memref<8448xi32, #tpu.memory_space<hbm>>
        %dma_wait3A_112 = tpu.memref_slice %arg2[%multiple_of3A_60] : memref<4392960xi32, #tpu.memory_space<hbm>> -> memref<8448xi32, #tpu.memory_space<hbm>>
        tpu.wait_dma2 semaphore(%run_scoped3A : memref<!tpu.dma_semaphore, #tpu.memory_space<semaphore_mem>>) src(%dma_wait3A_112 : memref<8448xi32, #tpu.memory_space<hbm>>) dst(%arg5 : memref<8448xi32, #tpu.memory_space<vmem>>)
        tpu.yield
      }) : () -> ()
      "tpu.region"() ({
        %run_scoped3A = tpu.sem_alloc : memref<!tpu.dma_semaphore, #tpu.memory_space<semaphore_mem>>
        %dma_start3A = tpu.memref_slice %arg3[%multiple_of3A_60] : memref<4392960xf32, #tpu.memory_space<hbm>> -> memref<8448xf32, #tpu.memory_space<hbm>>
        %dma_start3A_111 = tpu.memref_slice %arg3[%multiple_of3A_60] : memref<4392960xf32, #tpu.memory_space<hbm>> -> memref<8448xf32, #tpu.memory_space<hbm>>
        tpu.enqueue_dma source(%dma_start3A_111 : memref<8448xf32, #tpu.memory_space<hbm>>) target(%arg6 : memref<8448xf32, #tpu.memory_space<vmem>>) target_semaphore(%run_scoped3A : memref<!tpu.dma_semaphore, #tpu.memory_space<semaphore_mem>>)
        %dma_wait3A = tpu.memref_slice %arg3[%multiple_of3A_60] : memref<4392960xf32, #tpu.memory_space<hbm>> -> memref<8448xf32, #tpu.memory_space<hbm>>
        %dma_wait3A_112 = tpu.memref_slice %arg3[%multiple_of3A_60] : memref<4392960xf32, #tpu.memory_space<hbm>> -> memref<8448xf32, #tpu.memory_space<hbm>>
        tpu.wait_dma2 semaphore(%run_scoped3A : memref<!tpu.dma_semaphore, #tpu.memory_space<semaphore_mem>>) src(%dma_wait3A_112 : memref<8448xf32, #tpu.memory_space<hbm>>) dst(%arg6 : memref<8448xf32, #tpu.memory_space<vmem>>)
        tpu.yield
      }) : () -> ()
      %scan3A_61 = arith.constant 0 : i32
      %scan3A_62 = arith.constant 0 : i32
      %scan3A_63 = arith.constant 528 : i32
      %scan3A_64 = arith.addi %scan3A_62, %scan3A_63 : i32
      %scan3A_65 = arith.constant 1 : i32
      scf.for %scan3A_111 = %scan3A_62 to %scan3A_64 step %scan3A_65  : i32 {
        %mul3A_112 = arith.constant 16 : i32
        %mul3A_113 = arith.muli %scan3A_111, %mul3A_112 : i32
        %get3A = arith.index_cast %mul3A_113 : i32 to index
        %get3A_114 = tpu.vector_load %arg5[%get3A] {strides = array<i32>} : memref<8448xi32, #tpu.memory_space<vmem>>, vector<16xi32>,
        %mul3A_115 = arith.constant 16 : i32
        %mul3A_116 = arith.muli %scan3A_111, %mul3A_115 : i32
        %get3A_117 = arith.index_cast %mul3A_116 : i32 to index
        %get3A_118 = tpu.vector_load %arg6[%get3A_117] {strides = array<i32>} : memref<8448xf32, #tpu.memory_space<vmem>>, vector<16xf32>,
        tpu.vector_store_idx %arg7[%get3A_114], %get3A_118 {add = true} : memref<69768xf32, #tpu.memory_space<vmem>>[vector<16xi32>], vector<16xf32>,
      }
      %scan3A_66 = arith.constant 528 : i32
      %mul3A_67 = arith.constant 67584 : i32
      %mul3A_68 = arith.muli %add3A_6, %mul3A_67 : i32
      %add3A_69 = arith.constant 33792 : i32
      %add3A_70 = arith.addi %mul3A_68, %add3A_69 : i32
      %multiple_of3A_71 = tpu.assume_multiple %add3A_70, 8 : i32
      "tpu.region"() ({
        %run_scoped3A = tpu.sem_alloc : memref<!tpu.dma_semaphore, #tpu.memory_space<semaphore_mem>>
        %dma_start3A = tpu.memref_slice %arg2[%multiple_of3A_71] : memref<4392960xi32, #tpu.memory_space<hbm>> -> memref<8448xi32, #tpu.memory_space<hbm>>
        %dma_start3A_111 = tpu.memref_slice %arg2[%multiple_of3A_71] : memref<4392960xi32, #tpu.memory_space<hbm>> -> memref<8448xi32, #tpu.memory_space<hbm>>
        tpu.enqueue_dma source(%dma_start3A_111 : memref<8448xi32, #tpu.memory_space<hbm>>) target(%arg5 : memref<8448xi32, #tpu.memory_space<vmem>>) target_semaphore(%run_scoped3A : memref<!tpu.dma_semaphore, #tpu.memory_space<semaphore_mem>>)
        %dma_wait3A = tpu.memref_slice %arg2[%multiple_of3A_71] : memref<4392960xi32, #tpu.memory_space<hbm>> -> memref<8448xi32, #tpu.memory_space<hbm>>
        %dma_wait3A_112 = tpu.memref_slice %arg2[%multiple_of3A_71] : memref<4392960xi32, #tpu.memory_space<hbm>> -> memref<8448xi32, #tpu.memory_space<hbm>>
        tpu.wait_dma2 semaphore(%run_scoped3A : memref<!tpu.dma_semaphore, #tpu.memory_space<semaphore_mem>>) src(%dma_wait3A_112 : memref<8448xi32, #tpu.memory_space<hbm>>) dst(%arg5 : memref<8448xi32, #tpu.memory_space<vmem>>)
        tpu.yield
      }) : () -> ()
      "tpu.region"() ({
        %run_scoped3A = tpu.sem_alloc : memref<!tpu.dma_semaphore, #tpu.memory_space<semaphore_mem>>
        %dma_start3A = tpu.memref_slice %arg3[%multiple_of3A_71] : memref<4392960xf32, #tpu.memory_space<hbm>> -> memref<8448xf32, #tpu.memory_space<hbm>>
        %dma_start3A_111 = tpu.memref_slice %arg3[%multiple_of3A_71] : memref<4392960xf32, #tpu.memory_space<hbm>> -> memref<8448xf32, #tpu.memory_space<hbm>>
        tpu.enqueue_dma source(%dma_start3A_111 : memref<8448xf32, #tpu.memory_space<hbm>>) target(%arg6 : memref<8448xf32, #tpu.memory_space<vmem>>) target_semaphore(%run_scoped3A : memref<!tpu.dma_semaphore, #tpu.memory_space<semaphore_mem>>)
        %dma_wait3A = tpu.memref_slice %arg3[%multiple_of3A_71] : memref<4392960xf32, #tpu.memory_space<hbm>> -> memref<8448xf32, #tpu.memory_space<hbm>>
        %dma_wait3A_112 = tpu.memref_slice %arg3[%multiple_of3A_71] : memref<4392960xf32, #tpu.memory_space<hbm>> -> memref<8448xf32, #tpu.memory_space<hbm>>
        tpu.wait_dma2 semaphore(%run_scoped3A : memref<!tpu.dma_semaphore, #tpu.memory_space<semaphore_mem>>) src(%dma_wait3A_112 : memref<8448xf32, #tpu.memory_space<hbm>>) dst(%arg6 : memref<8448xf32, #tpu.memory_space<vmem>>)
        tpu.yield
      }) : () -> ()
      %scan3A_72 = arith.constant 0 : i32
      %scan3A_73 = arith.constant 0 : i32
      %scan3A_74 = arith.constant 528 : i32
      %scan3A_75 = arith.addi %scan3A_73, %scan3A_74 : i32
      %scan3A_76 = arith.constant 1 : i32
      scf.for %scan3A_111 = %scan3A_73 to %scan3A_75 step %scan3A_76  : i32 {
        %mul3A_112 = arith.constant 16 : i32
        %mul3A_113 = arith.muli %scan3A_111, %mul3A_112 : i32
        %get3A = arith.index_cast %mul3A_113 : i32 to index
        %get3A_114 = tpu.vector_load %arg5[%get3A] {strides = array<i32>} : memref<8448xi32, #tpu.memory_space<vmem>>, vector<16xi32>,
        %mul3A_115 = arith.constant 16 : i32
        %mul3A_116 = arith.muli %scan3A_111, %mul3A_115 : i32
        %get3A_117 = arith.index_cast %mul3A_116 : i32 to index
        %get3A_118 = tpu.vector_load %arg6[%get3A_117] {strides = array<i32>} : memref<8448xf32, #tpu.memory_space<vmem>>, vector<16xf32>,
        tpu.vector_store_idx %arg7[%get3A_114], %get3A_118 {add = true} : memref<69768xf32, #tpu.memory_space<vmem>>[vector<16xi32>], vector<16xf32>,
      }
      %scan3A_77 = arith.constant 528 : i32
      %mul3A_78 = arith.constant 67584 : i32
      %mul3A_79 = arith.muli %add3A_6, %mul3A_78 : i32
      %add3A_80 = arith.constant 42240 : i32
      %add3A_81 = arith.addi %mul3A_79, %add3A_80 : i32
      %multiple_of3A_82 = tpu.assume_multiple %add3A_81, 8 : i32
      "tpu.region"() ({
        %run_scoped3A = tpu.sem_alloc : memref<!tpu.dma_semaphore, #tpu.memory_space<semaphore_mem>>
        %dma_start3A = tpu.memref_slice %arg2[%multiple_of3A_82] : memref<4392960xi32, #tpu.memory_space<hbm>> -> memref<8448xi32, #tpu.memory_space<hbm>>
        %dma_start3A_111 = tpu.memref_slice %arg2[%multiple_of3A_82] : memref<4392960xi32, #tpu.memory_space<hbm>> -> memref<8448xi32, #tpu.memory_space<hbm>>
        tpu.enqueue_dma source(%dma_start3A_111 : memref<8448xi32, #tpu.memory_space<hbm>>) target(%arg5 : memref<8448xi32, #tpu.memory_space<vmem>>) target_semaphore(%run_scoped3A : memref<!tpu.dma_semaphore, #tpu.memory_space<semaphore_mem>>)
        %dma_wait3A = tpu.memref_slice %arg2[%multiple_of3A_82] : memref<4392960xi32, #tpu.memory_space<hbm>> -> memref<8448xi32, #tpu.memory_space<hbm>>
        %dma_wait3A_112 = tpu.memref_slice %arg2[%multiple_of3A_82] : memref<4392960xi32, #tpu.memory_space<hbm>> -> memref<8448xi32, #tpu.memory_space<hbm>>
        tpu.wait_dma2 semaphore(%run_scoped3A : memref<!tpu.dma_semaphore, #tpu.memory_space<semaphore_mem>>) src(%dma_wait3A_112 : memref<8448xi32, #tpu.memory_space<hbm>>) dst(%arg5 : memref<8448xi32, #tpu.memory_space<vmem>>)
        tpu.yield
      }) : () -> ()
      "tpu.region"() ({
        %run_scoped3A = tpu.sem_alloc : memref<!tpu.dma_semaphore, #tpu.memory_space<semaphore_mem>>
        %dma_start3A = tpu.memref_slice %arg3[%multiple_of3A_82] : memref<4392960xf32, #tpu.memory_space<hbm>> -> memref<8448xf32, #tpu.memory_space<hbm>>
        %dma_start3A_111 = tpu.memref_slice %arg3[%multiple_of3A_82] : memref<4392960xf32, #tpu.memory_space<hbm>> -> memref<8448xf32, #tpu.memory_space<hbm>>
        tpu.enqueue_dma source(%dma_start3A_111 : memref<8448xf32, #tpu.memory_space<hbm>>) target(%arg6 : memref<8448xf32, #tpu.memory_space<vmem>>) target_semaphore(%run_scoped3A : memref<!tpu.dma_semaphore, #tpu.memory_space<semaphore_mem>>)
        %dma_wait3A = tpu.memref_slice %arg3[%multiple_of3A_82] : memref<4392960xf32, #tpu.memory_space<hbm>> -> memref<8448xf32, #tpu.memory_space<hbm>>
        %dma_wait3A_112 = tpu.memref_slice %arg3[%multiple_of3A_82] : memref<4392960xf32, #tpu.memory_space<hbm>> -> memref<8448xf32, #tpu.memory_space<hbm>>
        tpu.wait_dma2 semaphore(%run_scoped3A : memref<!tpu.dma_semaphore, #tpu.memory_space<semaphore_mem>>) src(%dma_wait3A_112 : memref<8448xf32, #tpu.memory_space<hbm>>) dst(%arg6 : memref<8448xf32, #tpu.memory_space<vmem>>)
        tpu.yield
      }) : () -> ()
      %scan3A_83 = arith.constant 0 : i32
      %scan3A_84 = arith.constant 0 : i32
      %scan3A_85 = arith.constant 528 : i32
      %scan3A_86 = arith.addi %scan3A_84, %scan3A_85 : i32
      %scan3A_87 = arith.constant 1 : i32
      scf.for %scan3A_111 = %scan3A_84 to %scan3A_86 step %scan3A_87  : i32 {
        %mul3A_112 = arith.constant 16 : i32
        %mul3A_113 = arith.muli %scan3A_111, %mul3A_112 : i32
        %get3A = arith.index_cast %mul3A_113 : i32 to index
        %get3A_114 = tpu.vector_load %arg5[%get3A] {strides = array<i32>} : memref<8448xi32, #tpu.memory_space<vmem>>, vector<16xi32>,
        %mul3A_115 = arith.constant 16 : i32
        %mul3A_116 = arith.muli %scan3A_111, %mul3A_115 : i32
        %get3A_117 = arith.index_cast %mul3A_116 : i32 to index
        %get3A_118 = tpu.vector_load %arg6[%get3A_117] {strides = array<i32>} : memref<8448xf32, #tpu.memory_space<vmem>>, vector<16xf32>,
        tpu.vector_store_idx %arg7[%get3A_114], %get3A_118 {add = true} : memref<69768xf32, #tpu.memory_space<vmem>>[vector<16xi32>], vector<16xf32>,
      }
      %scan3A_88 = arith.constant 528 : i32
      %mul3A_89 = arith.constant 67584 : i32
      %mul3A_90 = arith.muli %add3A_6, %mul3A_89 : i32
      %add3A_91 = arith.constant 50688 : i32
      %add3A_92 = arith.addi %mul3A_90, %add3A_91 : i32
      %multiple_of3A_93 = tpu.assume_multiple %add3A_92, 8 : i32
      "tpu.region"() ({
        %run_scoped3A = tpu.sem_alloc : memref<!tpu.dma_semaphore, #tpu.memory_space<semaphore_mem>>
        %dma_start3A = tpu.memref_slice %arg2[%multiple_of3A_93] : memref<4392960xi32, #tpu.memory_space<hbm>> -> memref<8448xi32, #tpu.memory_space<hbm>>
        %dma_start3A_111 = tpu.memref_slice %arg2[%multiple_of3A_93] : memref<4392960xi32, #tpu.memory_space<hbm>> -> memref<8448xi32, #tpu.memory_space<hbm>>
        tpu.enqueue_dma source(%dma_start3A_111 : memref<8448xi32, #tpu.memory_space<hbm>>) target(%arg5 : memref<8448xi32, #tpu.memory_space<vmem>>) target_semaphore(%run_scoped3A : memref<!tpu.dma_semaphore, #tpu.memory_space<semaphore_mem>>)
        %dma_wait3A = tpu.memref_slice %arg2[%multiple_of3A_93] : memref<4392960xi32, #tpu.memory_space<hbm>> -> memref<8448xi32, #tpu.memory_space<hbm>>
        %dma_wait3A_112 = tpu.memref_slice %arg2[%multiple_of3A_93] : memref<4392960xi32, #tpu.memory_space<hbm>> -> memref<8448xi32, #tpu.memory_space<hbm>>
        tpu.wait_dma2 semaphore(%run_scoped3A : memref<!tpu.dma_semaphore, #tpu.memory_space<semaphore_mem>>) src(%dma_wait3A_112 : memref<8448xi32, #tpu.memory_space<hbm>>) dst(%arg5 : memref<8448xi32, #tpu.memory_space<vmem>>)
        tpu.yield
      }) : () -> ()
      "tpu.region"() ({
        %run_scoped3A = tpu.sem_alloc : memref<!tpu.dma_semaphore, #tpu.memory_space<semaphore_mem>>
        %dma_start3A = tpu.memref_slice %arg3[%multiple_of3A_93] : memref<4392960xf32, #tpu.memory_space<hbm>> -> memref<8448xf32, #tpu.memory_space<hbm>>
        %dma_start3A_111 = tpu.memref_slice %arg3[%multiple_of3A_93] : memref<4392960xf32, #tpu.memory_space<hbm>> -> memref<8448xf32, #tpu.memory_space<hbm>>
        tpu.enqueue_dma source(%dma_start3A_111 : memref<8448xf32, #tpu.memory_space<hbm>>) target(%arg6 : memref<8448xf32, #tpu.memory_space<vmem>>) target_semaphore(%run_scoped3A : memref<!tpu.dma_semaphore, #tpu.memory_space<semaphore_mem>>)
        %dma_wait3A = tpu.memref_slice %arg3[%multiple_of3A_93] : memref<4392960xf32, #tpu.memory_space<hbm>> -> memref<8448xf32, #tpu.memory_space<hbm>>
        %dma_wait3A_112 = tpu.memref_slice %arg3[%multiple_of3A_93] : memref<4392960xf32, #tpu.memory_space<hbm>> -> memref<8448xf32, #tpu.memory_space<hbm>>
        tpu.wait_dma2 semaphore(%run_scoped3A : memref<!tpu.dma_semaphore, #tpu.memory_space<semaphore_mem>>) src(%dma_wait3A_112 : memref<8448xf32, #tpu.memory_space<hbm>>) dst(%arg6 : memref<8448xf32, #tpu.memory_space<vmem>>)
        tpu.yield
      }) : () -> ()
      %scan3A_94 = arith.constant 0 : i32
      %scan3A_95 = arith.constant 0 : i32
      %scan3A_96 = arith.constant 528 : i32
      %scan3A_97 = arith.addi %scan3A_95, %scan3A_96 : i32
      %scan3A_98 = arith.constant 1 : i32
      scf.for %scan3A_111 = %scan3A_95 to %scan3A_97 step %scan3A_98  : i32 {
        %mul3A_112 = arith.constant 16 : i32
        %mul3A_113 = arith.muli %scan3A_111, %mul3A_112 : i32
        %get3A = arith.index_cast %mul3A_113 : i32 to index
        %get3A_114 = tpu.vector_load %arg5[%get3A] {strides = array<i32>} : memref<8448xi32, #tpu.memory_space<vmem>>, vector<16xi32>,
        %mul3A_115 = arith.constant 16 : i32
        %mul3A_116 = arith.muli %scan3A_111, %mul3A_115 : i32
        %get3A_117 = arith.index_cast %mul3A_116 : i32 to index
        %get3A_118 = tpu.vector_load %arg6[%get3A_117] {strides = array<i32>} : memref<8448xf32, #tpu.memory_space<vmem>>, vector<16xf32>,
        tpu.vector_store_idx %arg7[%get3A_114], %get3A_118 {add = true} : memref<69768xf32, #tpu.memory_space<vmem>>[vector<16xi32>], vector<16xf32>,
      }
      %scan3A_99 = arith.constant 528 : i32
      %mul3A_100 = arith.constant 67584 : i32
      %mul3A_101 = arith.muli %add3A_6, %mul3A_100 : i32
      %add3A_102 = arith.constant 59136 : i32
      %add3A_103 = arith.addi %mul3A_101, %add3A_102 : i32
      %multiple_of3A_104 = tpu.assume_multiple %add3A_103, 8 : i32
      "tpu.region"() ({
        %run_scoped3A = tpu.sem_alloc : memref<!tpu.dma_semaphore, #tpu.memory_space<semaphore_mem>>
        %dma_start3A = tpu.memref_slice %arg2[%multiple_of3A_104] : memref<4392960xi32, #tpu.memory_space<hbm>> -> memref<8448xi32, #tpu.memory_space<hbm>>
        %dma_start3A_111 = tpu.memref_slice %arg2[%multiple_of3A_104] : memref<4392960xi32, #tpu.memory_space<hbm>> -> memref<8448xi32, #tpu.memory_space<hbm>>
        tpu.enqueue_dma source(%dma_start3A_111 : memref<8448xi32, #tpu.memory_space<hbm>>) target(%arg5 : memref<8448xi32, #tpu.memory_space<vmem>>) target_semaphore(%run_scoped3A : memref<!tpu.dma_semaphore, #tpu.memory_space<semaphore_mem>>)
        %dma_wait3A = tpu.memref_slice %arg2[%multiple_of3A_104] : memref<4392960xi32, #tpu.memory_space<hbm>> -> memref<8448xi32, #tpu.memory_space<hbm>>
        %dma_wait3A_112 = tpu.memref_slice %arg2[%multiple_of3A_104] : memref<4392960xi32, #tpu.memory_space<hbm>> -> memref<8448xi32, #tpu.memory_space<hbm>>
        tpu.wait_dma2 semaphore(%run_scoped3A : memref<!tpu.dma_semaphore, #tpu.memory_space<semaphore_mem>>) src(%dma_wait3A_112 : memref<8448xi32, #tpu.memory_space<hbm>>) dst(%arg5 : memref<8448xi32, #tpu.memory_space<vmem>>)
        tpu.yield
      }) : () -> ()
      "tpu.region"() ({
        %run_scoped3A = tpu.sem_alloc : memref<!tpu.dma_semaphore, #tpu.memory_space<semaphore_mem>>
        %dma_start3A = tpu.memref_slice %arg3[%multiple_of3A_104] : memref<4392960xf32, #tpu.memory_space<hbm>> -> memref<8448xf32, #tpu.memory_space<hbm>>
        %dma_start3A_111 = tpu.memref_slice %arg3[%multiple_of3A_104] : memref<4392960xf32, #tpu.memory_space<hbm>> -> memref<8448xf32, #tpu.memory_space<hbm>>
        tpu.enqueue_dma source(%dma_start3A_111 : memref<8448xf32, #tpu.memory_space<hbm>>) target(%arg6 : memref<8448xf32, #tpu.memory_space<vmem>>) target_semaphore(%run_scoped3A : memref<!tpu.dma_semaphore, #tpu.memory_space<semaphore_mem>>)
        %dma_wait3A = tpu.memref_slice %arg3[%multiple_of3A_104] : memref<4392960xf32, #tpu.memory_space<hbm>> -> memref<8448xf32, #tpu.memory_space<hbm>>
        %dma_wait3A_112 = tpu.memref_slice %arg3[%multiple_of3A_104] : memref<4392960xf32, #tpu.memory_space<hbm>> -> memref<8448xf32, #tpu.memory_space<hbm>>
        tpu.wait_dma2 semaphore(%run_scoped3A : memref<!tpu.dma_semaphore, #tpu.memory_space<semaphore_mem>>) src(%dma_wait3A_112 : memref<8448xf32, #tpu.memory_space<hbm>>) dst(%arg6 : memref<8448xf32, #tpu.memory_space<vmem>>)
        tpu.yield
      }) : () -> ()
      %scan3A_105 = arith.constant 0 : i32
      %scan3A_106 = arith.constant 0 : i32
      %scan3A_107 = arith.constant 528 : i32
      %scan3A_108 = arith.addi %scan3A_106, %scan3A_107 : i32
      %scan3A_109 = arith.constant 1 : i32
      scf.for %scan3A_111 = %scan3A_106 to %scan3A_108 step %scan3A_109  : i32 {
        %mul3A_112 = arith.constant 16 : i32
        %mul3A_113 = arith.muli %scan3A_111, %mul3A_112 : i32
        %get3A = arith.index_cast %mul3A_113 : i32 to index
        %get3A_114 = tpu.vector_load %arg5[%get3A] {strides = array<i32>} : memref<8448xi32, #tpu.memory_space<vmem>>, vector<16xi32>,
        %mul3A_115 = arith.constant 16 : i32
        %mul3A_116 = arith.muli %scan3A_111, %mul3A_115 : i32
        %get3A_117 = arith.index_cast %mul3A_116 : i32 to index
        %get3A_118 = tpu.vector_load %arg6[%get3A_117] {strides = array<i32>} : memref<8448xf32, #tpu.memory_space<vmem>>, vector<16xf32>,
        tpu.vector_store_idx %arg7[%get3A_114], %get3A_118 {add = true} : memref<69768xf32, #tpu.memory_space<vmem>>[vector<16xi32>], vector<16xf32>,
      }
      %scan3A_110 = arith.constant 528 : i32
      "tpu.region"() ({
        %run_scoped3A = tpu.sem_alloc : memref<!tpu.dma_semaphore, #tpu.memory_space<semaphore_mem>>
        %dma_start3A = arith.constant 0 : i32
        %dma_start3A_111 = tpu.memref_slice %arg4[%add3A_6, %dma_start3A] : memref<65x69768xf32, #tpu.memory_space<hbm>> -> memref<1x69768xf32, #tpu.memory_space<hbm>>
        %dma_start3A_112 = tpu.memref_squeeze %dma_start3A_111 : memref<1x69768xf32, #tpu.memory_space<hbm>> -> memref<69768xf32, #tpu.memory_space<hbm>>
        %dma_start3A_113 = arith.constant 0 : i32
        %dma_start3A_114 = tpu.memref_slice %arg4[%add3A_6, %dma_start3A_113] : memref<65x69768xf32, #tpu.memory_space<hbm>> -> memref<1x69768xf32, #tpu.memory_space<hbm>>
        %dma_start3A_115 = tpu.memref_squeeze %dma_start3A_114 : memref<1x69768xf32, #tpu.memory_space<hbm>> -> memref<69768xf32, #tpu.memory_space<hbm>>
        tpu.enqueue_dma source(%arg7 : memref<69768xf32, #tpu.memory_space<vmem>>) target(%dma_start3A_115 : memref<69768xf32, #tpu.memory_space<hbm>>) target_semaphore(%run_scoped3A : memref<!tpu.dma_semaphore, #tpu.memory_space<semaphore_mem>>)
        %dma_wait3A = arith.constant 0 : i32
        %dma_wait3A_116 = tpu.memref_slice %arg4[%add3A_6, %dma_wait3A] : memref<65x69768xf32, #tpu.memory_space<hbm>> -> memref<1x69768xf32, #tpu.memory_space<hbm>>
        %dma_wait3A_117 = tpu.memref_squeeze %dma_wait3A_116 : memref<1x69768xf32, #tpu.memory_space<hbm>> -> memref<69768xf32, #tpu.memory_space<hbm>>
        %dma_wait3A_118 = arith.constant 0 : i32
        %dma_wait3A_119 = tpu.memref_slice %arg4[%add3A_6, %dma_wait3A_118] : memref<65x69768xf32, #tpu.memory_space<hbm>> -> memref<1x69768xf32, #tpu.memory_space<hbm>>
        %dma_wait3A_120 = tpu.memref_squeeze %dma_wait3A_119 : memref<1x69768xf32, #tpu.memory_space<hbm>> -> memref<69768xf32, #tpu.memory_space<hbm>>
        tpu.wait_dma2 semaphore(%run_scoped3A : memref<!tpu.dma_semaphore, #tpu.memory_space<semaphore_mem>>) src(%arg7 : memref<69768xf32, #tpu.memory_space<vmem>>) dst(%dma_wait3A_120 : memref<69768xf32, #tpu.memory_space<hbm>>)
        tpu.yield
      }) : () -> ()
    } else {
    }
    %add3A_12 = arith.constant 64 : i32
    %add3A_13 = arith.addi %add3A_12, %add3A : i32
    %lt3A_14 = arith.constant 65 : i32
    %lt3A_15 = arith.cmpi slt, %add3A_13, %lt3A_14 : i32
    %convert_element_type3A_16 = arith.extui %lt3A_15 : i1 to i32
    %cond3A_17 = arith.constant 0 : i32
    %cond3A_18 = arith.cmpi ne, %convert_element_type3A_16, %cond3A_17 : i32
    scf.if %cond3A_18 {
      %scan3A = arith.constant 0 : i32
      %scan3A_19 = arith.constant 0 : i32
      %scan3A_20 = arith.constant 4360 : i32
      %scan3A_21 = arith.addi %scan3A_19, %scan3A_20 : i32
      %scan3A_22 = arith.constant 1 : i32
      scf.for %scan3A_111 = %scan3A_19 to %scan3A_21 step %scan3A_22  : i32 {
        %broadcast_in_dim3A = arith.constant 0.000000e+00 : f32
        %broadcast_in_dim3A_112 = vector.broadcast %broadcast_in_dim3A : f32 to vector<16xf32>
        %mul3A_113 = arith.constant 16 : i32
        %mul3A_114 = arith.muli %scan3A_111, %mul3A_113 : i32
        %swap3A = arith.index_cast %mul3A_114 : i32 to index
        %swap3A_115 = tpu.vector_load %arg7[%swap3A] {strides = array<i32>} : memref<69768xf32, #tpu.memory_space<vmem>>, vector<16xf32>,
        tpu.vector_store %arg7[%swap3A], %broadcast_in_dim3A_112 {strides = array<i32>} : memref<69768xf32, #tpu.memory_space<vmem>>, vector<16xf32>,
      }
      %scan3A_23 = arith.constant 4360 : i32
      %mul3A_24 = arith.constant 67584 : i32
      %mul3A_25 = arith.muli %add3A_13, %mul3A_24 : i32
      %add3A_26 = arith.constant 0 : i32
      %add3A_27 = arith.addi %mul3A_25, %add3A_26 : i32
      %multiple_of3A = tpu.assume_multiple %add3A_27, 8 : i32
      "tpu.region"() ({
        %run_scoped3A = tpu.sem_alloc : memref<!tpu.dma_semaphore, #tpu.memory_space<semaphore_mem>>
        %dma_start3A = tpu.memref_slice %arg2[%multiple_of3A] : memref<4392960xi32, #tpu.memory_space<hbm>> -> memref<8448xi32, #tpu.memory_space<hbm>>
        %dma_start3A_111 = tpu.memref_slice %arg2[%multiple_of3A] : memref<4392960xi32, #tpu.memory_space<hbm>> -> memref<8448xi32, #tpu.memory_space<hbm>>
        tpu.enqueue_dma source(%dma_start3A_111 : memref<8448xi32, #tpu.memory_space<hbm>>) target(%arg5 : memref<8448xi32, #tpu.memory_space<vmem>>) target_semaphore(%run_scoped3A : memref<!tpu.dma_semaphore, #tpu.memory_space<semaphore_mem>>)
        %dma_wait3A = tpu.memref_slice %arg2[%multiple_of3A] : memref<4392960xi32, #tpu.memory_space<hbm>> -> memref<8448xi32, #tpu.memory_space<hbm>>
        %dma_wait3A_112 = tpu.memref_slice %arg2[%multiple_of3A] : memref<4392960xi32, #tpu.memory_space<hbm>> -> memref<8448xi32, #tpu.memory_space<hbm>>
        tpu.wait_dma2 semaphore(%run_scoped3A : memref<!tpu.dma_semaphore, #tpu.memory_space<semaphore_mem>>) src(%dma_wait3A_112 : memref<8448xi32, #tpu.memory_space<hbm>>) dst(%arg5 : memref<8448xi32, #tpu.memory_space<vmem>>)
        tpu.yield
      }) : () -> ()
      "tpu.region"() ({
        %run_scoped3A = tpu.sem_alloc : memref<!tpu.dma_semaphore, #tpu.memory_space<semaphore_mem>>
        %dma_start3A = tpu.memref_slice %arg3[%multiple_of3A] : memref<4392960xf32, #tpu.memory_space<hbm>> -> memref<8448xf32, #tpu.memory_space<hbm>>
        %dma_start3A_111 = tpu.memref_slice %arg3[%multiple_of3A] : memref<4392960xf32, #tpu.memory_space<hbm>> -> memref<8448xf32, #tpu.memory_space<hbm>>
        tpu.enqueue_dma source(%dma_start3A_111 : memref<8448xf32, #tpu.memory_space<hbm>>) target(%arg6 : memref<8448xf32, #tpu.memory_space<vmem>>) target_semaphore(%run_scoped3A : memref<!tpu.dma_semaphore, #tpu.memory_space<semaphore_mem>>)
        %dma_wait3A = tpu.memref_slice %arg3[%multiple_of3A] : memref<4392960xf32, #tpu.memory_space<hbm>> -> memref<8448xf32, #tpu.memory_space<hbm>>
        %dma_wait3A_112 = tpu.memref_slice %arg3[%multiple_of3A] : memref<4392960xf32, #tpu.memory_space<hbm>> -> memref<8448xf32, #tpu.memory_space<hbm>>
        tpu.wait_dma2 semaphore(%run_scoped3A : memref<!tpu.dma_semaphore, #tpu.memory_space<semaphore_mem>>) src(%dma_wait3A_112 : memref<8448xf32, #tpu.memory_space<hbm>>) dst(%arg6 : memref<8448xf32, #tpu.memory_space<vmem>>)
        tpu.yield
      }) : () -> ()
      %scan3A_28 = arith.constant 0 : i32
      %scan3A_29 = arith.constant 0 : i32
      %scan3A_30 = arith.constant 528 : i32
      %scan3A_31 = arith.addi %scan3A_29, %scan3A_30 : i32
      %scan3A_32 = arith.constant 1 : i32
      scf.for %scan3A_111 = %scan3A_29 to %scan3A_31 step %scan3A_32  : i32 {
        %mul3A_112 = arith.constant 16 : i32
        %mul3A_113 = arith.muli %scan3A_111, %mul3A_112 : i32
        %get3A = arith.index_cast %mul3A_113 : i32 to index
        %get3A_114 = tpu.vector_load %arg5[%get3A] {strides = array<i32>} : memref<8448xi32, #tpu.memory_space<vmem>>, vector<16xi32>,
        %mul3A_115 = arith.constant 16 : i32
        %mul3A_116 = arith.muli %scan3A_111, %mul3A_115 : i32
        %get3A_117 = arith.index_cast %mul3A_116 : i32 to index
        %get3A_118 = tpu.vector_load %arg6[%get3A_117] {strides = array<i32>} : memref<8448xf32, #tpu.memory_space<vmem>>, vector<16xf32>,
        tpu.vector_store_idx %arg7[%get3A_114], %get3A_118 {add = true} : memref<69768xf32, #tpu.memory_space<vmem>>[vector<16xi32>], vector<16xf32>,
      }
      %scan3A_33 = arith.constant 528 : i32
      %mul3A_34 = arith.constant 67584 : i32
      %mul3A_35 = arith.muli %add3A_13, %mul3A_34 : i32
      %add3A_36 = arith.constant 8448 : i32
      %add3A_37 = arith.addi %mul3A_35, %add3A_36 : i32
      %multiple_of3A_38 = tpu.assume_multiple %add3A_37, 8 : i32
      "tpu.region"() ({
        %run_scoped3A = tpu.sem_alloc : memref<!tpu.dma_semaphore, #tpu.memory_space<semaphore_mem>>
        %dma_start3A = tpu.memref_slice %arg2[%multiple_of3A_38] : memref<4392960xi32, #tpu.memory_space<hbm>> -> memref<8448xi32, #tpu.memory_space<hbm>>
        %dma_start3A_111 = tpu.memref_slice %arg2[%multiple_of3A_38] : memref<4392960xi32, #tpu.memory_space<hbm>> -> memref<8448xi32, #tpu.memory_space<hbm>>
        tpu.enqueue_dma source(%dma_start3A_111 : memref<8448xi32, #tpu.memory_space<hbm>>) target(%arg5 : memref<8448xi32, #tpu.memory_space<vmem>>) target_semaphore(%run_scoped3A : memref<!tpu.dma_semaphore, #tpu.memory_space<semaphore_mem>>)
        %dma_wait3A = tpu.memref_slice %arg2[%multiple_of3A_38] : memref<4392960xi32, #tpu.memory_space<hbm>> -> memref<8448xi32, #tpu.memory_space<hbm>>
        %dma_wait3A_112 = tpu.memref_slice %arg2[%multiple_of3A_38] : memref<4392960xi32, #tpu.memory_space<hbm>> -> memref<8448xi32, #tpu.memory_space<hbm>>
        tpu.wait_dma2 semaphore(%run_scoped3A : memref<!tpu.dma_semaphore, #tpu.memory_space<semaphore_mem>>) src(%dma_wait3A_112 : memref<8448xi32, #tpu.memory_space<hbm>>) dst(%arg5 : memref<8448xi32, #tpu.memory_space<vmem>>)
        tpu.yield
      }) : () -> ()
      "tpu.region"() ({
        %run_scoped3A = tpu.sem_alloc : memref<!tpu.dma_semaphore, #tpu.memory_space<semaphore_mem>>
        %dma_start3A = tpu.memref_slice %arg3[%multiple_of3A_38] : memref<4392960xf32, #tpu.memory_space<hbm>> -> memref<8448xf32, #tpu.memory_space<hbm>>
        %dma_start3A_111 = tpu.memref_slice %arg3[%multiple_of3A_38] : memref<4392960xf32, #tpu.memory_space<hbm>> -> memref<8448xf32, #tpu.memory_space<hbm>>
        tpu.enqueue_dma source(%dma_start3A_111 : memref<8448xf32, #tpu.memory_space<hbm>>) target(%arg6 : memref<8448xf32, #tpu.memory_space<vmem>>) target_semaphore(%run_scoped3A : memref<!tpu.dma_semaphore, #tpu.memory_space<semaphore_mem>>)
        %dma_wait3A = tpu.memref_slice %arg3[%multiple_of3A_38] : memref<4392960xf32, #tpu.memory_space<hbm>> -> memref<8448xf32, #tpu.memory_space<hbm>>
        %dma_wait3A_112 = tpu.memref_slice %arg3[%multiple_of3A_38] : memref<4392960xf32, #tpu.memory_space<hbm>> -> memref<8448xf32, #tpu.memory_space<hbm>>
        tpu.wait_dma2 semaphore(%run_scoped3A : memref<!tpu.dma_semaphore, #tpu.memory_space<semaphore_mem>>) src(%dma_wait3A_112 : memref<8448xf32, #tpu.memory_space<hbm>>) dst(%arg6 : memref<8448xf32, #tpu.memory_space<vmem>>)
        tpu.yield
      }) : () -> ()
      %scan3A_39 = arith.constant 0 : i32
      %scan3A_40 = arith.constant 0 : i32
      %scan3A_41 = arith.constant 528 : i32
      %scan3A_42 = arith.addi %scan3A_40, %scan3A_41 : i32
      %scan3A_43 = arith.constant 1 : i32
      scf.for %scan3A_111 = %scan3A_40 to %scan3A_42 step %scan3A_43  : i32 {
        %mul3A_112 = arith.constant 16 : i32
        %mul3A_113 = arith.muli %scan3A_111, %mul3A_112 : i32
        %get3A = arith.index_cast %mul3A_113 : i32 to index
        %get3A_114 = tpu.vector_load %arg5[%get3A] {strides = array<i32>} : memref<8448xi32, #tpu.memory_space<vmem>>, vector<16xi32>,
        %mul3A_115 = arith.constant 16 : i32
        %mul3A_116 = arith.muli %scan3A_111, %mul3A_115 : i32
        %get3A_117 = arith.index_cast %mul3A_116 : i32 to index
        %get3A_118 = tpu.vector_load %arg6[%get3A_117] {strides = array<i32>} : memref<8448xf32, #tpu.memory_space<vmem>>, vector<16xf32>,
        tpu.vector_store_idx %arg7[%get3A_114], %get3A_118 {add = true} : memref<69768xf32, #tpu.memory_space<vmem>>[vector<16xi32>], vector<16xf32>,
      }
      %scan3A_44 = arith.constant 528 : i32
      %mul3A_45 = arith.constant 67584 : i32
      %mul3A_46 = arith.muli %add3A_13, %mul3A_45 : i32
      %add3A_47 = arith.constant 16896 : i32
      %add3A_48 = arith.addi %mul3A_46, %add3A_47 : i32
      %multiple_of3A_49 = tpu.assume_multiple %add3A_48, 8 : i32
      "tpu.region"() ({
        %run_scoped3A = tpu.sem_alloc : memref<!tpu.dma_semaphore, #tpu.memory_space<semaphore_mem>>
        %dma_start3A = tpu.memref_slice %arg2[%multiple_of3A_49] : memref<4392960xi32, #tpu.memory_space<hbm>> -> memref<8448xi32, #tpu.memory_space<hbm>>
        %dma_start3A_111 = tpu.memref_slice %arg2[%multiple_of3A_49] : memref<4392960xi32, #tpu.memory_space<hbm>> -> memref<8448xi32, #tpu.memory_space<hbm>>
        tpu.enqueue_dma source(%dma_start3A_111 : memref<8448xi32, #tpu.memory_space<hbm>>) target(%arg5 : memref<8448xi32, #tpu.memory_space<vmem>>) target_semaphore(%run_scoped3A : memref<!tpu.dma_semaphore, #tpu.memory_space<semaphore_mem>>)
        %dma_wait3A = tpu.memref_slice %arg2[%multiple_of3A_49] : memref<4392960xi32, #tpu.memory_space<hbm>> -> memref<8448xi32, #tpu.memory_space<hbm>>
        %dma_wait3A_112 = tpu.memref_slice %arg2[%multiple_of3A_49] : memref<4392960xi32, #tpu.memory_space<hbm>> -> memref<8448xi32, #tpu.memory_space<hbm>>
        tpu.wait_dma2 semaphore(%run_scoped3A : memref<!tpu.dma_semaphore, #tpu.memory_space<semaphore_mem>>) src(%dma_wait3A_112 : memref<8448xi32, #tpu.memory_space<hbm>>) dst(%arg5 : memref<8448xi32, #tpu.memory_space<vmem>>)
        tpu.yield
      }) : () -> ()
      "tpu.region"() ({
        %run_scoped3A = tpu.sem_alloc : memref<!tpu.dma_semaphore, #tpu.memory_space<semaphore_mem>>
        %dma_start3A = tpu.memref_slice %arg3[%multiple_of3A_49] : memref<4392960xf32, #tpu.memory_space<hbm>> -> memref<8448xf32, #tpu.memory_space<hbm>>
        %dma_start3A_111 = tpu.memref_slice %arg3[%multiple_of3A_49] : memref<4392960xf32, #tpu.memory_space<hbm>> -> memref<8448xf32, #tpu.memory_space<hbm>>
        tpu.enqueue_dma source(%dma_start3A_111 : memref<8448xf32, #tpu.memory_space<hbm>>) target(%arg6 : memref<8448xf32, #tpu.memory_space<vmem>>) target_semaphore(%run_scoped3A : memref<!tpu.dma_semaphore, #tpu.memory_space<semaphore_mem>>)
        %dma_wait3A = tpu.memref_slice %arg3[%multiple_of3A_49] : memref<4392960xf32, #tpu.memory_space<hbm>> -> memref<8448xf32, #tpu.memory_space<hbm>>
        %dma_wait3A_112 = tpu.memref_slice %arg3[%multiple_of3A_49] : memref<4392960xf32, #tpu.memory_space<hbm>> -> memref<8448xf32, #tpu.memory_space<hbm>>
        tpu.wait_dma2 semaphore(%run_scoped3A : memref<!tpu.dma_semaphore, #tpu.memory_space<semaphore_mem>>) src(%dma_wait3A_112 : memref<8448xf32, #tpu.memory_space<hbm>>) dst(%arg6 : memref<8448xf32, #tpu.memory_space<vmem>>)
        tpu.yield
      }) : () -> ()
      %scan3A_50 = arith.constant 0 : i32
      %scan3A_51 = arith.constant 0 : i32
      %scan3A_52 = arith.constant 528 : i32
      %scan3A_53 = arith.addi %scan3A_51, %scan3A_52 : i32
      %scan3A_54 = arith.constant 1 : i32
      scf.for %scan3A_111 = %scan3A_51 to %scan3A_53 step %scan3A_54  : i32 {
        %mul3A_112 = arith.constant 16 : i32
        %mul3A_113 = arith.muli %scan3A_111, %mul3A_112 : i32
        %get3A = arith.index_cast %mul3A_113 : i32 to index
        %get3A_114 = tpu.vector_load %arg5[%get3A] {strides = array<i32>} : memref<8448xi32, #tpu.memory_space<vmem>>, vector<16xi32>,
        %mul3A_115 = arith.constant 16 : i32
        %mul3A_116 = arith.muli %scan3A_111, %mul3A_115 : i32
        %get3A_117 = arith.index_cast %mul3A_116 : i32 to index
        %get3A_118 = tpu.vector_load %arg6[%get3A_117] {strides = array<i32>} : memref<8448xf32, #tpu.memory_space<vmem>>, vector<16xf32>,
        tpu.vector_store_idx %arg7[%get3A_114], %get3A_118 {add = true} : memref<69768xf32, #tpu.memory_space<vmem>>[vector<16xi32>], vector<16xf32>,
      }
      %scan3A_55 = arith.constant 528 : i32
      %mul3A_56 = arith.constant 67584 : i32
      %mul3A_57 = arith.muli %add3A_13, %mul3A_56 : i32
      %add3A_58 = arith.constant 25344 : i32
      %add3A_59 = arith.addi %mul3A_57, %add3A_58 : i32
      %multiple_of3A_60 = tpu.assume_multiple %add3A_59, 8 : i32
      "tpu.region"() ({
        %run_scoped3A = tpu.sem_alloc : memref<!tpu.dma_semaphore, #tpu.memory_space<semaphore_mem>>
        %dma_start3A = tpu.memref_slice %arg2[%multiple_of3A_60] : memref<4392960xi32, #tpu.memory_space<hbm>> -> memref<8448xi32, #tpu.memory_space<hbm>>
        %dma_start3A_111 = tpu.memref_slice %arg2[%multiple_of3A_60] : memref<4392960xi32, #tpu.memory_space<hbm>> -> memref<8448xi32, #tpu.memory_space<hbm>>
        tpu.enqueue_dma source(%dma_start3A_111 : memref<8448xi32, #tpu.memory_space<hbm>>) target(%arg5 : memref<8448xi32, #tpu.memory_space<vmem>>) target_semaphore(%run_scoped3A : memref<!tpu.dma_semaphore, #tpu.memory_space<semaphore_mem>>)
        %dma_wait3A = tpu.memref_slice %arg2[%multiple_of3A_60] : memref<4392960xi32, #tpu.memory_space<hbm>> -> memref<8448xi32, #tpu.memory_space<hbm>>
        %dma_wait3A_112 = tpu.memref_slice %arg2[%multiple_of3A_60] : memref<4392960xi32, #tpu.memory_space<hbm>> -> memref<8448xi32, #tpu.memory_space<hbm>>
        tpu.wait_dma2 semaphore(%run_scoped3A : memref<!tpu.dma_semaphore, #tpu.memory_space<semaphore_mem>>) src(%dma_wait3A_112 : memref<8448xi32, #tpu.memory_space<hbm>>) dst(%arg5 : memref<8448xi32, #tpu.memory_space<vmem>>)
        tpu.yield
      }) : () -> ()
      "tpu.region"() ({
        %run_scoped3A = tpu.sem_alloc : memref<!tpu.dma_semaphore, #tpu.memory_space<semaphore_mem>>
        %dma_start3A = tpu.memref_slice %arg3[%multiple_of3A_60] : memref<4392960xf32, #tpu.memory_space<hbm>> -> memref<8448xf32, #tpu.memory_space<hbm>>
        %dma_start3A_111 = tpu.memref_slice %arg3[%multiple_of3A_60] : memref<4392960xf32, #tpu.memory_space<hbm>> -> memref<8448xf32, #tpu.memory_space<hbm>>
        tpu.enqueue_dma source(%dma_start3A_111 : memref<8448xf32, #tpu.memory_space<hbm>>) target(%arg6 : memref<8448xf32, #tpu.memory_space<vmem>>) target_semaphore(%run_scoped3A : memref<!tpu.dma_semaphore, #tpu.memory_space<semaphore_mem>>)
        %dma_wait3A = tpu.memref_slice %arg3[%multiple_of3A_60] : memref<4392960xf32, #tpu.memory_space<hbm>> -> memref<8448xf32, #tpu.memory_space<hbm>>
        %dma_wait3A_112 = tpu.memref_slice %arg3[%multiple_of3A_60] : memref<4392960xf32, #tpu.memory_space<hbm>> -> memref<8448xf32, #tpu.memory_space<hbm>>
        tpu.wait_dma2 semaphore(%run_scoped3A : memref<!tpu.dma_semaphore, #tpu.memory_space<semaphore_mem>>) src(%dma_wait3A_112 : memref<8448xf32, #tpu.memory_space<hbm>>) dst(%arg6 : memref<8448xf32, #tpu.memory_space<vmem>>)
        tpu.yield
      }) : () -> ()
      %scan3A_61 = arith.constant 0 : i32
      %scan3A_62 = arith.constant 0 : i32
      %scan3A_63 = arith.constant 528 : i32
      %scan3A_64 = arith.addi %scan3A_62, %scan3A_63 : i32
      %scan3A_65 = arith.constant 1 : i32
      scf.for %scan3A_111 = %scan3A_62 to %scan3A_64 step %scan3A_65  : i32 {
        %mul3A_112 = arith.constant 16 : i32
        %mul3A_113 = arith.muli %scan3A_111, %mul3A_112 : i32
        %get3A = arith.index_cast %mul3A_113 : i32 to index
        %get3A_114 = tpu.vector_load %arg5[%get3A] {strides = array<i32>} : memref<8448xi32, #tpu.memory_space<vmem>>, vector<16xi32>,
        %mul3A_115 = arith.constant 16 : i32
        %mul3A_116 = arith.muli %scan3A_111, %mul3A_115 : i32
        %get3A_117 = arith.index_cast %mul3A_116 : i32 to index
        %get3A_118 = tpu.vector_load %arg6[%get3A_117] {strides = array<i32>} : memref<8448xf32, #tpu.memory_space<vmem>>, vector<16xf32>,
        tpu.vector_store_idx %arg7[%get3A_114], %get3A_118 {add = true} : memref<69768xf32, #tpu.memory_space<vmem>>[vector<16xi32>], vector<16xf32>,
      }
      %scan3A_66 = arith.constant 528 : i32
      %mul3A_67 = arith.constant 67584 : i32
      %mul3A_68 = arith.muli %add3A_13, %mul3A_67 : i32
      %add3A_69 = arith.constant 33792 : i32
      %add3A_70 = arith.addi %mul3A_68, %add3A_69 : i32
      %multiple_of3A_71 = tpu.assume_multiple %add3A_70, 8 : i32
      "tpu.region"() ({
        %run_scoped3A = tpu.sem_alloc : memref<!tpu.dma_semaphore, #tpu.memory_space<semaphore_mem>>
        %dma_start3A = tpu.memref_slice %arg2[%multiple_of3A_71] : memref<4392960xi32, #tpu.memory_space<hbm>> -> memref<8448xi32, #tpu.memory_space<hbm>>
        %dma_start3A_111 = tpu.memref_slice %arg2[%multiple_of3A_71] : memref<4392960xi32, #tpu.memory_space<hbm>> -> memref<8448xi32, #tpu.memory_space<hbm>>
        tpu.enqueue_dma source(%dma_start3A_111 : memref<8448xi32, #tpu.memory_space<hbm>>) target(%arg5 : memref<8448xi32, #tpu.memory_space<vmem>>) target_semaphore(%run_scoped3A : memref<!tpu.dma_semaphore, #tpu.memory_space<semaphore_mem>>)
        %dma_wait3A = tpu.memref_slice %arg2[%multiple_of3A_71] : memref<4392960xi32, #tpu.memory_space<hbm>> -> memref<8448xi32, #tpu.memory_space<hbm>>
        %dma_wait3A_112 = tpu.memref_slice %arg2[%multiple_of3A_71] : memref<4392960xi32, #tpu.memory_space<hbm>> -> memref<8448xi32, #tpu.memory_space<hbm>>
        tpu.wait_dma2 semaphore(%run_scoped3A : memref<!tpu.dma_semaphore, #tpu.memory_space<semaphore_mem>>) src(%dma_wait3A_112 : memref<8448xi32, #tpu.memory_space<hbm>>) dst(%arg5 : memref<8448xi32, #tpu.memory_space<vmem>>)
        tpu.yield
      }) : () -> ()
      "tpu.region"() ({
        %run_scoped3A = tpu.sem_alloc : memref<!tpu.dma_semaphore, #tpu.memory_space<semaphore_mem>>
        %dma_start3A = tpu.memref_slice %arg3[%multiple_of3A_71] : memref<4392960xf32, #tpu.memory_space<hbm>> -> memref<8448xf32, #tpu.memory_space<hbm>>
        %dma_start3A_111 = tpu.memref_slice %arg3[%multiple_of3A_71] : memref<4392960xf32, #tpu.memory_space<hbm>> -> memref<8448xf32, #tpu.memory_space<hbm>>
        tpu.enqueue_dma source(%dma_start3A_111 : memref<8448xf32, #tpu.memory_space<hbm>>) target(%arg6 : memref<8448xf32, #tpu.memory_space<vmem>>) target_semaphore(%run_scoped3A : memref<!tpu.dma_semaphore, #tpu.memory_space<semaphore_mem>>)
        %dma_wait3A = tpu.memref_slice %arg3[%multiple_of3A_71] : memref<4392960xf32, #tpu.memory_space<hbm>> -> memref<8448xf32, #tpu.memory_space<hbm>>
        %dma_wait3A_112 = tpu.memref_slice %arg3[%multiple_of3A_71] : memref<4392960xf32, #tpu.memory_space<hbm>> -> memref<8448xf32, #tpu.memory_space<hbm>>
        tpu.wait_dma2 semaphore(%run_scoped3A : memref<!tpu.dma_semaphore, #tpu.memory_space<semaphore_mem>>) src(%dma_wait3A_112 : memref<8448xf32, #tpu.memory_space<hbm>>) dst(%arg6 : memref<8448xf32, #tpu.memory_space<vmem>>)
        tpu.yield
      }) : () -> ()
      %scan3A_72 = arith.constant 0 : i32
      %scan3A_73 = arith.constant 0 : i32
      %scan3A_74 = arith.constant 528 : i32
      %scan3A_75 = arith.addi %scan3A_73, %scan3A_74 : i32
      %scan3A_76 = arith.constant 1 : i32
      scf.for %scan3A_111 = %scan3A_73 to %scan3A_75 step %scan3A_76  : i32 {
        %mul3A_112 = arith.constant 16 : i32
        %mul3A_113 = arith.muli %scan3A_111, %mul3A_112 : i32
        %get3A = arith.index_cast %mul3A_113 : i32 to index
        %get3A_114 = tpu.vector_load %arg5[%get3A] {strides = array<i32>} : memref<8448xi32, #tpu.memory_space<vmem>>, vector<16xi32>,
        %mul3A_115 = arith.constant 16 : i32
        %mul3A_116 = arith.muli %scan3A_111, %mul3A_115 : i32
        %get3A_117 = arith.index_cast %mul3A_116 : i32 to index
        %get3A_118 = tpu.vector_load %arg6[%get3A_117] {strides = array<i32>} : memref<8448xf32, #tpu.memory_space<vmem>>, vector<16xf32>,
        tpu.vector_store_idx %arg7[%get3A_114], %get3A_118 {add = true} : memref<69768xf32, #tpu.memory_space<vmem>>[vector<16xi32>], vector<16xf32>,
      }
      %scan3A_77 = arith.constant 528 : i32
      %mul3A_78 = arith.constant 67584 : i32
      %mul3A_79 = arith.muli %add3A_13, %mul3A_78 : i32
      %add3A_80 = arith.constant 42240 : i32
      %add3A_81 = arith.addi %mul3A_79, %add3A_80 : i32
      %multiple_of3A_82 = tpu.assume_multiple %add3A_81, 8 : i32
      "tpu.region"() ({
        %run_scoped3A = tpu.sem_alloc : memref<!tpu.dma_semaphore, #tpu.memory_space<semaphore_mem>>
        %dma_start3A = tpu.memref_slice %arg2[%multiple_of3A_82] : memref<4392960xi32, #tpu.memory_space<hbm>> -> memref<8448xi32, #tpu.memory_space<hbm>>
        %dma_start3A_111 = tpu.memref_slice %arg2[%multiple_of3A_82] : memref<4392960xi32, #tpu.memory_space<hbm>> -> memref<8448xi32, #tpu.memory_space<hbm>>
        tpu.enqueue_dma source(%dma_start3A_111 : memref<8448xi32, #tpu.memory_space<hbm>>) target(%arg5 : memref<8448xi32, #tpu.memory_space<vmem>>) target_semaphore(%run_scoped3A : memref<!tpu.dma_semaphore, #tpu.memory_space<semaphore_mem>>)
        %dma_wait3A = tpu.memref_slice %arg2[%multiple_of3A_82] : memref<4392960xi32, #tpu.memory_space<hbm>> -> memref<8448xi32, #tpu.memory_space<hbm>>
        %dma_wait3A_112 = tpu.memref_slice %arg2[%multiple_of3A_82] : memref<4392960xi32, #tpu.memory_space<hbm>> -> memref<8448xi32, #tpu.memory_space<hbm>>
        tpu.wait_dma2 semaphore(%run_scoped3A : memref<!tpu.dma_semaphore, #tpu.memory_space<semaphore_mem>>) src(%dma_wait3A_112 : memref<8448xi32, #tpu.memory_space<hbm>>) dst(%arg5 : memref<8448xi32, #tpu.memory_space<vmem>>)
        tpu.yield
      }) : () -> ()
      "tpu.region"() ({
        %run_scoped3A = tpu.sem_alloc : memref<!tpu.dma_semaphore, #tpu.memory_space<semaphore_mem>>
        %dma_start3A = tpu.memref_slice %arg3[%multiple_of3A_82] : memref<4392960xf32, #tpu.memory_space<hbm>> -> memref<8448xf32, #tpu.memory_space<hbm>>
        %dma_start3A_111 = tpu.memref_slice %arg3[%multiple_of3A_82] : memref<4392960xf32, #tpu.memory_space<hbm>> -> memref<8448xf32, #tpu.memory_space<hbm>>
        tpu.enqueue_dma source(%dma_start3A_111 : memref<8448xf32, #tpu.memory_space<hbm>>) target(%arg6 : memref<8448xf32, #tpu.memory_space<vmem>>) target_semaphore(%run_scoped3A : memref<!tpu.dma_semaphore, #tpu.memory_space<semaphore_mem>>)
        %dma_wait3A = tpu.memref_slice %arg3[%multiple_of3A_82] : memref<4392960xf32, #tpu.memory_space<hbm>> -> memref<8448xf32, #tpu.memory_space<hbm>>
        %dma_wait3A_112 = tpu.memref_slice %arg3[%multiple_of3A_82] : memref<4392960xf32, #tpu.memory_space<hbm>> -> memref<8448xf32, #tpu.memory_space<hbm>>
        tpu.wait_dma2 semaphore(%run_scoped3A : memref<!tpu.dma_semaphore, #tpu.memory_space<semaphore_mem>>) src(%dma_wait3A_112 : memref<8448xf32, #tpu.memory_space<hbm>>) dst(%arg6 : memref<8448xf32, #tpu.memory_space<vmem>>)
        tpu.yield
      }) : () -> ()
      %scan3A_83 = arith.constant 0 : i32
      %scan3A_84 = arith.constant 0 : i32
      %scan3A_85 = arith.constant 528 : i32
      %scan3A_86 = arith.addi %scan3A_84, %scan3A_85 : i32
      %scan3A_87 = arith.constant 1 : i32
      scf.for %scan3A_111 = %scan3A_84 to %scan3A_86 step %scan3A_87  : i32 {
        %mul3A_112 = arith.constant 16 : i32
        %mul3A_113 = arith.muli %scan3A_111, %mul3A_112 : i32
        %get3A = arith.index_cast %mul3A_113 : i32 to index
        %get3A_114 = tpu.vector_load %arg5[%get3A] {strides = array<i32>} : memref<8448xi32, #tpu.memory_space<vmem>>, vector<16xi32>,
        %mul3A_115 = arith.constant 16 : i32
        %mul3A_116 = arith.muli %scan3A_111, %mul3A_115 : i32
        %get3A_117 = arith.index_cast %mul3A_116 : i32 to index
        %get3A_118 = tpu.vector_load %arg6[%get3A_117] {strides = array<i32>} : memref<8448xf32, #tpu.memory_space<vmem>>, vector<16xf32>,
        tpu.vector_store_idx %arg7[%get3A_114], %get3A_118 {add = true} : memref<69768xf32, #tpu.memory_space<vmem>>[vector<16xi32>], vector<16xf32>,
      }
      %scan3A_88 = arith.constant 528 : i32
      %mul3A_89 = arith.constant 67584 : i32
      %mul3A_90 = arith.muli %add3A_13, %mul3A_89 : i32
      %add3A_91 = arith.constant 50688 : i32
      %add3A_92 = arith.addi %mul3A_90, %add3A_91 : i32
      %multiple_of3A_93 = tpu.assume_multiple %add3A_92, 8 : i32
      "tpu.region"() ({
        %run_scoped3A = tpu.sem_alloc : memref<!tpu.dma_semaphore, #tpu.memory_space<semaphore_mem>>
        %dma_start3A = tpu.memref_slice %arg2[%multiple_of3A_93] : memref<4392960xi32, #tpu.memory_space<hbm>> -> memref<8448xi32, #tpu.memory_space<hbm>>
        %dma_start3A_111 = tpu.memref_slice %arg2[%multiple_of3A_93] : memref<4392960xi32, #tpu.memory_space<hbm>> -> memref<8448xi32, #tpu.memory_space<hbm>>
        tpu.enqueue_dma source(%dma_start3A_111 : memref<8448xi32, #tpu.memory_space<hbm>>) target(%arg5 : memref<8448xi32, #tpu.memory_space<vmem>>) target_semaphore(%run_scoped3A : memref<!tpu.dma_semaphore, #tpu.memory_space<semaphore_mem>>)
        %dma_wait3A = tpu.memref_slice %arg2[%multiple_of3A_93] : memref<4392960xi32, #tpu.memory_space<hbm>> -> memref<8448xi32, #tpu.memory_space<hbm>>
        %dma_wait3A_112 = tpu.memref_slice %arg2[%multiple_of3A_93] : memref<4392960xi32, #tpu.memory_space<hbm>> -> memref<8448xi32, #tpu.memory_space<hbm>>
        tpu.wait_dma2 semaphore(%run_scoped3A : memref<!tpu.dma_semaphore, #tpu.memory_space<semaphore_mem>>) src(%dma_wait3A_112 : memref<8448xi32, #tpu.memory_space<hbm>>) dst(%arg5 : memref<8448xi32, #tpu.memory_space<vmem>>)
        tpu.yield
      }) : () -> ()
      "tpu.region"() ({
        %run_scoped3A = tpu.sem_alloc : memref<!tpu.dma_semaphore, #tpu.memory_space<semaphore_mem>>
        %dma_start3A = tpu.memref_slice %arg3[%multiple_of3A_93] : memref<4392960xf32, #tpu.memory_space<hbm>> -> memref<8448xf32, #tpu.memory_space<hbm>>
        %dma_start3A_111 = tpu.memref_slice %arg3[%multiple_of3A_93] : memref<4392960xf32, #tpu.memory_space<hbm>> -> memref<8448xf32, #tpu.memory_space<hbm>>
        tpu.enqueue_dma source(%dma_start3A_111 : memref<8448xf32, #tpu.memory_space<hbm>>) target(%arg6 : memref<8448xf32, #tpu.memory_space<vmem>>) target_semaphore(%run_scoped3A : memref<!tpu.dma_semaphore, #tpu.memory_space<semaphore_mem>>)
        %dma_wait3A = tpu.memref_slice %arg3[%multiple_of3A_93] : memref<4392960xf32, #tpu.memory_space<hbm>> -> memref<8448xf32, #tpu.memory_space<hbm>>
        %dma_wait3A_112 = tpu.memref_slice %arg3[%multiple_of3A_93] : memref<4392960xf32, #tpu.memory_space<hbm>> -> memref<8448xf32, #tpu.memory_space<hbm>>
        tpu.wait_dma2 semaphore(%run_scoped3A : memref<!tpu.dma_semaphore, #tpu.memory_space<semaphore_mem>>) src(%dma_wait3A_112 : memref<8448xf32, #tpu.memory_space<hbm>>) dst(%arg6 : memref<8448xf32, #tpu.memory_space<vmem>>)
        tpu.yield
      }) : () -> ()
      %scan3A_94 = arith.constant 0 : i32
      %scan3A_95 = arith.constant 0 : i32
      %scan3A_96 = arith.constant 528 : i32
      %scan3A_97 = arith.addi %scan3A_95, %scan3A_96 : i32
      %scan3A_98 = arith.constant 1 : i32
      scf.for %scan3A_111 = %scan3A_95 to %scan3A_97 step %scan3A_98  : i32 {
        %mul3A_112 = arith.constant 16 : i32
        %mul3A_113 = arith.muli %scan3A_111, %mul3A_112 : i32
        %get3A = arith.index_cast %mul3A_113 : i32 to index
        %get3A_114 = tpu.vector_load %arg5[%get3A] {strides = array<i32>} : memref<8448xi32, #tpu.memory_space<vmem>>, vector<16xi32>,
        %mul3A_115 = arith.constant 16 : i32
        %mul3A_116 = arith.muli %scan3A_111, %mul3A_115 : i32
        %get3A_117 = arith.index_cast %mul3A_116 : i32 to index
        %get3A_118 = tpu.vector_load %arg6[%get3A_117] {strides = array<i32>} : memref<8448xf32, #tpu.memory_space<vmem>>, vector<16xf32>,
        tpu.vector_store_idx %arg7[%get3A_114], %get3A_118 {add = true} : memref<69768xf32, #tpu.memory_space<vmem>>[vector<16xi32>], vector<16xf32>,
      }
      %scan3A_99 = arith.constant 528 : i32
      %mul3A_100 = arith.constant 67584 : i32
      %mul3A_101 = arith.muli %add3A_13, %mul3A_100 : i32
      %add3A_102 = arith.constant 59136 : i32
      %add3A_103 = arith.addi %mul3A_101, %add3A_102 : i32
      %multiple_of3A_104 = tpu.assume_multiple %add3A_103, 8 : i32
      "tpu.region"() ({
        %run_scoped3A = tpu.sem_alloc : memref<!tpu.dma_semaphore, #tpu.memory_space<semaphore_mem>>
        %dma_start3A = tpu.memref_slice %arg2[%multiple_of3A_104] : memref<4392960xi32, #tpu.memory_space<hbm>> -> memref<8448xi32, #tpu.memory_space<hbm>>
        %dma_start3A_111 = tpu.memref_slice %arg2[%multiple_of3A_104] : memref<4392960xi32, #tpu.memory_space<hbm>> -> memref<8448xi32, #tpu.memory_space<hbm>>
        tpu.enqueue_dma source(%dma_start3A_111 : memref<8448xi32, #tpu.memory_space<hbm>>) target(%arg5 : memref<8448xi32, #tpu.memory_space<vmem>>) target_semaphore(%run_scoped3A : memref<!tpu.dma_semaphore, #tpu.memory_space<semaphore_mem>>)
        %dma_wait3A = tpu.memref_slice %arg2[%multiple_of3A_104] : memref<4392960xi32, #tpu.memory_space<hbm>> -> memref<8448xi32, #tpu.memory_space<hbm>>
        %dma_wait3A_112 = tpu.memref_slice %arg2[%multiple_of3A_104] : memref<4392960xi32, #tpu.memory_space<hbm>> -> memref<8448xi32, #tpu.memory_space<hbm>>
        tpu.wait_dma2 semaphore(%run_scoped3A : memref<!tpu.dma_semaphore, #tpu.memory_space<semaphore_mem>>) src(%dma_wait3A_112 : memref<8448xi32, #tpu.memory_space<hbm>>) dst(%arg5 : memref<8448xi32, #tpu.memory_space<vmem>>)
        tpu.yield
      }) : () -> ()
      "tpu.region"() ({
        %run_scoped3A = tpu.sem_alloc : memref<!tpu.dma_semaphore, #tpu.memory_space<semaphore_mem>>
        %dma_start3A = tpu.memref_slice %arg3[%multiple_of3A_104] : memref<4392960xf32, #tpu.memory_space<hbm>> -> memref<8448xf32, #tpu.memory_space<hbm>>
        %dma_start3A_111 = tpu.memref_slice %arg3[%multiple_of3A_104] : memref<4392960xf32, #tpu.memory_space<hbm>> -> memref<8448xf32, #tpu.memory_space<hbm>>
        tpu.enqueue_dma source(%dma_start3A_111 : memref<8448xf32, #tpu.memory_space<hbm>>) target(%arg6 : memref<8448xf32, #tpu.memory_space<vmem>>) target_semaphore(%run_scoped3A : memref<!tpu.dma_semaphore, #tpu.memory_space<semaphore_mem>>)
        %dma_wait3A = tpu.memref_slice %arg3[%multiple_of3A_104] : memref<4392960xf32, #tpu.memory_space<hbm>> -> memref<8448xf32, #tpu.memory_space<hbm>>
        %dma_wait3A_112 = tpu.memref_slice %arg3[%multiple_of3A_104] : memref<4392960xf32, #tpu.memory_space<hbm>> -> memref<8448xf32, #tpu.memory_space<hbm>>
        tpu.wait_dma2 semaphore(%run_scoped3A : memref<!tpu.dma_semaphore, #tpu.memory_space<semaphore_mem>>) src(%dma_wait3A_112 : memref<8448xf32, #tpu.memory_space<hbm>>) dst(%arg6 : memref<8448xf32, #tpu.memory_space<vmem>>)
        tpu.yield
      }) : () -> ()
      %scan3A_105 = arith.constant 0 : i32
      %scan3A_106 = arith.constant 0 : i32
      %scan3A_107 = arith.constant 528 : i32
      %scan3A_108 = arith.addi %scan3A_106, %scan3A_107 : i32
      %scan3A_109 = arith.constant 1 : i32
      scf.for %scan3A_111 = %scan3A_106 to %scan3A_108 step %scan3A_109  : i32 {
        %mul3A_112 = arith.constant 16 : i32
        %mul3A_113 = arith.muli %scan3A_111, %mul3A_112 : i32
        %get3A = arith.index_cast %mul3A_113 : i32 to index
        %get3A_114 = tpu.vector_load %arg5[%get3A] {strides = array<i32>} : memref<8448xi32, #tpu.memory_space<vmem>>, vector<16xi32>,
        %mul3A_115 = arith.constant 16 : i32
        %mul3A_116 = arith.muli %scan3A_111, %mul3A_115 : i32
        %get3A_117 = arith.index_cast %mul3A_116 : i32 to index
        %get3A_118 = tpu.vector_load %arg6[%get3A_117] {strides = array<i32>} : memref<8448xf32, #tpu.memory_space<vmem>>, vector<16xf32>,
        tpu.vector_store_idx %arg7[%get3A_114], %get3A_118 {add = true} : memref<69768xf32, #tpu.memory_space<vmem>>[vector<16xi32>], vector<16xf32>,
      }
      %scan3A_110 = arith.constant 528 : i32
      "tpu.region"() ({
        %run_scoped3A = tpu.sem_alloc : memref<!tpu.dma_semaphore, #tpu.memory_space<semaphore_mem>>
        %dma_start3A = arith.constant 0 : i32
        %dma_start3A_111 = tpu.memref_slice %arg4[%add3A_13, %dma_start3A] : memref<65x69768xf32, #tpu.memory_space<hbm>> -> memref<1x69768xf32, #tpu.memory_space<hbm>>
        %dma_start3A_112 = tpu.memref_squeeze %dma_start3A_111 : memref<1x69768xf32, #tpu.memory_space<hbm>> -> memref<69768xf32, #tpu.memory_space<hbm>>
        %dma_start3A_113 = arith.constant 0 : i32
        %dma_start3A_114 = tpu.memref_slice %arg4[%add3A_13, %dma_start3A_113] : memref<65x69768xf32, #tpu.memory_space<hbm>> -> memref<1x69768xf32, #tpu.memory_space<hbm>>
        %dma_start3A_115 = tpu.memref_squeeze %dma_start3A_114 : memref<1x69768xf32, #tpu.memory_space<hbm>> -> memref<69768xf32, #tpu.memory_space<hbm>>
        tpu.enqueue_dma source(%arg7 : memref<69768xf32, #tpu.memory_space<vmem>>) target(%dma_start3A_115 : memref<69768xf32, #tpu.memory_space<hbm>>) target_semaphore(%run_scoped3A : memref<!tpu.dma_semaphore, #tpu.memory_space<semaphore_mem>>)
        %dma_wait3A = arith.constant 0 : i32
        %dma_wait3A_116 = tpu.memref_slice %arg4[%add3A_13, %dma_wait3A] : memref<65x69768xf32, #tpu.memory_space<hbm>> -> memref<1x69768xf32, #tpu.memory_space<hbm>>
        %dma_wait3A_117 = tpu.memref_squeeze %dma_wait3A_116 : memref<1x69768xf32, #tpu.memory_space<hbm>> -> memref<69768xf32, #tpu.memory_space<hbm>>
        %dma_wait3A_118 = arith.constant 0 : i32
        %dma_wait3A_119 = tpu.memref_slice %arg4[%add3A_13, %dma_wait3A_118] : memref<65x69768xf32, #tpu.memory_space<hbm>> -> memref<1x69768xf32, #tpu.memory_space<hbm>>
        %dma_wait3A_120 = tpu.memref_squeeze %dma_wait3A_119 : memref<1x69768xf32, #tpu.memory_space<hbm>> -> memref<69768xf32, #tpu.memory_space<hbm>>
        tpu.wait_dma2 semaphore(%run_scoped3A : memref<!tpu.dma_semaphore, #tpu.memory_space<semaphore_mem>>) src(%arg7 : memref<69768xf32, #tpu.memory_space<vmem>>) dst(%dma_wait3A_120 : memref<69768xf32, #tpu.memory_space<hbm>>)
        tpu.yield
      }) : () -> ()
    } else {
    }
    return
  }
}

module attributes {stable_mosaic.version = 14 : i64} {
  func.func @_framing_body(%arg0: i32, %arg1: memref<2098276xf32, #tpu.memory_space<vmem>>, %arg2: memref<2098276xf32, #tpu.memory_space<vmem>>, %arg3: memref<1024xf32, #tpu.memory_space<vmem>>, %arg4: memref<128x1024xf32, #tpu.memory_space<vmem>>, %arg5: memref<128x1024xf32, #tpu.memory_space<vmem>>) attributes {dimension_semantics = [#tpu.dimension_semantics<arbitrary>], iteration_bounds = array<i64: 65>, scalar_prefetch = 0 : i64, scratch_operands = 0 : i64, tpu.core_type = #tpu.core_type<tc>, window_params = [{pipeline_mode = #tpu.pipeline_mode<synchronous>, transform_indices = @transform_0, window_bounds = array<i64: 2098276>}, {pipeline_mode = #tpu.pipeline_mode<synchronous>, transform_indices = @transform_1, window_bounds = array<i64: 2098276>}, {pipeline_mode = #tpu.pipeline_mode<synchronous>, transform_indices = @transform_2, window_bounds = array<i64: 1024>}, {transform_indices = @transform_3, window_bounds = array<i64: 128, 1024>}, {transform_indices = @transform_4, window_bounds = array<i64: 128, 1024>}]} {
    %get3A = arith.constant 0 : index
    %get3A_0 = vector.load %arg3[%get3A] : memref<1024xf32, #tpu.memory_space<vmem>>, vector<1024xf32>
    %scan3A = arith.constant 0 : i32
    %scan3A_1 = arith.constant 128 : i32
    %scan3A_2 = arith.addi %scan3A, %scan3A_1 : i32
    %scan3A_3 = arith.constant 1 : i32
    scf.for %scan3A_5 = %scan3A to %scan3A_2 step %scan3A_3  : i32 {
      %mul3A = arith.constant 128 : i32
      %mul3A_6 = arith.muli %arg0, %mul3A : i32
      %add3A = arith.addi %mul3A_6, %scan3A_5 : i32
      %min3A = arith.constant 8192 : i32
      %min3A_7 = arith.minsi %add3A, %min3A : i32
      %mul3A_8 = arith.constant 256 : i32
      %mul3A_9 = arith.muli %min3A_7, %mul3A_8 : i32
      %get3A_10 = arith.index_cast %mul3A_9 : i32 to index
      %get3A_11 = vector.load %arg1[%get3A_10] : memref<2098276xf32, #tpu.memory_space<vmem>>, vector<1024xf32>
      %get3A_12 = arith.index_cast %mul3A_9 : i32 to index
      %get3A_13 = vector.load %arg2[%get3A_12] : memref<2098276xf32, #tpu.memory_space<vmem>>, vector<1024xf32>
      %mul3A_14 = arith.mulf %get3A_11, %get3A_0 : vector<1024xf32>
      %reshape3A = vector.shape_cast %mul3A_14 : vector<1024xf32> to vector<1x1024xf32>
      %swap3A = arith.index_cast %scan3A_5 : i32 to index
      %swap3A_15 = arith.constant 0 : index
      %swap3A_16 = vector.load %arg4[%swap3A, %swap3A_15] : memref<128x1024xf32, #tpu.memory_space<vmem>>, vector<1x1024xf32>
      tpu.vector_store %arg4[%swap3A, %swap3A_15], %reshape3A {strides = array<i32>} : memref<128x1024xf32, #tpu.memory_space<vmem>>, vector<1x1024xf32>,
      %mul3A_17 = arith.mulf %get3A_13, %get3A_0 : vector<1024xf32>
      %reshape3A_18 = vector.shape_cast %mul3A_17 : vector<1024xf32> to vector<1x1024xf32>
      %swap3A_19 = arith.index_cast %scan3A_5 : i32 to index
      %swap3A_20 = arith.constant 0 : index
      %swap3A_21 = vector.load %arg5[%swap3A_19, %swap3A_20] : memref<128x1024xf32, #tpu.memory_space<vmem>>, vector<1x1024xf32>
      tpu.vector_store %arg5[%swap3A_19, %swap3A_20], %reshape3A_18 {strides = array<i32>} : memref<128x1024xf32, #tpu.memory_space<vmem>>, vector<1x1024xf32>,
    }
    %scan3A_4 = arith.constant 128 : i32
    return
  }
  func.func @transform_0(%arg0: i32) -> i32 {
    %c0_i32 = arith.constant 0 : i32
    %c0_i32_0 = arith.constant 0 : i32
    return %c0_i32 : i32
  }
  func.func @transform_1(%arg0: i32) -> i32 {
    %c0_i32 = arith.constant 0 : i32
    %c0_i32_0 = arith.constant 0 : i32
    return %c0_i32 : i32
  }
  func.func @transform_2(%arg0: i32) -> i32 {
    %c0_i32 = arith.constant 0 : i32
    %c0_i32_0 = arith.constant 0 : i32
    return %c0_i32 : i32
  }
  func.func @transform_3(%arg0: i32) -> (i32, i32) {
    %c0_i32 = arith.constant 0 : i32
    %c0_i32_0 = arith.constant 0 : i32
    return %arg0, %c0_i32 : i32, i32
  }
  func.func @transform_4(%arg0: i32) -> (i32, i32) {
    %c0_i32 = arith.constant 0 : i32
    %c0_i32_0 = arith.constant 0 : i32
    return %arg0, %c0_i32 : i32, i32
  }
}

module attributes {stable_mosaic.version = 14 : i64} {
  func.func @_prep_body(%arg0: i32, %arg1: memref<128x528xf32, #tpu.memory_space<vmem>>, %arg2: memref<128x528xf32, #tpu.memory_space<vmem>>, %arg3: memref<128x528xf32, #tpu.memory_space<vmem>>, %arg4: memref<128x528xi32, #tpu.memory_space<vmem>>, %arg5: memref<128x528xf32, #tpu.memory_space<vmem>>) attributes {dimension_semantics = [#tpu.dimension_semantics<arbitrary>], iteration_bounds = array<i64: 65>, scalar_prefetch = 0 : i64, scratch_operands = 0 : i64, tpu.core_type = #tpu.core_type<tc>, window_params = [{transform_indices = @transform_0, window_bounds = array<i64: 128, 528>}, {transform_indices = @transform_1, window_bounds = array<i64: 128, 528>}, {transform_indices = @transform_2, window_bounds = array<i64: 128, 528>}, {transform_indices = @transform_3, window_bounds = array<i64: 128, 528>}, {transform_indices = @transform_4, window_bounds = array<i64: 128, 528>}]} {
    %get3A = arith.constant 0 : index
    %get3A_0 = arith.constant 0 : index
    %get3A_1 = vector.load %arg1[%get3A, %get3A_0] : memref<128x528xf32, #tpu.memory_space<vmem>>, vector<128x528xf32>
    %get3A_2 = arith.constant 0 : index
    %get3A_3 = arith.constant 0 : index
    %get3A_4 = vector.load %arg2[%get3A_2, %get3A_3] : memref<128x528xf32, #tpu.memory_space<vmem>>, vector<128x528xf32>
    %get3A_5 = arith.constant 0 : index
    %get3A_6 = arith.constant 0 : index
    %get3A_7 = vector.load %arg3[%get3A_5, %get3A_6] : memref<128x528xf32, #tpu.memory_space<vmem>>, vector<128x528xf32>
    %sub3A = arith.constant 0.000000e+00 : f32
    %sub3A_8 = vector.broadcast %sub3A : f32 to vector<128x528xf32>
    %sub3A_9 = arith.subf %get3A_1, %sub3A_8 : vector<128x528xf32>
    %div3A = arith.constant 9.74658876E-4 : f32
    %div3A_10 = vector.broadcast %div3A : f32 to vector<128x528xf32>
    %div3A_11 = arith.divf %sub3A_9, %div3A_10 : vector<128x528xf32>
    %floor3A = math.floor %div3A_11 : vector<128x528xf32>
    %convert_element_type3A = arith.fptosi %floor3A : vector<128x528xf32> to vector<128x528xi32>
    %jit3A = arith.constant 0 : i32
    %jit3A_12 = arith.constant 512 : i32
    %max3A = vector.broadcast %jit3A : i32 to vector<128x528xi32>
    %max3A_13 = arith.maxsi %max3A, %convert_element_type3A : vector<128x528xi32>
    %min3A = vector.broadcast %jit3A_12 : i32 to vector<128x528xi32>
    %min3A_14 = arith.minsi %min3A, %max3A_13 : vector<128x528xi32>
    %div3A_15 = arith.constant 0.00580498856 : f32
    %div3A_16 = vector.broadcast %div3A_15 : f32 to vector<128x528xf32>
    %div3A_17 = arith.divf %get3A_4, %div3A_16 : vector<128x528xf32>
    %floor3A_18 = math.floor %div3A_17 : vector<128x528xf32>
    %convert_element_type3A_19 = arith.fptosi %floor3A_18 : vector<128x528xf32> to vector<128x528xi32>
    %jit3A_20 = arith.constant 0 : i32
    %jit3A_21 = arith.constant 8192 : i32
    %max3A_22 = vector.broadcast %jit3A_20 : i32 to vector<128x528xi32>
    %max3A_23 = arith.maxsi %max3A_22, %convert_element_type3A_19 : vector<128x528xi32>
    %min3A_24 = vector.broadcast %jit3A_21 : i32 to vector<128x528xi32>
    %min3A_25 = arith.minsi %min3A_24, %max3A_23 : vector<128x528xi32>
    %ge3A = arith.constant 0.000000e+00 : f32
    %ge3A_26 = vector.broadcast %ge3A : f32 to vector<128x528xf32>
    %ge3A_27 = arith.cmpf oge, %get3A_1, %ge3A_26 : vector<128x528xf32>
    %le3A = arith.constant 5.000000e-01 : f32
    %le3A_28 = vector.broadcast %le3A : f32 to vector<128x528xf32>
    %le3A_29 = arith.cmpf ole, %get3A_1, %le3A_28 : vector<128x528xf32>
    %and3A = arith.andi %ge3A_27, %le3A_29 : vector<128x528xi1>
    %ge3A_30 = arith.constant 0.000000e+00 : f32
    %ge3A_31 = vector.broadcast %ge3A_30 : f32 to vector<128x528xf32>
    %ge3A_32 = arith.cmpf oge, %get3A_4, %ge3A_31 : vector<128x528xf32>
    %and3A_33 = arith.andi %and3A, %ge3A_32 : vector<128x528xi1>
    %le3A_34 = arith.constant 47.5602722 : f32
    %le3A_35 = vector.broadcast %le3A_34 : f32 to vector<128x528xf32>
    %le3A_36 = arith.cmpf ole, %get3A_4, %le3A_35 : vector<128x528xf32>
    %and3A_37 = arith.andi %and3A_33, %le3A_36 : vector<128x528xi1>
    %broadcast_in_dim3A = arith.constant 0.000000e+00 : f32
    %broadcast_in_dim3A_38 = vector.broadcast %broadcast_in_dim3A : f32 to vector<128x528xf32>
    %select_n3A = arith.select %and3A_37, %get3A_7, %broadcast_in_dim3A_38 : vector<128x528xi1>, vector<128x528xf32>
    %mul3A = arith.constant 128 : i32
    %mul3A_39 = arith.muli %arg0, %mul3A : i32
    %iota3A = tpu.iota {dimensions = array<i32: 0>} : vector<128x528xi32>
    %add3A = vector.broadcast %mul3A_39 : i32 to vector<128x528xi32>
    %add3A_40 = arith.addi %add3A, %iota3A : vector<128x528xi32>
    %sub3A_41 = arith.subi %min3A_25, %add3A_40 : vector<128x528xi32>
    %jit3A_42 = arith.constant -1 : i32
    %jit3A_43 = arith.constant 4 : i32
    %max3A_44 = vector.broadcast %jit3A_42 : i32 to vector<128x528xi32>
    %max3A_45 = arith.maxsi %max3A_44, %sub3A_41 : vector<128x528xi32>
    %min3A_46 = vector.broadcast %jit3A_43 : i32 to vector<128x528xi32>
    %min3A_47 = arith.minsi %min3A_46, %max3A_45 : vector<128x528xi32>
    %jit3A_48 = arith.constant 128 : i32
    %div3A_49 = vector.broadcast %jit3A_48 : i32 to vector<128x528xi32>
    %div3A_50 = arith.divsi %add3A_40, %div3A_49 : vector<128x528xi32>
    %sign3A = arith.constant 0 : i32
    %sign3A_51 = vector.broadcast %sign3A : i32 to vector<128x528xi32>
    %sign3A_52 = arith.cmpi sgt, %add3A_40, %sign3A_51 : vector<128x528xi32>
    %sign3A_53 = arith.extui %sign3A_52 : vector<128x528xi1> to vector<128x528xi32>
    %sign3A_54 = arith.constant 0 : i32
    %sign3A_55 = vector.broadcast %sign3A_54 : i32 to vector<128x528xi32>
    %sign3A_56 = arith.cmpi slt, %add3A_40, %sign3A_55 : vector<128x528xi32>
    %sign3A_57 = arith.extui %sign3A_56 : vector<128x528xi1> to vector<128x528xi32>
    %sign3A_58 = arith.subi %sign3A_53, %sign3A_57 : vector<128x528xi32>
    %sign3A_59 = arith.constant 0 : i32
    %sign3A_60 = arith.cmpi sgt, %jit3A_48, %sign3A_59 : i32
    %sign3A_61 = arith.extui %sign3A_60 : i1 to i32
    %sign3A_62 = arith.constant 0 : i32
    %sign3A_63 = arith.cmpi slt, %jit3A_48, %sign3A_62 : i32
    %sign3A_64 = arith.extui %sign3A_63 : i1 to i32
    %sign3A_65 = arith.subi %sign3A_61, %sign3A_64 : i32
    %ne3A = vector.broadcast %sign3A_65 : i32 to vector<128x528xi32>
    %ne3A_66 = arith.cmpi ne, %sign3A_58, %ne3A : vector<128x528xi32>
    %rem3A = vector.broadcast %jit3A_48 : i32 to vector<128x528xi32>
    %rem3A_67 = arith.remsi %add3A_40, %rem3A : vector<128x528xi32>
    %ne3A_68 = arith.constant 0 : i32
    %ne3A_69 = vector.broadcast %ne3A_68 : i32 to vector<128x528xi32>
    %ne3A_70 = arith.cmpi ne, %rem3A_67, %ne3A_69 : vector<128x528xi32>
    %and3A_71 = arith.andi %ne3A_66, %ne3A_70 : vector<128x528xi1>
    %sub3A_72 = arith.constant 1 : i32
    %sub3A_73 = vector.broadcast %sub3A_72 : i32 to vector<128x528xi32>
    %sub3A_74 = arith.subi %div3A_50, %sub3A_73 : vector<128x528xi32>
    %select_n3A_75 = arith.select %and3A_71, %sub3A_74, %div3A_50 : vector<128x528xi1>, vector<128x528xi32>
    %mul3A_76 = arith.constant 128 : i32
    %mul3A_77 = vector.broadcast %mul3A_76 : i32 to vector<128x528xi32>
    %mul3A_78 = arith.muli %select_n3A_75, %mul3A_77 : vector<128x528xi32>
    %sub3A_79 = arith.subi %add3A_40, %mul3A_78 : vector<128x528xi32>
    %mul3A_80 = arith.constant 136 : i32
    %mul3A_81 = vector.broadcast %mul3A_80 : i32 to vector<128x528xi32>
    %mul3A_82 = arith.muli %min3A_14, %mul3A_81 : vector<128x528xi32>
    %add3A_83 = arith.addi %mul3A_82, %sub3A_79 : vector<128x528xi32>
    %add3A_84 = arith.constant 1 : i32
    %add3A_85 = vector.broadcast %add3A_84 : i32 to vector<128x528xi32>
    %add3A_86 = arith.addi %add3A_83, %add3A_85 : vector<128x528xi32>
    %add3A_87 = arith.addi %add3A_86, %min3A_47 : vector<128x528xi32>
    %swap3A = arith.constant 0 : index
    %swap3A_88 = arith.constant 0 : index
    %swap3A_89 = vector.load %arg4[%swap3A, %swap3A_88] : memref<128x528xi32, #tpu.memory_space<vmem>>, vector<128x528xi32>
    tpu.vector_store %arg4[%swap3A, %swap3A_88], %add3A_87 {strides = array<i32>} : memref<128x528xi32, #tpu.memory_space<vmem>>, vector<128x528xi32>,
    %swap3A_90 = arith.constant 0 : index
    %swap3A_91 = arith.constant 0 : index
    %swap3A_92 = vector.load %arg5[%swap3A_90, %swap3A_91] : memref<128x528xf32, #tpu.memory_space<vmem>>, vector<128x528xf32>
    tpu.vector_store %arg5[%swap3A_90, %swap3A_91], %select_n3A {strides = array<i32>} : memref<128x528xf32, #tpu.memory_space<vmem>>, vector<128x528xf32>,
    return
  }
  func.func @transform_0(%arg0: i32) -> (i32, i32) {
    %c0_i32 = arith.constant 0 : i32
    %c0_i32_0 = arith.constant 0 : i32
    return %arg0, %c0_i32 : i32, i32
  }
  func.func @transform_1(%arg0: i32) -> (i32, i32) {
    %c0_i32 = arith.constant 0 : i32
    %c0_i32_0 = arith.constant 0 : i32
    return %arg0, %c0_i32 : i32, i32
  }
  func.func @transform_2(%arg0: i32) -> (i32, i32) {
    %c0_i32 = arith.constant 0 : i32
    %c0_i32_0 = arith.constant 0 : i32
    return %arg0, %c0_i32 : i32, i32
  }
  func.func @transform_3(%arg0: i32) -> (i32, i32) {
    %c0_i32 = arith.constant 0 : i32
    %c0_i32_0 = arith.constant 0 : i32
    return %arg0, %c0_i32 : i32, i32
  }
  func.func @transform_4(%arg0: i32) -> (i32, i32) {
    %c0_i32 = arith.constant 0 : i32
    %c0_i32_0 = arith.constant 0 : i32
    return %arg0, %c0_i32 : i32, i32
  }
}

module attributes {stable_mosaic.version = 14 : i64} {
  func.func @_combine_body(%arg0: i32, %arg1: memref<1x513x136xf32, #tpu.memory_space<vmem>>, %arg2: memref<1x513x136xf32, #tpu.memory_space<vmem>>, %arg3: memref<1x513x136xf32, #tpu.memory_space<vmem>>, %arg4: memref<513x128xf32, #tpu.memory_space<vmem>>) attributes {dimension_semantics = [#tpu.dimension_semantics<arbitrary>], iteration_bounds = array<i64: 65>, scalar_prefetch = 0 : i64, scratch_operands = 0 : i64, tpu.core_type = #tpu.core_type<tc>, window_params = [{transform_indices = @transform_0, window_bounds = array<i64: 1, 513, 136>}, {transform_indices = @transform_1, window_bounds = array<i64: 1, 513, 136>}, {transform_indices = @transform_2, window_bounds = array<i64: 1, 513, 136>}, {transform_indices = @transform_3, window_bounds = array<i64: 513, 128>}]} {
    %get3A = arith.constant 0 : index
    %get3A_0 = arith.constant 0 : index
    %get3A_1 = arith.constant 0 : index
    %get3A_2 = vector.load %arg1[%get3A, %get3A_0, %get3A_1] : memref<1x513x136xf32, #tpu.memory_space<vmem>>, vector<1x513x136xf32>
    %get3A_3 = vector.shape_cast %get3A_2 : vector<1x513x136xf32> to vector<513x136xf32>
    %get3A_4 = arith.constant 0 : index
    %get3A_5 = arith.constant 0 : index
    %get3A_6 = arith.constant 0 : index
    %get3A_7 = vector.load %arg2[%get3A_4, %get3A_5, %get3A_6] : memref<1x513x136xf32, #tpu.memory_space<vmem>>, vector<1x513x136xf32>
    %get3A_8 = vector.shape_cast %get3A_7 : vector<1x513x136xf32> to vector<513x136xf32>
    %get3A_9 = arith.constant 0 : index
    %get3A_10 = arith.constant 0 : index
    %get3A_11 = arith.constant 0 : index
    %get3A_12 = vector.load %arg3[%get3A_9, %get3A_10, %get3A_11] : memref<1x513x136xf32, #tpu.memory_space<vmem>>, vector<1x513x136xf32>
    %get3A_13 = vector.shape_cast %get3A_12 : vector<1x513x136xf32> to vector<513x136xf32>
    %slice3A = vector.extract_strided_slice %get3A_3 {offsets = [0, 1], sizes = [513, 128], strides = [1, 1]} : vector<513x136xf32> to vector<513x128xf32>
    %slice3A_14 = vector.extract_strided_slice %get3A_8 {offsets = [0, 129], sizes = [513, 4], strides = [1, 1]} : vector<513x136xf32> to vector<513x4xf32>
    %broadcast_in_dim3A = arith.constant 0.000000e+00 : f32
    %broadcast_in_dim3A_15 = vector.broadcast %broadcast_in_dim3A : f32 to vector<513x124xf32>
    %concatenate3A = tpu.concatenate %slice3A_14, %broadcast_in_dim3A_15 in 1 : vector<513x4xf32>, vector<513x124xf32> -> vector<513x128xf32>
    %broadcast_in_dim3A_16 = arith.constant 0.000000e+00 : f32
    %broadcast_in_dim3A_17 = vector.broadcast %broadcast_in_dim3A_16 : f32 to vector<513x127xf32>
    %slice3A_18 = vector.extract_strided_slice %get3A_13 {offsets = [0, 0], sizes = [513, 1], strides = [1, 1]} : vector<513x136xf32> to vector<513x1xf32>
    %concatenate3A_19 = tpu.concatenate %broadcast_in_dim3A_17, %slice3A_18 in 1 : vector<513x127xf32>, vector<513x1xf32> -> vector<513x128xf32>
    %gt3A = arith.constant 0 : i32
    %gt3A_20 = arith.cmpi sgt, %arg0, %gt3A : i32
    %jit3A = arith.constant 0.000000e+00 : f32
    %broadcast_in_dim3A_21 = vector.broadcast %jit3A : f32 to vector<513x128xf32>
    %select_n3A = arith.select %gt3A_20, %concatenate3A, %broadcast_in_dim3A_21 : vector<513x128xf32>
    %add3A = arith.addf %slice3A, %select_n3A : vector<513x128xf32>
    %lt3A = arith.constant 64 : i32
    %lt3A_22 = arith.cmpi slt, %arg0, %lt3A : i32
    %jit3A_23 = arith.constant 0.000000e+00 : f32
    %broadcast_in_dim3A_24 = vector.broadcast %jit3A_23 : f32 to vector<513x128xf32>
    %select_n3A_25 = arith.select %lt3A_22, %concatenate3A_19, %broadcast_in_dim3A_24 : vector<513x128xf32>
    %add3A_26 = arith.addf %add3A, %select_n3A_25 : vector<513x128xf32>
    %max3A = arith.constant 9.99999997E-7 : f32
    %max3A_27 = vector.broadcast %max3A : f32 to vector<513x128xf32>
    %max3A_28 = arith.maximumf %max3A_27, %add3A_26 : vector<513x128xf32>
    %log3A = math.log %max3A_28 : vector<513x128xf32>
    %mul3A = arith.constant 0.434294492 : f32
    %mul3A_29 = vector.broadcast %mul3A : f32 to vector<513x128xf32>
    %mul3A_30 = arith.mulf %log3A, %mul3A_29 : vector<513x128xf32>
    %mul3A_31 = arith.constant 2.000000e+01 : f32
    %mul3A_32 = vector.broadcast %mul3A_31 : f32 to vector<513x128xf32>
    %mul3A_33 = arith.mulf %mul3A_32, %mul3A_30 : vector<513x128xf32>
    %swap3A = arith.constant 0 : index
    %swap3A_34 = arith.constant 0 : index
    %swap3A_35 = vector.load %arg4[%swap3A, %swap3A_34] : memref<513x128xf32, #tpu.memory_space<vmem>>, vector<513x128xf32>
    tpu.vector_store %arg4[%swap3A, %swap3A_34], %mul3A_33 {strides = array<i32>} : memref<513x128xf32, #tpu.memory_space<vmem>>, vector<513x128xf32>,
    return
  }
  func.func @transform_0(%arg0: i32) -> (i32, i32, i32) {
    %c0_i32 = arith.constant 0 : i32
    %c0_i32_0 = arith.constant 0 : i32
    %c0_i32_1 = arith.constant 0 : i32
    return %arg0, %c0_i32, %c0_i32_0 : i32, i32, i32
  }
  func.func @transform_1(%arg0: i32) -> (i32, i32, i32) {
    %sub3A = arith.constant 1 : i32
    %sub3A_0 = arith.subi %arg0, %sub3A : i32
    %max3A = arith.constant 0 : i32
    %max3A_1 = arith.maxsi %sub3A_0, %max3A : i32
    %c0_i32 = arith.constant 0 : i32
    %c0_i32_2 = arith.constant 0 : i32
    %c0_i32_3 = arith.constant 0 : i32
    return %max3A_1, %c0_i32, %c0_i32_2 : i32, i32, i32
  }
  func.func @transform_2(%arg0: i32) -> (i32, i32, i32) {
    %add3A = arith.constant 1 : i32
    %add3A_0 = arith.addi %arg0, %add3A : i32
    %min3A = arith.constant 64 : i32
    %min3A_1 = arith.minsi %add3A_0, %min3A : i32
    %c0_i32 = arith.constant 0 : i32
    %c0_i32_2 = arith.constant 0 : i32
    %c0_i32_3 = arith.constant 0 : i32
    return %min3A_1, %c0_i32, %c0_i32_2 : i32, i32, i32
  }
  func.func @transform_3(%arg0: i32) -> (i32, i32) {
    %c0_i32 = arith.constant 0 : i32
    %c0_i32_0 = arith.constant 0 : i32
    return %c0_i32, %arg0 : i32, i32
  }
}

</mosaic_0001>

<sc_bundles>
// kernel: kernel.6.cloned.1.call-start
scs
__scs_entry_jumppad:
0x0: {  	(pc) =	sbr.rel $0x88, $3  }
0x1: {  	(tag) =	ssettag $0x0;
	lr =	simm.s32 $0x1  }
0x2: {  	[smem:$0x3F9F] =	sst lr;
	_ =	strace $0xD0000000  }
0x3: {  	_ = 	snop  }
0x4: {  	_ = 	snop  }
0x5: {  	_ = 	snop  }
0x6: {  	_ = 	snop  }
0x7: {  	_ = 	snop  }
__scs_overlays_trampoline_lowered:
0x8: {  	[smem:$0x3FAE] =	sst s0  }
0x9: {  	[smem:$0x3FAF] =	sst s1  }
0xa: {  	[smem:$0x3FB0] =	sst s2  }
0xb: {  	[smem:$0x3FB1] =	sst s3  }
0xc: {  	[smem:$0x3FB2] =	sst s4  }
0xd: {  	[smem:$0x3FB3] =	sst s5  }
0xe: {  	[smem:$0x3FB4] =	sst s6  }
0xf: {  	[smem:$0x3FB5] =	sst s7  }
0x10: {  	[smem:$0x3FB6] =	sst s8  }
0x11: {  	[smem:$0x3FB7] =	sst s9;
	s0 =	simm.s32 @!p0 $0x0  }
0x12: {  	s1 =	sld [smem:$0x3F9D];
	s0 =	simm.s32 @p0 $0x1  }
0x13: {  	[smem:$0x3FB8] =	sst s0;
	s0 =	simm.s32 @!p1 $0x0  }
0x14: {  	s2 =	sld [smem:$0x3F9C];
	s0 =	simm.s32 @p1 $0x1  }
0x15: {  	[smem:$0x3FB9] =	sst s0;
	s0 =	simm.s32 @!p2 $0x0  }
0x16: {  	s3 =	sld [smem:$0x3FDB];
	s0 =	simm.s32 @p2 $0x1  }
0x17: {  	s4 =	simm.s32 $0x1BF5;
	[smem:$0x3FBB] =	sst s0  }
0x18: {  	s0 =	sld [smem:$0x3F9E];
	_ =	swait.ge [sflag:s4], $0x0  }
0x19: {  	s7 =	sld [smem:$0x3F9F]  }
0x1a: {  	s8 =	sadd.s32 $0xFFFFE003, lr  }
0x1b: {  	s9 =	sadd.s32 $0xFFFFFEF7, lr;
	s5 =	simm.s32 $0xFFFFFFFF;
	p2 =	slt.u32 s8, $0xFFFFF086  }
0x1c: {  	p1 =	slt.u32 s9, $0xF7A;
	s5 =	simm.s32 @!p2 $0x0  }
0x1d: {  	s5 =	simm.s32 @p1 $0x1;
	p0 =	seq.s32 s7, s2  }
0x1e: {  	s7 =	smul.u32 @!p0 $0xF7A, s2;
	p2 =	seq.s32 @!p0 s5, $0x0  }
0x1f: {  	s9 =	smul.u32 $0xF7A, s1;
	s8 =	simm.s32 @!p0 $0x1BF5;
	p2 =	por !p2, p0  }
0x20: {  	[sflag:s8] =	ssyncset.s32 @!p0 $0xFFFFF086;
	s6 =	sadd.s32 @!p0 s3, s7;
	s7 =	simm.s32 @!p0 $0x108  }
0x21: {  	s3 =	sadd.s32 s3, s9;
	s6 =	sadd.s32 @!p0 $0x88, s6;
	s7 =	simm.s32 @p2 $0x1082  }
0x22: {  	[simem:s7], [sflag:s8] =	dma.local @!p0 [hbm:s6], $0xF7A  }
0x23: {  	s9 =	sor.u32 $0xD0000000, s2;
	s6 =	simm.s32 $0x108;
	_ =	swait.ge @!p0 [sflag:s8], $0x0  }
0x24: {  	s3 =	sadd.s32 $0x88, s3;
	s6 =	simm.s32 @!p1 $0x1082;
	[sflag:s4] =	ssyncset.s32 $0xFFFFF086  }
0x25: {  	[simem:s6], [sflag:s4] =	dma.local [hbm:s3], $0xF7A  }
0x26: {  	[smem:$0x3F9F] =	sst s1;
	(tag) =	ssettag s2;
	_ =	strace s9  }
0x27: {  	s1 =	sld [smem:$0x3FAF]  }
0x28: {  	s2 =	sld [smem:$0x3FB0]  }
0x29: {  	s4 =	sld [smem:$0x3FB2]  }
0x2a: {  	p0 =	seq.s32 s5, $0x0;
	s5 =	sld [smem:$0x3FB3]  }
0x2b: {  	s6 =	sld [smem:$0x3FB4]  }
0x2c: {  	s7 =	sld [smem:$0x3FB5]  }
0x2d: {  	s3 =	simm.s32 $0x108;
	s8 =	sld [smem:$0x3FB6]  }
0x2e: {  	s3 =	simm.s32 @!p0 $0x1082;
	s9 =	sld [smem:$0x3FB7]  }
0x2f: {  	lr =	sadd.s32 s0, s3;
	s0 =	sld [smem:$0x3FAE]  }
0x30: {  	s3 =	sld [smem:$0x3FB1]  }
0x31: {  	[smem:$0x3FBA] =	sst s10  }
0x32: {  	s10 =	sld [smem:$0x3FB8];
	_ =	sdelay $0x3  }
0x33: {  	p0 =	seq.s32 s10, $0x1;
	s10 =	sld [smem:$0x3FBA];
	_ =	sdelay $0x3  }
0x34: {  	[smem:$0x3FBA] =	sst s10  }
0x35: {  	s10 =	sld [smem:$0x3FB9];
	_ =	sdelay $0x3  }
0x36: {  	p1 =	seq.s32 s10, $0x1;
	s10 =	sld [smem:$0x3FBA];
	_ =	sdelay $0x3  }
0x37: {  	[smem:$0x3FBA] =	sst s10  }
0x38: {  	s10 =	sld [smem:$0x3FBB]  }
0x39: {  	_ = 	snop;
	(pc) =	sbr.ind lr, $3  }
0x3a: {  	_ = 	snop  }
0x3b: {  	_ = 	snop  }
0x3c: {  	p2 =	seq.s32 s10, $0x1;
	s10 =	sld [smem:$0x3FBA]  }
0x3d: {  	_ =	shalt  }
0x3e: {  	_ =	shalt  }
0x3f: {  	_ =	shalt  }
0x40: {  	_ =	shalt  }
0x41: {  	_ =	shalt  }
0x42: {  	_ =	shalt  }
0x43: {  	_ =	shalt  }
0x44: {  	_ =	shalt  }
0x45: {  	_ =	shalt  }
0x46: {  	_ =	shalt  }
0x47: {  	_ =	shalt  }
0x48: {  	_ =	shalt  }
0x49: {  	_ =	shalt  }
0x4a: {  	_ =	shalt  }
0x4b: {  	_ =	shalt  }
0x4c: {  	_ =	shalt  }
0x4d: {  	_ =	shalt  }
0x4e: {  	_ =	shalt  }
0x4f: {  	_ =	shalt  }
0x50: {  	_ =	shalt  }
0x51: {  	_ =	shalt  }
0x52: {  	_ =	shalt  }
0x53: {  	_ =	shalt  }
0x54: {  	_ =	shalt  }
0x55: {  	_ =	shalt  }
0x56: {  	_ =	shalt  }
0x57: {  	_ =	shalt  }
0x58: {  	_ =	shalt  }
0x59: {  	_ =	shalt  }
0x5a: {  	_ =	shalt  }
0x5b: {  	_ =	shalt  }
0x5c: {  	_ =	shalt  }
0x5d: {  	_ =	shalt  }
0x5e: {  	_ =	shalt  }
0x5f: {  	_ =	shalt  }
0x60: {  	_ =	shalt  }
0x61: {  	_ =	shalt  }
0x62: {  	_ =	shalt  }
0x63: {  	_ =	shalt  }
0x64: {  	_ =	shalt  }
0x65: {  	_ =	shalt  }
0x66: {  	_ =	shalt  }
0x67: {  	_ =	shalt  }
0x68: {  	_ =	shalt  }
0x69: {  	_ =	shalt  }
0x6a: {  	_ =	shalt  }
0x6b: {  	_ =	shalt  }
0x6c: {  	_ =	shalt  }
0x6d: {  	_ =	shalt  }
0x6e: {  	_ =	shalt  }
0x6f: {  	_ =	shalt  }
0x70: {  	_ =	shalt  }
0x71: {  	_ =	shalt  }
0x72: {  	_ =	shalt  }
0x73: {  	_ =	shalt  }
0x74: {  	_ =	shalt  }
0x75: {  	_ =	shalt  }
0x76: {  	_ =	shalt  }
0x77: {  	_ =	shalt  }
0x78: {  	_ =	shalt  }
0x79: {  	_ =	shalt  }
0x7a: {  	_ =	shalt  }
0x7b: {  	_ =	shalt  }
0x7c: {  	_ =	shalt  }
0x7d: {  	_ =	shalt  }
0x7e: {  	_ =	shalt  }
0x7f: {  	_ =	shalt  }
0x80: {  	_ =	shalt  }
0x81: {  	_ =	shalt  }
0x82: {  	_ =	shalt  }
0x83: {  	_ =	shalt  }
0x84: {  	_ =	shalt  }
0x85: {  	_ =	shalt  }
0x86: {  	_ =	shalt  }
0x87: {  	_ =	shalt  }
.Lfunc_end0:
.L_simem_size_0:
called_computation.6_lowered:
.L_overlay_start_0:
0x88: {  	s2 =	sld [smem:$0x3FD9]  }
0x89: {  	s3 =	sld [smem:$0x3FFE];
	_ =	sdelay $0x1  }
0x8a: {  	s1 =	srdreg.scid  }
0x8b: {  	s0 =	sand.u32 $0x1, s1  }
0x8c: {  	s16 =	sshll.u32 s0, $0xA;
	s2 =	sadd.s32 s3, s2  }
0x8d: {  	s2 =	sadd.s32 s2, s16  }
0x8e: {  	[smem:$0x3FC6] =	sst s2  }
0x8f: {  	_ = 	snop  }
0x90: {  	(tm) =	ssettm $0x1  }
0x91: {  	s17 =	sld [smem:$0x3FFB];
	_ =	sdelay $0x3  }
0x92: {  	_ =	strace s17  }
0x93: {  	s2 =	sld [smem:$0x3FFC];
	_ =	sdelay $0x3  }
0x94: {  	_ =	strace s2  }
0x95: {  	s2 =	sld [smem:$0x3FFD];
	_ =	sdelay $0x3  }
0x96: {  	_ =	strace s2  }
0x97: {  	_ =	strace $0x8FFFFFFF  }
0x98: {  	s18 =	sld [smem:$0x3FDB];
	_ =	sdelay $0x1  }
0x99: {  	s19 =	simm.s32 $_scs_section_size  }
0x9a: {  	s4 =	simm.s32 $_size__tile_overlayer_lowered;
	s5 =	simm.s32 $_tile_overlayer_lowered  }
0x9b: {  	s22 =	simm.s32 $0x1BFF;
	s21 =	sshll.u32 s5, $0x1;
	s2 =	sadd.s32 s19, s18  }
0x9c: {  	s6 =	simm.s32 $0x0;
	s20 =	sshll.u32 s4, $0x1;
	s4 =	sadd.s32 s21, s2  }
0x9d: {  	[timem:s6], [sflag:s22] =	dma.local [hbm:s4], s20  }
0x9e: {  	_ =	swait.ge [sflag:s22], s20  }
0x9f: {  	s3 =	ssub.s32 $0x0, s20;
	[sflag:s22] =	ssyncset.done $0x0  }
0xa0: {  	[sflag:s22] =	ssyncadd.s32 s3;
	_ =	sdelay $0x1  }
0xa1: {  	s23 =	simm.s32 $0x1B8B  }
0xa2: {  	_ =	swait.ge [sflag:s23], $0x1  }
0xa3: {  	[sflag:s23] =	ssyncset.done $0x0  }
0xa4: {  	s25 =	simm.s32 $0x1B8E;
	s24 =	sld [smem:$0x3FFE];
	[sflag:s23] =	ssyncadd.s32 $0xFFFFFFFF  }
0xa5: {  	s26 =	simm.s32 $execute0_lowered;
	[smem:$0x3FD2] =	sst s25  }
0xa6: {  	s4 =	sshll.u32 s26, $0x1;
	_ =	strace $0x80000058;
	[dreg:$0x1] =	wrdreg $0xFFFFFFFF  }
0xa7: {  	s28 =	simm.s32 $_size_execute0_lowered;
	s2 =	sadd.s32 s2, s4;
	[dreg:$0x0] =	wrdreg $0x0  }
0xa8: {  	s4 =	sshll.u32 s28, $0x1;
	[dreg:$0x2] =	wrdreg s2  }
0xa9: {  	[dreg:$0x3] =	wrdreg s4  }
0xaa: {  	[dreg:$0x4] =	wrdreg $0xC0  }
0xab: {  	_ =	task [dreg:s6], $0x5FFFF  }
0xac: {  	[dreg:$0x1] =	wrdreg $0xFFFFFFFF  }
0xad: {  	[dreg:$0x0] =	wrdreg $0x60  }
0xae: {  	[dreg:$0x2] =	wrdreg s24  }
0xaf: {  	[dreg:$0x3] =	wrdreg $0x9  }
0xb0: {  	_ =	task.clear_ibuf [dreg:s6], $0x4FFFF;
	_ =	strace $0x90000058  }
0xb1: {  	s29 =	simm.s32 $0x9;
	_ =	strace $0x8000005A  }
0xb2: {  	_ =	swait.ge [sflag:s29], $0x1  }
0xb3: {  	[sflag:s29] =	ssyncadd.s32 $0xFFFFFFFF  }
0xb4: {  	_ =	strace $0x9000005A  }
0xb5: {  	_ =	sfence  }
0xb6: {  	s30 =	sld [smem:$0x0];
	_ =	sdelay $0x2  }
0xb7: {  	s31 =	sshll.u32 s1, $0xD;
	s1 =	sshrl.u32 s1, $0x2  }
0xb8: {  	s3 =	sand.u32 $0x4000, s31;
	s1 =	sadd.s32 s1, s30  }
0xb9: {  	s0 =	sor.u32 s3, s0;
	s1 =	sshll.u32 s1, $0x11  }
0xba: {  	s0 =	sor.u32 s1, s0  }
0xbb: {  	s0 =	sadd.s32 $0x8F2B, s0  }
0xbc: {  	[sflag:s0] =	ssyncadd.remote.s32 $0x1  }
0xbd: {  	_ =	sfence.sel $0xFFFF  }
0xbe: {  	[dreg:$0x0] =	wrdreg $0xFFFFFFFF;
	(pc) =	sbr.abs _section_cstart, $3  }
0xbf: {  	[dreg:$0x1] =	wrdreg $0xFFFFFFFF  }
0xc0: {  	_ =	task.clear_ibuf [dreg:s6], $0x2FFFF;
	_ =	strace $0x9FFFFFFF  }
0xc1: {  	(tm) =	ssettm $0x7FFFFFFF  }
tec
execute0_lowered:
.L_overlay_start_1:
0x0: {  	(tag) =	ssettag $0x1  }
0x1: {  	s0 =	srdreg.scid;
	s10 =	stileid.u32  }
0x2: {  	s0 =	sand.u32 $0x1, s0;
	s1 =	sshll.u32 s10, $0x1  }
0x3: {  	s6 =	sor.u32 s0, s1  }
0x4: {  	s5 =	rddreg [dreg:$0x0];
	s1 =	smul.u32 $0x10800, s6  }
0x5: {  	s2 =	sadd.s32 $0x5E00, s5;
	s0 =	ssub.s32 $0x2, s0  }
0x6: {  	s4 =	sadd.s32 $0x8C000, s5;
	s3 =	sshrl.u32 s0, $0x1;
	s16 =	sshrl.u32 s1, $0x3  }
0x7: {  	s7 =	ssub.s32 s0, s3;
	s1 =	sadd.s32 s2, s16;
	s17 =	sadd.s32 s4, s16  }
0x8: {  	s18 =	sadd.s32 $0x420, s16;
	s20 =	sadd.s32 $0x840, s16;
	[dreg:$0x2] =	wrdreg s1  }
0x9: {  	s22 =	sadd.s32 $0xC60, s16;
	[dreg:$0x3] =	wrdreg s17;
	s19 =	sadd.s32 s2, s18  }
0xa: {  	s24 =	sadd.s32 $0x1080, s16;
	s1 =	sadd.s32 s4, s18;
	[dreg:$0x4] =	wrdreg s19  }
0xb: {  	s26 =	sadd.s32 $0x14A0, s16;
	s21 =	sadd.s32 s2, s20;
	[dreg:$0x5] =	wrdreg s1  }
0xc: {  	s8 =	sadd.s32 $0x18C0, s16;
	s23 =	sadd.s32 s2, s22;
	[dreg:$0x6] =	wrdreg s21  }
0xd: {  	s0 =	sadd.s32 $0x1CE0, s16;
	s25 =	sadd.s32 s2, s24;
	[dreg:$0x8] =	wrdreg s23  }
0xe: {  	s11 =	sadd.s32 s2, s26;
	s3 =	sadd.s32 s4, s26;
	[dreg:$0xa] =	wrdreg s25  }
0xf: {  	s13 =	sadd.s32 s2, s8;
	s1 =	sadd.s32 s4, s20;
	[dreg:$0xc] =	wrdreg s11  }
0x10: {  	s14 =	sadd.s32 s4, s8;
	[dreg:$0x7] =	wrdreg s1;
	s1 =	sadd.s32 s4, s22  }
0x11: {  	s15 =	sadd.s32 s2, s0;
	[dreg:$0x9] =	wrdreg s1;
	s1 =	sadd.s32 s4, s24  }
0x12: {  	s16 =	sadd.s32 s4, s0;
	[dreg:$0xb] =	wrdreg s1;
	s1 =	sor.u32 $0x20, s6  }
0x13: {  	[dreg:$0xd] =	wrdreg s3;
	s9 =	smul.u32 $0x10800, s1;
	s1 =	sshrl.u32 s1, $0x3  }
0x14: {  	s22 =	sshrl.u32 s10, $0x2;
	s11 =	smul.u32 $0x88800, s1;
	s1 =	simm.s32 $0x0  }
0x15: {  	s8 =	smul.u32 $0x88800, s22;
	s12 =	sshrl.u32 s9, $0x3;
	[smem:$0x7FF] =	sst s1  }
0x16: {  	s9 =	sadd.s32 $0x420, s12;
	s23 =	sadd.s32 $0x840, s12;
	s24 =	sadd.s32 $0xC60, s12  }
0x17: {  	s25 =	sadd.s32 $0x1080, s12;
	s26 =	sadd.s32 $0x14A0, s12;
	s28 =	sadd.s32 s2, s12  }
0x18: {  	s10 =	sadd.s32 $0x18C0, s12;
	s29 =	sadd.s32 s4, s12;
	s3 =	sadd.s32 $0x1CE0, s12  }
0x19: {  	s12 =	sshll.u32 s6, $0x7;
	_ =	strace $0x80000059;
	s17 =	sadd.s32 s2, s9  }
0x1a: {  	s18 =	sadd.s32 s4, s9;
	s19 =	sadd.s32 s2, s23;
	s20 =	sadd.s32 s4, s23  }
0x1b: {  	s21 =	sadd.s32 s2, s24;
	s22 =	sadd.s32 s4, s24;
	s23 =	sadd.s32 s2, s25  }
0x1c: {  	s24 =	sadd.s32 s4, s25;
	s25 =	sadd.s32 s2, s26;
	s26 =	sadd.s32 s4, s26  }
0x1d: {  	s30 =	sadd.s32 s2, s10;
	s31 =	sadd.s32 s4, s10;
	s0 =	sadd.s32 s2, s3  }
0x1e: {  	s2 =	sadd.s32 s4, s3;
	s4 =	sand.u32 $0x380, s12;
	s12 =	sadd.s32 $0x110000, s5  }
0x1f: {  	s9 =	sor.u32 s4, s11;
	s11 =	sadd.s32 $0x89E00, s5;
	[dreg:$0xf] =	wrdreg s12  }
0x20: {  	s8 =	sor.u32 s8, s4;
	s12 =	sadd.s32 $0x8A640, s5;
	[dreg:$0xe] =	wrdreg s11  }
0x21: {  	s4 =	sadd.s32 $0x112200, s5;
	s11 =	sadd.s32 $0x110420, s5;
	[dreg:$0x12] =	wrdreg s12  }
0x22: {  	s10 =	sshrl.u32 s8, $0x3;
	s12 =	sadd.s32 $0x110C60, s5;
	[dreg:$0x11] =	wrdreg s11  }
0x23: {  	s8 =	sshrl.u32 s9, $0x3;
	s9 =	sadd.s32 $0x111080, s5;
	[dreg:$0x15] =	wrdreg s12  }
0x24: {  	s3 =	sadd.s32 s4, s10;
	s10 =	sadd.s32 $0x8A220, s5;
	[dreg:$0x16] =	wrdreg s9  }
0x25: {  	s11 =	sadd.s32 $0x8AA60, s5;
	[dreg:$0x10] =	wrdreg s10  }
0x26: {  	s12 =	sadd.s32 $0x1114A0, s5;
	[dreg:$0x14] =	wrdreg s11  }
0x27: {  	s9 =	sadd.s32 $0x8B6C0, s5;
	[dreg:$0x19] =	wrdreg s12  }
0x28: {  	s10 =	sadd.s32 $0x110840, s5;
	[dreg:$0x1a] =	wrdreg s9  }
0x29: {  	s11 =	sadd.s32 $0x8B2A0, s5;
	[dreg:$0x13] =	wrdreg s10  }
0x2a: {  	s12 =	sadd.s32 $0x111CE0, s5;
	[dreg:$0x18] =	wrdreg s11  }
0x2b: {  	p0 =	sne.s32 s6, $0x0;
	s10 =	sadd.s32 $0x8AE80, s5;
	[dreg:$0x1d] =	wrdreg s12  }
.Ltmp0:
0x2c: {  	s11 =	sadd.s32 $0x8BAE0, s5;
	[dreg:$0x17] =	wrdreg s10;
	(pc) =	sbr.rel .LBB2_1-.Ltmp0, $4  }
0x2d: {  	s6 =	simm.s32 $0x1;
	s10 =	sadd.s32 $0x1118C0, s5;
	[dreg:$0x1c] =	wrdreg s11  }
0x2e: {  	s4 =	sadd.s32 s4, s8;
	s5 =	sadd.s32 $0x19AA00, s5;
	[dreg:$0x1b] =	wrdreg s10  }
0x2f: {  	s8 =	simm.s32 $0x4200;
	s9 =	simm.s32 $0x80;
	[dreg:$0x1e] =	wrdreg s5  }
0x30: {  	v0 =	vimm.f32 $0.0e+00;
	s5 =	smax.u32 s7, $0x1;
	s7 =	simm.s32 $0x2100;
	s10 =	simm.s32 $0x400  }
.LBB2_56:
0x31: {  	v1 =	vld [tilespmem:s12+$0x0];
	_ =	sdelay $0x2  }
0x32: {  	v2 =	vld [tilespmem:s12+$0x2100];
	_ =	sdelay $0x4  }
0x33: {  	s11 =	rddreg [dreg:$0x1e];
	[tilespmem:v1+s8+$0x0] =	vst.idx.add.f32.msk $0xffff, v2  }
0x34: {  	[hbm4b:s11+s9] =	stream.strided.scatter [tilespmem:s8], [sflag:$0x1], $0x11100, s10, s9, $0x38;
	[tilespmem:$0x15300] =	vst v63  }
0x35: {  	_ =	swait.ge [sflag:s6], $0x11100  }
0x36: {  	[sflag:s6] =	ssyncset.done $0x0  }
0x37: {  	[sflag:s6] =	ssyncadd.s32 $0xFFFEEF00  }
.LBB2_57:
0x38: {  	s1 =	sadd.s32 $0x1, s1  }
0x39: {  	p1 =	sne.s32 s1, s5  }
.Ltmp1:
0x3a: {  	_ = 	snop;
	(pc) =	sbr.rel @!p1 .LBB2_58-.Ltmp1, $1  }
0x3b: {  	_ =	sdelay $0x3  }
.LBB2_1:
0x3c: {  	s11 =	simm.s32 $0x40;
	s12 =	simm.s32 $0x0  }
.LBB2_2:
0x3d: {  	p1 =	sne.s32 s11, $0x441C0;
	[tilespmem:s12+$0x4200] =	vst v0;
	s12 =	smov.u32 s11;
	s11 =	sadd.s32 $0x40, s11  }
.Ltmp2:
0x3e: {  	(pc) =	sbr.rel @p1 .LBB2_2-.Ltmp2, $2  }
0x3f: {  	_ =	sdelay $0x2  }
0x40: {  	s12 =	sshra.s32 s12, $0x2  }
0x41: {  	[tilespmem:s12+$0x4200] =	vst v0;
	s11 =	simm.s32 $0x0;
	s12 =	rddreg [dreg:$0x2]  }
0x42: {  	[tilespmem:s11], [sflag:$0x1] =	stream.linear.gather [hbm4b:s12+s11], $0x2100, $0x38;
	[tilespmem:$0x15300] =	vst v63  }
0x43: {  	_ =	swait.ge [sflag:s6], $0x2100  }
0x44: {  	[sflag:s6] =	ssyncset.done $0x0  }
0x45: {  	s12 =	rddreg [dreg:$0x3];
	[sflag:s6] =	ssyncadd.s32 $0xFFFFDF00  }
0x46: {  	[tilespmem:s7], [sflag:$0x1] =	stream.linear.gather [hbm4b:s12+s11], $0x2100, $0x38;
	[tilespmem:$0x15300] =	vst v63  }
0x47: {  	_ =	swait.ge [sflag:s6], $0x2100  }
0x48: {  	[sflag:s6] =	ssyncset.done $0x0  }
0x49: {  	s12 =	simm.s32 $0x0;
	s11 =	simm.s32 $0x40;
	[sflag:s6] =	ssyncadd.s32 $0xFFFFDF00  }
.LBB2_4:
0x4a: {  	p1 =	sne.s32 s11, $0x83C0;
	v1 =	vld [tilespmem:s12+$0x0];
	_ =	sdelay $0x2  }
0x4b: {  	v2 =	vld [tilespmem:s12+$0x2100]  }
.Ltmp3:
0x4c: {  	(pc) =	sbr.rel @p1 .LBB2_4-.Ltmp3, $2  }
0x4d: {  	_ =	sdelay $0x2  }
0x4e: {  	s12 =	sshra.s32 s11, $0x2;
	s11 =	sadd.s32 $0x40, s11;
	[tilespmem:v1+s8+$0x0] =	vst.idx.add.f32.msk $0xffff, v2  }
0x4f: {  	v1 =	vld [tilespmem:s12+$0x0];
	_ =	sdelay $0x2  }
0x50: {  	v2 =	vld [tilespmem:s12+$0x2100];
	_ =	sdelay $0x4  }
0x51: {  	s11 =	simm.s32 $0x0;
	s12 =	rddreg [dreg:$0x4];
	[tilespmem:v1+s8+$0x0] =	vst.idx.add.f32.msk $0xffff, v2  }
0x52: {  	[tilespmem:s11], [sflag:$0x1] =	stream.linear.gather [hbm4b:s12+s11], $0x2100, $0x38;
	[tilespmem:$0x15300] =	vst v63  }
0x53: {  	_ =	swait.ge [sflag:s6], $0x2100  }
0x54: {  	[sflag:s6] =	ssyncset.done $0x0  }
0x55: {  	s12 =	rddreg [dreg:$0x5];
	[sflag:s6] =	ssyncadd.s32 $0xFFFFDF00  }
0x56: {  	[tilespmem:s7], [sflag:$0x1] =	stream.linear.gather [hbm4b:s12+s11], $0x2100, $0x38;
	[tilespmem:$0x15300] =	vst v63  }
0x57: {  	_ =	swait.ge [sflag:s6], $0x2100  }
0x58: {  	[sflag:s6] =	ssyncset.done $0x0  }
0x59: {  	s12 =	simm.s32 $0x0;
	s11 =	simm.s32 $0x40;
	[sflag:s6] =	ssyncadd.s32 $0xFFFFDF00  }
.LBB2_6:
0x5a: {  	p1 =	sne.s32 s11, $0x83C0;
	v1 =	vld [tilespmem:s12+$0x0];
	_ =	sdelay $0x2  }
0x5b: {  	v2 =	vld [tilespmem:s12+$0x2100]  }
.Ltmp4:
0x5c: {  	(pc) =	sbr.rel @p1 .LBB2_6-.Ltmp4, $2  }
0x5d: {  	_ =	sdelay $0x2  }
0x5e: {  	s12 =	sshra.s32 s11, $0x2;
	s11 =	sadd.s32 $0x40, s11;
	[tilespmem:v1+s8+$0x0] =	vst.idx.add.f32.msk $0xffff, v2  }
0x5f: {  	v1 =	vld [tilespmem:s12+$0x0];
	_ =	sdelay $0x2  }
0x60: {  	v2 =	vld [tilespmem:s12+$0x2100];
	_ =	sdelay $0x4  }
0x61: {  	s11 =	simm.s32 $0x0;
	s12 =	rddreg [dreg:$0x6];
	[tilespmem:v1+s8+$0x0] =	vst.idx.add.f32.msk $0xffff, v2  }
0x62: {  	[tilespmem:s11], [sflag:$0x1] =	stream.linear.gather [hbm4b:s12+s11], $0x2100, $0x38;
	[tilespmem:$0x15300] =	vst v63  }
0x63: {  	_ =	swait.ge [sflag:s6], $0x2100  }
0x64: {  	[sflag:s6] =	ssyncset.done $0x0  }
0x65: {  	s12 =	rddreg [dreg:$0x7];
	[sflag:s6] =	ssyncadd.s32 $0xFFFFDF00  }
0x66: {  	[tilespmem:s7], [sflag:$0x1] =	stream.linear.gather [hbm4b:s12+s11], $0x2100, $0x38;
	[tilespmem:$0x15300] =	vst v63  }
0x67: {  	_ =	swait.ge [sflag:s6], $0x2100  }
0x68: {  	[sflag:s6] =	ssyncset.done $0x0  }
0x69: {  	s12 =	simm.s32 $0x0;
	s11 =	simm.s32 $0x40;
	[sflag:s6] =	ssyncadd.s32 $0xFFFFDF00  }
.LBB2_8:
0x6a: {  	p1 =	sne.s32 s11, $0x83C0;
	v1 =	vld [tilespmem:s12+$0x0];
	_ =	sdelay $0x2  }
0x6b: {  	v2 =	vld [tilespmem:s12+$0x2100]  }
.Ltmp5:
0x6c: {  	(pc) =	sbr.rel @p1 .LBB2_8-.Ltmp5, $2  }
0x6d: {  	_ =	sdelay $0x2  }
0x6e: {  	s12 =	sshra.s32 s11, $0x2;
	s11 =	sadd.s32 $0x40, s11;
	[tilespmem:v1+s8+$0x0] =	vst.idx.add.f32.msk $0xffff, v2  }
0x6f: {  	v1 =	vld [tilespmem:s12+$0x0];
	_ =	sdelay $0x2  }
0x70: {  	v2 =	vld [tilespmem:s12+$0x2100];
	_ =	sdelay $0x4  }
0x71: {  	s11 =	simm.s32 $0x0;
	s12 =	rddreg [dreg:$0x8];
	[tilespmem:v1+s8+$0x0] =	vst.idx.add.f32.msk $0xffff, v2  }
0x72: {  	[tilespmem:s11], [sflag:$0x1] =	stream.linear.gather [hbm4b:s12+s11], $0x2100, $0x38;
	[tilespmem:$0x15300] =	vst v63  }
0x73: {  	_ =	swait.ge [sflag:s6], $0x2100  }
0x74: {  	[sflag:s6] =	ssyncset.done $0x0  }
0x75: {  	s12 =	rddreg [dreg:$0x9];
	[sflag:s6] =	ssyncadd.s32 $0xFFFFDF00  }
0x76: {  	[tilespmem:s7], [sflag:$0x1] =	stream.linear.gather [hbm4b:s12+s11], $0x2100, $0x38;
	[tilespmem:$0x15300] =	vst v63  }
0x77: {  	_ =	swait.ge [sflag:s6], $0x2100  }
0x78: {  	[sflag:s6] =	ssyncset.done $0x0  }
0x79: {  	s12 =	simm.s32 $0x0;
	s11 =	simm.s32 $0x40;
	[sflag:s6] =	ssyncadd.s32 $0xFFFFDF00  }
.LBB2_10:
0x7a: {  	p1 =	sne.s32 s11, $0x83C0;
	v1 =	vld [tilespmem:s12+$0x0];
	_ =	sdelay $0x2  }
0x7b: {  	v2 =	vld [tilespmem:s12+$0x2100]  }
.Ltmp6:
0x7c: {  	(pc) =	sbr.rel @p1 .LBB2_10-.Ltmp6, $2  }
0x7d: {  	_ =	sdelay $0x2  }
0x7e: {  	s12 =	sshra.s32 s11, $0x2;
	s11 =	sadd.s32 $0x40, s11;
	[tilespmem:v1+s8+$0x0] =	vst.idx.add.f32.msk $0xffff, v2  }
0x7f: {  	v1 =	vld [tilespmem:s12+$0x0];
	_ =	sdelay $0x2  }
0x80: {  	v2 =	vld [tilespmem:s12+$0x2100];
	_ =	sdelay $0x4  }
0x81: {  	s11 =	simm.s32 $0x0;
	s12 =	rddreg [dreg:$0xa];
	[tilespmem:v1+s8+$0x0] =	vst.idx.add.f32.msk $0xffff, v2  }
0x82: {  	[tilespmem:s11], [sflag:$0x1] =	stream.linear.gather [hbm4b:s12+s11], $0x2100, $0x38;
	[tilespmem:$0x15300] =	vst v63  }
0x83: {  	_ =	swait.ge [sflag:s6], $0x2100  }
0x84: {  	[sflag:s6] =	ssyncset.done $0x0  }
0x85: {  	s12 =	rddreg [dreg:$0xb];
	[sflag:s6] =	ssyncadd.s32 $0xFFFFDF00  }
0x86: {  	[tilespmem:s7], [sflag:$0x1] =	stream.linear.gather [hbm4b:s12+s11], $0x2100, $0x38;
	[tilespmem:$0x15300] =	vst v63  }
0x87: {  	_ =	swait.ge [sflag:s6], $0x2100  }
0x88: {  	[sflag:s6] =	ssyncset.done $0x0  }
0x89: {  	s12 =	simm.s32 $0x0;
	s11 =	simm.s32 $0x40;
	[sflag:s6] =	ssyncadd.s32 $0xFFFFDF00  }
.LBB2_12:
0x8a: {  	p1 =	sne.s32 s11, $0x83C0;
	v1 =	vld [tilespmem:s12+$0x0];
	_ =	sdelay $0x2  }
0x8b: {  	v2 =	vld [tilespmem:s12+$0x2100]  }
.Ltmp7:
0x8c: {  	(pc) =	sbr.rel @p1 .LBB2_12-.Ltmp7, $2  }
0x8d: {  	_ =	sdelay $0x2  }
0x8e: {  	s12 =	sshra.s32 s11, $0x2;
	s11 =	sadd.s32 $0x40, s11;
	[tilespmem:v1+s8+$0x0] =	vst.idx.add.f32.msk $0xffff, v2  }
0x8f: {  	v1 =	vld [tilespmem:s12+$0x0];
	_ =	sdelay $0x2  }
0x90: {  	v2 =	vld [tilespmem:s12+$0x2100];
	_ =	sdelay $0x4  }
0x91: {  	s11 =	simm.s32 $0x0;
	s12 =	rddreg [dreg:$0xc];
	[tilespmem:v1+s8+$0x0] =	vst.idx.add.f32.msk $0xffff, v2  }
0x92: {  	[tilespmem:s11], [sflag:$0x1] =	stream.linear.gather [hbm4b:s12+s11], $0x2100, $0x38;
	[tilespmem:$0x15300] =	vst v63  }
0x93: {  	_ =	swait.ge [sflag:s6], $0x2100  }
0x94: {  	[sflag:s6] =	ssyncset.done $0x0  }
0x95: {  	s12 =	rddreg [dreg:$0xd];
	[sflag:s6] =	ssyncadd.s32 $0xFFFFDF00  }
0x96: {  	[tilespmem:s7], [sflag:$0x1] =	stream.linear.gather [hbm4b:s12+s11], $0x2100, $0x38;
	[tilespmem:$0x15300] =	vst v63  }
0x97: {  	_ =	swait.ge [sflag:s6], $0x2100  }
0x98: {  	[sflag:s6] =	ssyncset.done $0x0  }
0x99: {  	s12 =	simm.s32 $0x0;
	s11 =	simm.s32 $0x40;
	[sflag:s6] =	ssyncadd.s32 $0xFFFFDF00  }
.LBB2_14:
0x9a: {  	p1 =	sne.s32 s11, $0x83C0;
	v1 =	vld [tilespmem:s12+$0x0];
	_ =	sdelay $0x2  }
0x9b: {  	v2 =	vld [tilespmem:s12+$0x2100]  }
.Ltmp8:
0x9c: {  	(pc) =	sbr.rel @p1 .LBB2_14-.Ltmp8, $2  }
0x9d: {  	_ =	sdelay $0x2  }
0x9e: {  	s12 =	sshra.s32 s11, $0x2;
	s11 =	sadd.s32 $0x40, s11;
	[tilespmem:v1+s8+$0x0] =	vst.idx.add.f32.msk $0xffff, v2  }
0x9f: {  	v1 =	vld [tilespmem:s12+$0x0];
	_ =	sdelay $0x2  }
0xa0: {  	v2 =	vld [tilespmem:s12+$0x2100];
	_ =	sdelay $0x4  }
0xa1: {  	s11 =	simm.s32 $0x0;
	[tilespmem:v1+s8+$0x0] =	vst.idx.add.f32.msk $0xffff, v2  }
0xa2: {  	[tilespmem:s11], [sflag:$0x1] =	stream.linear.gather [hbm4b:s13+s11], $0x2100, $0x38;
	[tilespmem:$0x15300] =	vst v63  }
0xa3: {  	_ =	swait.ge [sflag:s6], $0x2100  }
0xa4: {  	[sflag:s6] =	ssyncset.done $0x0  }
0xa5: {  	[sflag:s6] =	ssyncadd.s32 $0xFFFFDF00  }
0xa6: {  	[tilespmem:s7], [sflag:$0x1] =	stream.linear.gather [hbm4b:s14+s11], $0x2100, $0x38;
	[tilespmem:$0x15300] =	vst v63  }
0xa7: {  	_ =	swait.ge [sflag:s6], $0x2100  }
0xa8: {  	[sflag:s6] =	ssyncset.done $0x0  }
0xa9: {  	s12 =	simm.s32 $0x0;
	s11 =	simm.s32 $0x40;
	[sflag:s6] =	ssyncadd.s32 $0xFFFFDF00  }
.LBB2_16:
0xaa: {  	p1 =	sne.s32 s11, $0x83C0;
	v1 =	vld [tilespmem:s12+$0x0];
	_ =	sdelay $0x2  }
0xab: {  	v2 =	vld [tilespmem:s12+$0x2100]  }
.Ltmp9:
0xac: {  	(pc) =	sbr.rel @p1 .LBB2_16-.Ltmp9, $2  }
0xad: {  	_ =	sdelay $0x2  }
0xae: {  	s12 =	sshra.s32 s11, $0x2;
	s11 =	sadd.s32 $0x40, s11;
	[tilespmem:v1+s8+$0x0] =	vst.idx.add.f32.msk $0xffff, v2  }
0xaf: {  	v1 =	vld [tilespmem:s12+$0x0];
	_ =	sdelay $0x2  }
0xb0: {  	v2 =	vld [tilespmem:s12+$0x2100];
	_ =	sdelay $0x4  }
0xb1: {  	s11 =	simm.s32 $0x0;
	[tilespmem:v1+s8+$0x0] =	vst.idx.add.f32.msk $0xffff, v2  }
0xb2: {  	[tilespmem:s11], [sflag:$0x1] =	stream.linear.gather [hbm4b:s15+s11], $0x2100, $0x38;
	[tilespmem:$0x15300] =	vst v63  }
0xb3: {  	_ =	swait.ge [sflag:s6], $0x2100  }
0xb4: {  	[sflag:s6] =	ssyncset.done $0x0  }
0xb5: {  	[sflag:s6] =	ssyncadd.s32 $0xFFFFDF00  }
0xb6: {  	[tilespmem:s7], [sflag:$0x1] =	stream.linear.gather [hbm4b:s16+s11], $0x2100, $0x38;
	[tilespmem:$0x15300] =	vst v63  }
0xb7: {  	_ =	swait.ge [sflag:s6], $0x2100  }
0xb8: {  	[sflag:s6] =	ssyncset.done $0x0  }
0xb9: {  	s12 =	simm.s32 $0x0;
	s11 =	simm.s32 $0x40;
	[sflag:s6] =	ssyncadd.s32 $0xFFFFDF00  }
.LBB2_18:
0xba: {  	p1 =	sne.s32 s11, $0x83C0;
	v1 =	vld [tilespmem:s12+$0x0];
	_ =	sdelay $0x2  }
0xbb: {  	v2 =	vld [tilespmem:s12+$0x2100]  }
.Ltmp10:
0xbc: {  	(pc) =	sbr.rel @p1 .LBB2_18-.Ltmp10, $2  }
0xbd: {  	_ =	sdelay $0x2  }
0xbe: {  	s12 =	sshra.s32 s11, $0x2;
	s11 =	sadd.s32 $0x40, s11;
	[tilespmem:v1+s8+$0x0] =	vst.idx.add.f32.msk $0xffff, v2  }
0xbf: {  	v1 =	vld [tilespmem:s12+$0x0];
	_ =	sdelay $0x2  }
0xc0: {  	v2 =	vld [tilespmem:s12+$0x2100];
	_ =	sdelay $0x4  }
0xc1: {  	[tilespmem:v1+s8+$0x0] =	vst.idx.add.f32.msk $0xffff, v2  }
0xc2: {  	[hbm4b:s3+s9] =	stream.strided.scatter [tilespmem:s8], [sflag:$0x1], $0x11100, s10, s9, $0x38;
	[tilespmem:$0x15300] =	vst v63  }
0xc3: {  	_ =	swait.ge [sflag:s6], $0x11100  }
0xc4: {  	[sflag:s6] =	ssyncset.done $0x0  }
0xc5: {  	s11 =	simm.s32 $0x40;
	s12 =	simm.s32 $0x0;
	[sflag:s6] =	ssyncadd.s32 $0xFFFEEF00  }
.LBB2_20:
0xc6: {  	p1 =	sne.s32 s11, $0x441C0;
	[tilespmem:s12+$0x4200] =	vst v0;
	s12 =	smov.u32 s11;
	s11 =	sadd.s32 $0x40, s11  }
.Ltmp11:
0xc7: {  	(pc) =	sbr.rel @p1 .LBB2_20-.Ltmp11, $2  }
0xc8: {  	_ =	sdelay $0x2  }
0xc9: {  	s12 =	sshra.s32 s12, $0x2  }
0xca: {  	[tilespmem:s12+$0x4200] =	vst v0;
	s11 =	simm.s32 $0x0  }
0xcb: {  	[tilespmem:s11], [sflag:$0x1] =	stream.linear.gather [hbm4b:s28+s11], $0x2100, $0x38;
	[tilespmem:$0x15300] =	vst v63  }
0xcc: {  	_ =	swait.ge [sflag:s6], $0x2100  }
0xcd: {  	[sflag:s6] =	ssyncset.done $0x0  }
0xce: {  	[sflag:s6] =	ssyncadd.s32 $0xFFFFDF00  }
0xcf: {  	[tilespmem:s7], [sflag:$0x1] =	stream.linear.gather [hbm4b:s29+s11], $0x2100, $0x38;
	[tilespmem:$0x15300] =	vst v63  }
0xd0: {  	_ =	swait.ge [sflag:s6], $0x2100  }
0xd1: {  	[sflag:s6] =	ssyncset.done $0x0  }
0xd2: {  	s12 =	simm.s32 $0x0;
	s11 =	simm.s32 $0x40;
	[sflag:s6] =	ssyncadd.s32 $0xFFFFDF00  }
.LBB2_22:
0xd3: {  	p1 =	sne.s32 s11, $0x83C0;
	v1 =	vld [tilespmem:s12+$0x0];
	_ =	sdelay $0x2  }
0xd4: {  	v2 =	vld [tilespmem:s12+$0x2100]  }
.Ltmp12:
0xd5: {  	(pc) =	sbr.rel @p1 .LBB2_22-.Ltmp12, $2  }
0xd6: {  	_ =	sdelay $0x2  }
0xd7: {  	s12 =	sshra.s32 s11, $0x2;
	s11 =	sadd.s32 $0x40, s11;
	[tilespmem:v1+s8+$0x0] =	vst.idx.add.f32.msk $0xffff, v2  }
0xd8: {  	v1 =	vld [tilespmem:s12+$0x0];
	_ =	sdelay $0x2  }
0xd9: {  	v2 =	vld [tilespmem:s12+$0x2100];
	_ =	sdelay $0x4  }
0xda: {  	s11 =	simm.s32 $0x0;
	[tilespmem:v1+s8+$0x0] =	vst.idx.add.f32.msk $0xffff, v2  }
0xdb: {  	[tilespmem:s11], [sflag:$0x1] =	stream.linear.gather [hbm4b:s17+s11], $0x2100, $0x38;
	[tilespmem:$0x15300] =	vst v63  }
0xdc: {  	_ =	swait.ge [sflag:s6], $0x2100  }
0xdd: {  	[sflag:s6] =	ssyncset.done $0x0  }
0xde: {  	[sflag:s6] =	ssyncadd.s32 $0xFFFFDF00  }
0xdf: {  	[tilespmem:s7], [sflag:$0x1] =	stream.linear.gather [hbm4b:s18+s11], $0x2100, $0x38;
	[tilespmem:$0x15300] =	vst v63  }
0xe0: {  	_ =	swait.ge [sflag:s6], $0x2100  }
0xe1: {  	[sflag:s6] =	ssyncset.done $0x0  }
0xe2: {  	s12 =	simm.s32 $0x0;
	s11 =	simm.s32 $0x40;
	[sflag:s6] =	ssyncadd.s32 $0xFFFFDF00  }
.LBB2_24:
0xe3: {  	p1 =	sne.s32 s11, $0x83C0;
	v1 =	vld [tilespmem:s12+$0x0];
	_ =	sdelay $0x2  }
0xe4: {  	v2 =	vld [tilespmem:s12+$0x2100]  }
.Ltmp13:
0xe5: {  	(pc) =	sbr.rel @p1 .LBB2_24-.Ltmp13, $2  }
0xe6: {  	_ =	sdelay $0x2  }
0xe7: {  	s12 =	sshra.s32 s11, $0x2;
	s11 =	sadd.s32 $0x40, s11;
	[tilespmem:v1+s8+$0x0] =	vst.idx.add.f32.msk $0xffff, v2  }
0xe8: {  	v1 =	vld [tilespmem:s12+$0x0];
	_ =	sdelay $0x2  }
0xe9: {  	v2 =	vld [tilespmem:s12+$0x2100];
	_ =	sdelay $0x4  }
0xea: {  	s11 =	simm.s32 $0x0;
	[tilespmem:v1+s8+$0x0] =	vst.idx.add.f32.msk $0xffff, v2  }
0xeb: {  	[tilespmem:s11], [sflag:$0x1] =	stream.linear.gather [hbm4b:s19+s11], $0x2100, $0x38;
	[tilespmem:$0x15300] =	vst v63  }
0xec: {  	_ =	swait.ge [sflag:s6], $0x2100  }
0xed: {  	[sflag:s6] =	ssyncset.done $0x0  }
0xee: {  	[sflag:s6] =	ssyncadd.s32 $0xFFFFDF00  }
0xef: {  	[tilespmem:s7], [sflag:$0x1] =	stream.linear.gather [hbm4b:s20+s11], $0x2100, $0x38;
	[tilespmem:$0x15300] =	vst v63  }
0xf0: {  	_ =	swait.ge [sflag:s6], $0x2100  }
0xf1: {  	[sflag:s6] =	ssyncset.done $0x0  }
0xf2: {  	s12 =	simm.s32 $0x0;
	s11 =	simm.s32 $0x40;
	[sflag:s6] =	ssyncadd.s32 $0xFFFFDF00  }
.LBB2_26:
0xf3: {  	p1 =	sne.s32 s11, $0x83C0;
	v1 =	vld [tilespmem:s12+$0x0];
	_ =	sdelay $0x2  }
0xf4: {  	v2 =	vld [tilespmem:s12+$0x2100]  }
.Ltmp14:
0xf5: {  	(pc) =	sbr.rel @p1 .LBB2_26-.Ltmp14, $2  }
0xf6: {  	_ =	sdelay $0x2  }
0xf7: {  	s12 =	sshra.s32 s11, $0x2;
	s11 =	sadd.s32 $0x40, s11;
	[tilespmem:v1+s8+$0x0] =	vst.idx.add.f32.msk $0xffff, v2  }
0xf8: {  	v1 =	vld [tilespmem:s12+$0x0];
	_ =	sdelay $0x2  }
0xf9: {  	v2 =	vld [tilespmem:s12+$0x2100];
	_ =	sdelay $0x4  }
0xfa: {  	s11 =	simm.s32 $0x0;
	[tilespmem:v1+s8+$0x0] =	vst.idx.add.f32.msk $0xffff, v2  }
0xfb: {  	[tilespmem:s11], [sflag:$0x1] =	stream.linear.gather [hbm4b:s21+s11], $0x2100, $0x38;
	[tilespmem:$0x15300] =	vst v63  }
0xfc: {  	_ =	swait.ge [sflag:s6], $0x2100  }
0xfd: {  	[sflag:s6] =	ssyncset.done $0x0  }
0xfe: {  	[sflag:s6] =	ssyncadd.s32 $0xFFFFDF00  }
0xff: {  	[tilespmem:s7], [sflag:$0x1] =	stream.linear.gather [hbm4b:s22+s11], $0x2100, $0x38;
	[tilespmem:$0x15300] =	vst v63  }
0x100: {  	_ =	swait.ge [sflag:s6], $0x2100  }
0x101: {  	[sflag:s6] =	ssyncset.done $0x0  }
0x102: {  	s12 =	simm.s32 $0x0;
	s11 =	simm.s32 $0x40;
	[sflag:s6] =	ssyncadd.s32 $0xFFFFDF00  }
.LBB2_28:
0x103: {  	p1 =	sne.s32 s11, $0x83C0;
	v1 =	vld [tilespmem:s12+$0x0];
	_ =	sdelay $0x2  }
0x104: {  	v2 =	vld [tilespmem:s12+$0x2100]  }
.Ltmp15:
0x105: {  	(pc) =	sbr.rel @p1 .LBB2_28-.Ltmp15, $2  }
0x106: {  	_ =	sdelay $0x2  }
0x107: {  	s12 =	sshra.s32 s11, $0x2;
	s11 =	sadd.s32 $0x40, s11;
	[tilespmem:v1+s8+$0x0] =	vst.idx.add.f32.msk $0xffff, v2  }
0x108: {  	v1 =	vld [tilespmem:s12+$0x0];
	_ =	sdelay $0x2  }
0x109: {  	v2 =	vld [tilespmem:s12+$0x2100];
	_ =	sdelay $0x4  }
0x10a: {  	s11 =	simm.s32 $0x0;
	[tilespmem:v1+s8+$0x0] =	vst.idx.add.f32.msk $0xffff, v2  }
0x10b: {  	[tilespmem:s11], [sflag:$0x1] =	stream.linear.gather [hbm4b:s23+s11], $0x2100, $0x38;
	[tilespmem:$0x15300] =	vst v63  }
0x10c: {  	_ =	swait.ge [sflag:s6], $0x2100  }
0x10d: {  	[sflag:s6] =	ssyncset.done $0x0  }
0x10e: {  	[sflag:s6] =	ssyncadd.s32 $0xFFFFDF00  }
0x10f: {  	[tilespmem:s7], [sflag:$0x1] =	stream.linear.gather [hbm4b:s24+s11], $0x2100, $0x38;
	[tilespmem:$0x15300] =	vst v63  }
0x110: {  	_ =	swait.ge [sflag:s6], $0x2100  }
0x111: {  	[sflag:s6] =	ssyncset.done $0x0  }
0x112: {  	s12 =	simm.s32 $0x0;
	s11 =	simm.s32 $0x40;
	[sflag:s6] =	ssyncadd.s32 $0xFFFFDF00  }
.LBB2_30:
0x113: {  	p1 =	sne.s32 s11, $0x83C0;
	v1 =	vld [tilespmem:s12+$0x0];
	_ =	sdelay $0x2  }
0x114: {  	v2 =	vld [tilespmem:s12+$0x2100]  }
.Ltmp16:
0x115: {  	(pc) =	sbr.rel @p1 .LBB2_30-.Ltmp16, $2  }
0x116: {  	_ =	sdelay $0x2  }
0x117: {  	s12 =	sshra.s32 s11, $0x2;
	s11 =	sadd.s32 $0x40, s11;
	[tilespmem:v1+s8+$0x0] =	vst.idx.add.f32.msk $0xffff, v2  }
0x118: {  	v1 =	vld [tilespmem:s12+$0x0];
	_ =	sdelay $0x2  }
0x119: {  	v2 =	vld [tilespmem:s12+$0x2100];
	_ =	sdelay $0x4  }
0x11a: {  	s11 =	simm.s32 $0x0;
	[tilespmem:v1+s8+$0x0] =	vst.idx.add.f32.msk $0xffff, v2  }
0x11b: {  	[tilespmem:s11], [sflag:$0x1] =	stream.linear.gather [hbm4b:s25+s11], $0x2100, $0x38;
	[tilespmem:$0x15300] =	vst v63  }
0x11c: {  	_ =	swait.ge [sflag:s6], $0x2100  }
0x11d: {  	[sflag:s6] =	ssyncset.done $0x0  }
0x11e: {  	[sflag:s6] =	ssyncadd.s32 $0xFFFFDF00  }
0x11f: {  	[tilespmem:s7], [sflag:$0x1] =	stream.linear.gather [hbm4b:s26+s11], $0x2100, $0x38;
	[tilespmem:$0x15300] =	vst v63  }
0x120: {  	_ =	swait.ge [sflag:s6], $0x2100  }
0x121: {  	[sflag:s6] =	ssyncset.done $0x0  }
0x122: {  	s12 =	simm.s32 $0x0;
	s11 =	simm.s32 $0x40;
	[sflag:s6] =	ssyncadd.s32 $0xFFFFDF00  }
.LBB2_32:
0x123: {  	p1 =	sne.s32 s11, $0x83C0;
	v1 =	vld [tilespmem:s12+$0x0];
	_ =	sdelay $0x2  }
0x124: {  	v2 =	vld [tilespmem:s12+$0x2100]  }
.Ltmp17:
0x125: {  	(pc) =	sbr.rel @p1 .LBB2_32-.Ltmp17, $2  }
0x126: {  	_ =	sdelay $0x2  }
0x127: {  	s12 =	sshra.s32 s11, $0x2;
	s11 =	sadd.s32 $0x40, s11;
	[tilespmem:v1+s8+$0x0] =	vst.idx.add.f32.msk $0xffff, v2  }
0x128: {  	v1 =	vld [tilespmem:s12+$0x0];
	_ =	sdelay $0x2  }
0x129: {  	v2 =	vld [tilespmem:s12+$0x2100];
	_ =	sdelay $0x4  }
0x12a: {  	s11 =	simm.s32 $0x0;
	[tilespmem:v1+s8+$0x0] =	vst.idx.add.f32.msk $0xffff, v2  }
0x12b: {  	[tilespmem:s11], [sflag:$0x1] =	stream.linear.gather [hbm4b:s30+s11], $0x2100, $0x38;
	[tilespmem:$0x15300] =	vst v63  }
0x12c: {  	_ =	swait.ge [sflag:s6], $0x2100  }
0x12d: {  	[sflag:s6] =	ssyncset.done $0x0  }
0x12e: {  	[sflag:s6] =	ssyncadd.s32 $0xFFFFDF00  }
0x12f: {  	[tilespmem:s7], [sflag:$0x1] =	stream.linear.gather [hbm4b:s31+s11], $0x2100, $0x38;
	[tilespmem:$0x15300] =	vst v63  }
0x130: {  	_ =	swait.ge [sflag:s6], $0x2100  }
0x131: {  	[sflag:s6] =	ssyncset.done $0x0  }
0x132: {  	s12 =	simm.s32 $0x0;
	s11 =	simm.s32 $0x40;
	[sflag:s6] =	ssyncadd.s32 $0xFFFFDF00  }
.LBB2_34:
0x133: {  	p1 =	sne.s32 s11, $0x83C0;
	v1 =	vld [tilespmem:s12+$0x0];
	_ =	sdelay $0x2  }
0x134: {  	v2 =	vld [tilespmem:s12+$0x2100]  }
.Ltmp18:
0x135: {  	(pc) =	sbr.rel @p1 .LBB2_34-.Ltmp18, $2  }
0x136: {  	_ =	sdelay $0x2  }
0x137: {  	s12 =	sshra.s32 s11, $0x2;
	s11 =	sadd.s32 $0x40, s11;
	[tilespmem:v1+s8+$0x0] =	vst.idx.add.f32.msk $0xffff, v2  }
0x138: {  	v1 =	vld [tilespmem:s12+$0x0];
	_ =	sdelay $0x2  }
0x139: {  	v2 =	vld [tilespmem:s12+$0x2100];
	_ =	sdelay $0x4  }
0x13a: {  	s11 =	simm.s32 $0x0;
	[tilespmem:v1+s8+$0x0] =	vst.idx.add.f32.msk $0xffff, v2  }
0x13b: {  	[tilespmem:s11], [sflag:$0x1] =	stream.linear.gather [hbm4b:s0+s11], $0x2100, $0x38;
	[tilespmem:$0x15300] =	vst v63  }
0x13c: {  	_ =	swait.ge [sflag:s6], $0x2100  }
0x13d: {  	[sflag:s6] =	ssyncset.done $0x0  }
0x13e: {  	[sflag:s6] =	ssyncadd.s32 $0xFFFFDF00  }
0x13f: {  	[tilespmem:s7], [sflag:$0x1] =	stream.linear.gather [hbm4b:s2+s11], $0x2100, $0x38;
	[tilespmem:$0x15300] =	vst v63  }
0x140: {  	_ =	swait.ge [sflag:s6], $0x2100  }
0x141: {  	[sflag:s6] =	ssyncset.done $0x0  }
0x142: {  	s12 =	simm.s32 $0x0;
	s11 =	simm.s32 $0x40;
	[sflag:s6] =	ssyncadd.s32 $0xFFFFDF00  }
.LBB2_36:
0x143: {  	p1 =	sne.s32 s11, $0x83C0;
	v1 =	vld [tilespmem:s12+$0x0];
	_ =	sdelay $0x2  }
0x144: {  	v2 =	vld [tilespmem:s12+$0x2100]  }
.Ltmp19:
0x145: {  	(pc) =	sbr.rel @p1 .LBB2_36-.Ltmp19, $2  }
0x146: {  	_ =	sdelay $0x2  }
0x147: {  	s12 =	sshra.s32 s11, $0x2;
	s11 =	sadd.s32 $0x40, s11;
	[tilespmem:v1+s8+$0x0] =	vst.idx.add.f32.msk $0xffff, v2  }
0x148: {  	v1 =	vld [tilespmem:s12+$0x0];
	_ =	sdelay $0x2  }
0x149: {  	v2 =	vld [tilespmem:s12+$0x2100];
	_ =	sdelay $0x4  }
.Ltmp20:
0x14a: {  	[tilespmem:v1+s8+$0x0] =	vst.idx.add.f32.msk $0xffff, v2;
	(pc) =	sbr.rel @p0 .LBB2_57-.Ltmp20, $4  }
0x14b: {  	[hbm4b:s4+s9] =	stream.strided.scatter [tilespmem:s8], [sflag:$0x1], $0x11100, s10, s9, $0x38;
	[tilespmem:$0x15300] =	vst v63  }
0x14c: {  	_ =	swait.ge [sflag:s6], $0x11100  }
0x14d: {  	[sflag:s6] =	ssyncset.done $0x0  }
0x14e: {  	[sflag:s6] =	ssyncadd.s32 $0xFFFEEF00  }
0x14f: {  	s11 =	simm.s32 $0x40;
	s12 =	simm.s32 $0x0  }
.LBB2_39:
0x150: {  	p1 =	sne.s32 s11, $0x441C0;
	[tilespmem:s12+$0x4200] =	vst v0;
	s12 =	smov.u32 s11;
	s11 =	sadd.s32 $0x40, s11  }
.Ltmp21:
0x151: {  	(pc) =	sbr.rel @p1 .LBB2_39-.Ltmp21, $2  }
0x152: {  	_ =	sdelay $0x2  }
0x153: {  	s12 =	sshra.s32 s12, $0x2  }
0x154: {  	[tilespmem:s12+$0x4200] =	vst v0;
	s11 =	simm.s32 $0x0;
	s12 =	rddreg [dreg:$0xe]  }
0x155: {  	[tilespmem:s11], [sflag:$0x1] =	stream.linear.gather [hbm4b:s12+s11], $0x2100, $0x38;
	[tilespmem:$0x15300] =	vst v63  }
0x156: {  	_ =	swait.ge [sflag:s6], $0x2100  }
0x157: {  	[sflag:s6] =	ssyncset.done $0x0  }
0x158: {  	s12 =	rddreg [dreg:$0xf];
	[sflag:s6] =	ssyncadd.s32 $0xFFFFDF00  }
0x159: {  	[tilespmem:s7], [sflag:$0x1] =	stream.linear.gather [hbm4b:s12+s11], $0x2100, $0x38;
	[tilespmem:$0x15300] =	vst v63  }
0x15a: {  	_ =	swait.ge [sflag:s6], $0x2100  }
0x15b: {  	[sflag:s6] =	ssyncset.done $0x0  }
0x15c: {  	s12 =	simm.s32 $0x0;
	s11 =	simm.s32 $0x40;
	[sflag:s6] =	ssyncadd.s32 $0xFFFFDF00  }
.LBB2_41:
0x15d: {  	p1 =	sne.s32 s11, $0x83C0;
	v1 =	vld [tilespmem:s12+$0x0];
	_ =	sdelay $0x2  }
0x15e: {  	v2 =	vld [tilespmem:s12+$0x2100]  }
.Ltmp22:
0x15f: {  	(pc) =	sbr.rel @p1 .LBB2_41-.Ltmp22, $2  }
0x160: {  	_ =	sdelay $0x2  }
0x161: {  	s12 =	sshra.s32 s11, $0x2;
	s11 =	sadd.s32 $0x40, s11;
	[tilespmem:v1+s8+$0x0] =	vst.idx.add.f32.msk $0xffff, v2  }
0x162: {  	v1 =	vld [tilespmem:s12+$0x0];
	_ =	sdelay $0x2  }
0x163: {  	v2 =	vld [tilespmem:s12+$0x2100];
	_ =	sdelay $0x4  }
0x164: {  	s11 =	simm.s32 $0x0;
	s12 =	rddreg [dreg:$0x10];
	[tilespmem:v1+s8+$0x0] =	vst.idx.add.f32.msk $0xffff, v2  }
0x165: {  	[tilespmem:s11], [sflag:$0x1] =	stream.linear.gather [hbm4b:s12+s11], $0x2100, $0x38;
	[tilespmem:$0x15300] =	vst v63  }
0x166: {  	_ =	swait.ge [sflag:s6], $0x2100  }
0x167: {  	[sflag:s6] =	ssyncset.done $0x0  }
0x168: {  	s12 =	rddreg [dreg:$0x11];
	[sflag:s6] =	ssyncadd.s32 $0xFFFFDF00  }
0x169: {  	[tilespmem:s7], [sflag:$0x1] =	stream.linear.gather [hbm4b:s12+s11], $0x2100, $0x38;
	[tilespmem:$0x15300] =	vst v63  }
0x16a: {  	_ =	swait.ge [sflag:s6], $0x2100  }
0x16b: {  	[sflag:s6] =	ssyncset.done $0x0  }
0x16c: {  	s12 =	simm.s32 $0x0;
	s11 =	simm.s32 $0x40;
	[sflag:s6] =	ssyncadd.s32 $0xFFFFDF00  }
.LBB2_43:
0x16d: {  	p1 =	sne.s32 s11, $0x83C0;
	v1 =	vld [tilespmem:s12+$0x0];
	_ =	sdelay $0x2  }
0x16e: {  	v2 =	vld [tilespmem:s12+$0x2100]  }
.Ltmp23:
0x16f: {  	(pc) =	sbr.rel @p1 .LBB2_43-.Ltmp23, $2  }
0x170: {  	_ =	sdelay $0x2  }
0x171: {  	s12 =	sshra.s32 s11, $0x2;
	s11 =	sadd.s32 $0x40, s11;
	[tilespmem:v1+s8+$0x0] =	vst.idx.add.f32.msk $0xffff, v2  }
0x172: {  	v1 =	vld [tilespmem:s12+$0x0];
	_ =	sdelay $0x2  }
0x173: {  	v2 =	vld [tilespmem:s12+$0x2100];
	_ =	sdelay $0x4  }
0x174: {  	s11 =	simm.s32 $0x0;
	s12 =	rddreg [dreg:$0x12];
	[tilespmem:v1+s8+$0x0] =	vst.idx.add.f32.msk $0xffff, v2  }
0x175: {  	[tilespmem:s11], [sflag:$0x1] =	stream.linear.gather [hbm4b:s12+s11], $0x2100, $0x38;
	[tilespmem:$0x15300] =	vst v63  }
0x176: {  	_ =	swait.ge [sflag:s6], $0x2100  }
0x177: {  	[sflag:s6] =	ssyncset.done $0x0  }
0x178: {  	s12 =	rddreg [dreg:$0x13];
	[sflag:s6] =	ssyncadd.s32 $0xFFFFDF00  }
0x179: {  	[tilespmem:s7], [sflag:$0x1] =	stream.linear.gather [hbm4b:s12+s11], $0x2100, $0x38;
	[tilespmem:$0x15300] =	vst v63  }
0x17a: {  	_ =	swait.ge [sflag:s6], $0x2100  }
0x17b: {  	[sflag:s6] =	ssyncset.done $0x0  }
0x17c: {  	s12 =	simm.s32 $0x0;
	s11 =	simm.s32 $0x40;
	[sflag:s6] =	ssyncadd.s32 $0xFFFFDF00  }
.LBB2_45:
0x17d: {  	p1 =	sne.s32 s11, $0x83C0;
	v1 =	vld [tilespmem:s12+$0x0];
	_ =	sdelay $0x2  }
0x17e: {  	v2 =	vld [tilespmem:s12+$0x2100]  }
.Ltmp24:
0x17f: {  	(pc) =	sbr.rel @p1 .LBB2_45-.Ltmp24, $2  }
0x180: {  	_ =	sdelay $0x2  }
0x181: {  	s12 =	sshra.s32 s11, $0x2;
	s11 =	sadd.s32 $0x40, s11;
	[tilespmem:v1+s8+$0x0] =	vst.idx.add.f32.msk $0xffff, v2  }
0x182: {  	v1 =	vld [tilespmem:s12+$0x0];
	_ =	sdelay $0x2  }
0x183: {  	v2 =	vld [tilespmem:s12+$0x2100];
	_ =	sdelay $0x4  }
0x184: {  	s11 =	simm.s32 $0x0;
	s12 =	rddreg [dreg:$0x14];
	[tilespmem:v1+s8+$0x0] =	vst.idx.add.f32.msk $0xffff, v2  }
0x185: {  	[tilespmem:s11], [sflag:$0x1] =	stream.linear.gather [hbm4b:s12+s11], $0x2100, $0x38;
	[tilespmem:$0x15300] =	vst v63  }
0x186: {  	_ =	swait.ge [sflag:s6], $0x2100  }
0x187: {  	[sflag:s6] =	ssyncset.done $0x0  }
0x188: {  	s12 =	rddreg [dreg:$0x15];
	[sflag:s6] =	ssyncadd.s32 $0xFFFFDF00  }
0x189: {  	[tilespmem:s7], [sflag:$0x1] =	stream.linear.gather [hbm4b:s12+s11], $0x2100, $0x38;
	[tilespmem:$0x15300] =	vst v63  }
0x18a: {  	_ =	swait.ge [sflag:s6], $0x2100  }
0x18b: {  	[sflag:s6] =	ssyncset.done $0x0  }
0x18c: {  	s12 =	simm.s32 $0x0;
	s11 =	simm.s32 $0x40;
	[sflag:s6] =	ssyncadd.s32 $0xFFFFDF00  }
.LBB2_47:
0x18d: {  	p1 =	sne.s32 s11, $0x83C0;
	v1 =	vld [tilespmem:s12+$0x0];
	_ =	sdelay $0x2  }
0x18e: {  	v2 =	vld [tilespmem:s12+$0x2100]  }
.Ltmp25:
0x18f: {  	(pc) =	sbr.rel @p1 .LBB2_47-.Ltmp25, $2  }
0x190: {  	_ =	sdelay $0x2  }
0x191: {  	s12 =	sshra.s32 s11, $0x2;
	s11 =	sadd.s32 $0x40, s11;
	[tilespmem:v1+s8+$0x0] =	vst.idx.add.f32.msk $0xffff, v2  }
0x192: {  	v1 =	vld [tilespmem:s12+$0x0];
	_ =	sdelay $0x2  }
0x193: {  	v2 =	vld [tilespmem:s12+$0x2100];
	_ =	sdelay $0x4  }
0x194: {  	s11 =	simm.s32 $0x0;
	s12 =	rddreg [dreg:$0x17];
	[tilespmem:v1+s8+$0x0] =	vst.idx.add.f32.msk $0xffff, v2  }
0x195: {  	[tilespmem:s11], [sflag:$0x1] =	stream.linear.gather [hbm4b:s12+s11], $0x2100, $0x38;
	[tilespmem:$0x15300] =	vst v63  }
0x196: {  	_ =	swait.ge [sflag:s6], $0x2100  }
0x197: {  	[sflag:s6] =	ssyncset.done $0x0  }
0x198: {  	s12 =	rddreg [dreg:$0x16];
	[sflag:s6] =	ssyncadd.s32 $0xFFFFDF00  }
0x199: {  	[tilespmem:s7], [sflag:$0x1] =	stream.linear.gather [hbm4b:s12+s11], $0x2100, $0x38;
	[tilespmem:$0x15300] =	vst v63  }
0x19a: {  	_ =	swait.ge [sflag:s6], $0x2100  }
0x19b: {  	[sflag:s6] =	ssyncset.done $0x0  }
0x19c: {  	s12 =	simm.s32 $0x0;
	s11 =	simm.s32 $0x40;
	[sflag:s6] =	ssyncadd.s32 $0xFFFFDF00  }
.LBB2_49:
0x19d: {  	p1 =	sne.s32 s11, $0x83C0;
	v1 =	vld [tilespmem:s12+$0x0];
	_ =	sdelay $0x2  }
0x19e: {  	v2 =	vld [tilespmem:s12+$0x2100]  }
.Ltmp26:
0x19f: {  	(pc) =	sbr.rel @p1 .LBB2_49-.Ltmp26, $2  }
0x1a0: {  	_ =	sdelay $0x2  }
0x1a1: {  	s12 =	sshra.s32 s11, $0x2;
	s11 =	sadd.s32 $0x40, s11;
	[tilespmem:v1+s8+$0x0] =	vst.idx.add.f32.msk $0xffff, v2  }
0x1a2: {  	v1 =	vld [tilespmem:s12+$0x0];
	_ =	sdelay $0x2  }
0x1a3: {  	v2 =	vld [tilespmem:s12+$0x2100];
	_ =	sdelay $0x4  }
0x1a4: {  	s11 =	simm.s32 $0x0;
	s12 =	rddreg [dreg:$0x18];
	[tilespmem:v1+s8+$0x0] =	vst.idx.add.f32.msk $0xffff, v2  }
0x1a5: {  	[tilespmem:s11], [sflag:$0x1] =	stream.linear.gather [hbm4b:s12+s11], $0x2100, $0x38;
	[tilespmem:$0x15300] =	vst v63  }
0x1a6: {  	_ =	swait.ge [sflag:s6], $0x2100  }
0x1a7: {  	[sflag:s6] =	ssyncset.done $0x0  }
0x1a8: {  	s12 =	rddreg [dreg:$0x19];
	[sflag:s6] =	ssyncadd.s32 $0xFFFFDF00  }
0x1a9: {  	[tilespmem:s7], [sflag:$0x1] =	stream.linear.gather [hbm4b:s12+s11], $0x2100, $0x38;
	[tilespmem:$0x15300] =	vst v63  }
0x1aa: {  	_ =	swait.ge [sflag:s6], $0x2100  }
0x1ab: {  	[sflag:s6] =	ssyncset.done $0x0  }
0x1ac: {  	s12 =	simm.s32 $0x0;
	s11 =	simm.s32 $0x40;
	[sflag:s6] =	ssyncadd.s32 $0xFFFFDF00  }
.LBB2_51:
0x1ad: {  	p1 =	sne.s32 s11, $0x83C0;
	v1 =	vld [tilespmem:s12+$0x0];
	_ =	sdelay $0x2  }
0x1ae: {  	v2 =	vld [tilespmem:s12+$0x2100]  }
.Ltmp27:
0x1af: {  	(pc) =	sbr.rel @p1 .LBB2_51-.Ltmp27, $2  }
0x1b0: {  	_ =	sdelay $0x2  }
0x1b1: {  	s12 =	sshra.s32 s11, $0x2;
	s11 =	sadd.s32 $0x40, s11;
	[tilespmem:v1+s8+$0x0] =	vst.idx.add.f32.msk $0xffff, v2  }
0x1b2: {  	v1 =	vld [tilespmem:s12+$0x0];
	_ =	sdelay $0x2  }
0x1b3: {  	v2 =	vld [tilespmem:s12+$0x2100];
	_ =	sdelay $0x4  }
0x1b4: {  	s11 =	simm.s32 $0x0;
	s12 =	rddreg [dreg:$0x1a];
	[tilespmem:v1+s8+$0x0] =	vst.idx.add.f32.msk $0xffff, v2  }
0x1b5: {  	[tilespmem:s11], [sflag:$0x1] =	stream.linear.gather [hbm4b:s12+s11], $0x2100, $0x38;
	[tilespmem:$0x15300] =	vst v63  }
0x1b6: {  	_ =	swait.ge [sflag:s6], $0x2100  }
0x1b7: {  	[sflag:s6] =	ssyncset.done $0x0  }
0x1b8: {  	s12 =	rddreg [dreg:$0x1b];
	[sflag:s6] =	ssyncadd.s32 $0xFFFFDF00  }
0x1b9: {  	[tilespmem:s7], [sflag:$0x1] =	stream.linear.gather [hbm4b:s12+s11], $0x2100, $0x38;
	[tilespmem:$0x15300] =	vst v63  }
0x1ba: {  	_ =	swait.ge [sflag:s6], $0x2100  }
0x1bb: {  	[sflag:s6] =	ssyncset.done $0x0  }
0x1bc: {  	s12 =	simm.s32 $0x0;
	s11 =	simm.s32 $0x40;
	[sflag:s6] =	ssyncadd.s32 $0xFFFFDF00  }
.LBB2_53:
0x1bd: {  	p1 =	sne.s32 s11, $0x83C0;
	v1 =	vld [tilespmem:s12+$0x0];
	_ =	sdelay $0x2  }
0x1be: {  	v2 =	vld [tilespmem:s12+$0x2100]  }
.Ltmp28:
0x1bf: {  	(pc) =	sbr.rel @p1 .LBB2_53-.Ltmp28, $2  }
0x1c0: {  	_ =	sdelay $0x2  }
0x1c1: {  	s12 =	sshra.s32 s11, $0x2;
	s11 =	sadd.s32 $0x40, s11;
	[tilespmem:v1+s8+$0x0] =	vst.idx.add.f32.msk $0xffff, v2  }
0x1c2: {  	v1 =	vld [tilespmem:s12+$0x0];
	_ =	sdelay $0x2  }
0x1c3: {  	v2 =	vld [tilespmem:s12+$0x2100];
	_ =	sdelay $0x4  }
0x1c4: {  	s11 =	simm.s32 $0x0;
	s12 =	rddreg [dreg:$0x1c];
	[tilespmem:v1+s8+$0x0] =	vst.idx.add.f32.msk $0xffff, v2  }
0x1c5: {  	[tilespmem:s11], [sflag:$0x1] =	stream.linear.gather [hbm4b:s12+s11], $0x2100, $0x38;
	[tilespmem:$0x15300] =	vst v63  }
0x1c6: {  	_ =	swait.ge [sflag:s6], $0x2100  }
0x1c7: {  	[sflag:s6] =	ssyncset.done $0x0  }
0x1c8: {  	s12 =	rddreg [dreg:$0x1d];
	[sflag:s6] =	ssyncadd.s32 $0xFFFFDF00  }
0x1c9: {  	[tilespmem:s7], [sflag:$0x1] =	stream.linear.gather [hbm4b:s12+s11], $0x2100, $0x38;
	[tilespmem:$0x15300] =	vst v63  }
0x1ca: {  	_ =	swait.ge [sflag:s6], $0x2100  }
0x1cb: {  	[sflag:s6] =	ssyncset.done $0x0  }
0x1cc: {  	s12 =	simm.s32 $0x0;
	s11 =	simm.s32 $0x40;
	[sflag:s6] =	ssyncadd.s32 $0xFFFFDF00  }
.LBB2_55:
0x1cd: {  	p1 =	sne.s32 s11, $0x83C0;
	v1 =	vld [tilespmem:s12+$0x0];
	_ =	sdelay $0x2  }
0x1ce: {  	v2 =	vld [tilespmem:s12+$0x2100]  }
.Ltmp29:
0x1cf: {  	(pc) =	sbr.rel @p1 .LBB2_55-.Ltmp29, $2  }
0x1d0: {  	_ =	sdelay $0x2  }
0x1d1: {  	s12 =	sshra.s32 s11, $0x2;
	s11 =	sadd.s32 $0x40, s11;
	[tilespmem:v1+s8+$0x0] =	vst.idx.add.f32.msk $0xffff, v2  }
.Ltmp30:
0x1d2: {  	_ = 	snop;
	(pc) =	sbr.rel .LBB2_56-.Ltmp30, $1  }
0x1d3: {  	_ =	sdelay $0x3  }
.LBB2_58:
0x1d4: {  	_ =	sfence.sel $0x180000  }
0x1d5: {  	[bflag:$0x0] =	sbarrier.arrive $0xFFFF  }
0x1d6: {  	_ =	strace $0x90000059  }
0x1d7: {  	s0 =	stileid.u32;
	[bflag:$0x2] =	sbarrier.arrive $0xFFFF  }
0x1d8: {  	p0 =	sne.s32 s0, $0x0;
	s0 =	rddreg [dreg:$0x1]  }
0x1d9: {  	s0 =	sadd.s32 @!p0 $0x100000, s0  }
0x1da: {  	[sflag:s0] =	ssyncadd.tile.s32 @!p0 $0x1;
	_ =	shalt  }
.Lfunc_end2:
_tile_overlayer_lowered:
.L_overlay_start_2:
0x1db: {  	(tag) =	ssettag $0x2  }
0x1dc: {  	s0 =	rddreg [dreg:$0x0];
	s2 =	stileid.u32  }
0x1dd: {  	s1 =	rddreg [dreg:$0x1];
	p0 =	sne.s32 s2, $0x0  }
0x1de: {  	s3 =	rddreg [dreg:$0x2];
	[bflag:$0x3] =	sbarrier.arrive $0xFFFF;
	s2 =	simm.s32 @!p0 $0x1C01  }
0x1df: {  	[timem:s3], [sflag:s2] =	dma.local @!p0 [hbm:s0], s1  }
0x1e0: {  	s0 =	simm.s32 @!p0 $0x1  }
0x1e1: {  	_ =	swait.ge @!p0 [sflag:s0], s1  }
0x1e2: {  	s1 =	ssub.s32 @!p0 $0x0, s1;
	[sflag:s0] =	ssyncset.done @!p0 $0x0  }
0x1e3: {  	[sflag:s0] =	ssyncadd.s32 @!p0 s1  }
0x1e4: {  	[bflag:$0x3] =	sbarrier.arrive $0xFFFF  }
0x1e5: {  	_ =	shalt  }

// kernel: sparse-core-data-format-call.1.cloned.1.call-start
scs
called_computation.1_lowered:
.L_overlay_start_0:
0x0: {  	s2 =	sld [smem:$0x3FD9]  }
0x1: {  	s3 =	sld [smem:$0x3FFE];
	_ =	sdelay $0x1  }
0x2: {  	s1 =	srdreg.scid  }
0x3: {  	s0 =	sand.u32 $0x1, s1  }
0x4: {  	s18 =	sshll.u32 s0, $0xA;
	s2 =	sadd.s32 s3, s2  }
0x5: {  	s2 =	sadd.s32 s2, s18  }
0x6: {  	[smem:$0x3FC6] =	sst s2  }
0x7: {  	_ = 	snop  }
0x8: {  	(tm) =	ssettm $0x1  }
0x9: {  	s19 =	sld [smem:$0x3FFB];
	_ =	sdelay $0x3  }
0xa: {  	_ =	strace s19  }
0xb: {  	s2 =	sld [smem:$0x3FFC];
	_ =	sdelay $0x3  }
0xc: {  	_ =	strace s2  }
0xd: {  	s2 =	sld [smem:$0x3FFD];
	_ =	sdelay $0x3  }
0xe: {  	_ =	strace s2  }
0xf: {  	_ =	strace $0x8FFFFFFF  }
0x10: {  	s20 =	sld [smem:$0x3FDB];
	_ =	sdelay $0x1  }
0x11: {  	s21 =	simm.s32 $_scs_section_size  }
0x12: {  	s4 =	simm.s32 $_size__tile_overlayer_lowered;
	s5 =	simm.s32 $_tile_overlayer_lowered  }
0x13: {  	s6 =	simm.s32 $0x1BFF;
	s22 =	sshll.u32 s5, $0x1;
	s3 =	sadd.s32 s21, s20  }
0x14: {  	s23 =	simm.s32 $0x0;
	s4 =	sshll.u32 s4, $0x1;
	s5 =	sadd.s32 s22, s3  }
0x15: {  	[timem:s23], [sflag:s6] =	dma.local [hbm:s5], s4  }
0x16: {  	_ =	swait.ge [sflag:s6], s4  }
0x17: {  	s4 =	ssub.s32 $0x0, s4;
	[sflag:s6] =	ssyncset.done $0x0  }
0x18: {  	[sflag:s6] =	ssyncadd.s32 s4;
	_ =	sdelay $0x1  }
0x19: {  	s24 =	simm.s32 $0x1B8B  }
0x1a: {  	_ =	swait.ge [sflag:s24], $0x1  }
0x1b: {  	[sflag:s24] =	ssyncset.done $0x0  }
0x1c: {  	[sflag:s24] =	ssyncadd.s32 $0xFFFFFFFF  }
0x1d: {  	s4 =	sld [smem:$0x0]  }
0x1e: {  	s5 =	sand.u32 $0xFFFFFFFE, s1  }
0x1f: {  	p0 =	sne.s32 s1, s5  }
0x20: {  	s5 =	sshll.u32 @p0 s5, $0xE  }
0x21: {  	s5 =	sadd.s32 @p0 $0x11B8D, s5;
	s6 =	sshll.u32 @p0 s4, $0x11  }
0x22: {  	s5 =	sor.u32 @p0 s6, s5  }
0x23: {  	[sflag:s5] =	ssyncadd.remote.s32 @p0 $0x1;
	_ =	sdelay $0x1  }
0x24: {  	s5 =	simm.s32 @p0 $0x1B8D  }
0x25: {  	_ =	swait.eq @p0 [sflag:s5], $0x1  }
0x26: {  	[sflag:s5] =	ssyncadd.s32 @p0 $0xFFFFFFFF  }
0x27: {  	s6 =	sshll.u32 @!p0 s1, $0xE  }
0x28: {  	s6 =	sor.u32 @!p0 $0x4000, s6;
	s5 =	simm.s32 @!p0 $0x1B8D  }
0x29: {  	s4 =	sshll.u32 @!p0 s4, $0x11;
	s6 =	sadd.s32 @!p0 $0x11B8D, s6;
	_ =	swait.eq @!p0 [sflag:s5], $0x1  }
0x2a: {  	s4 =	sor.u32 @!p0 s4, s6;
	[sflag:s5] =	ssyncadd.s32 @!p0 $0xFFFFFFFF  }
0x2b: {  	s26 =	simm.s32 $0x1B8E;
	s25 =	sld [smem:$0x3FFE];
	[sflag:s4] =	ssyncadd.remote.s32 @!p0 $0x1  }
0x2c: {  	s27 =	simm.s32 $execute0_lowered;
	[smem:$0x3FD2] =	sst s26  }
0x2d: {  	s5 =	sshll.u32 s27, $0x1;
	_ =	strace $0x80000055;
	[dreg:$0x1] =	wrdreg $0xFFFFFFFF  }
0x2e: {  	s28 =	simm.s32 $_size_execute0_lowered;
	s3 =	sadd.s32 s3, s5;
	[dreg:$0x0] =	wrdreg $0x0  }
0x2f: {  	s5 =	sshll.u32 s28, $0x1;
	[dreg:$0x2] =	wrdreg s3  }
0x30: {  	[dreg:$0x3] =	wrdreg s5  }
0x31: {  	[dreg:$0x4] =	wrdreg $0xC0  }
0x32: {  	_ =	task [dreg:s23], $0x5FFFF  }
0x33: {  	[dreg:$0x1] =	wrdreg $0xFFFFFFFF  }
0x34: {  	[dreg:$0x0] =	wrdreg $0x60  }
0x35: {  	[dreg:$0x2] =	wrdreg s25  }
0x36: {  	[dreg:$0x3] =	wrdreg $0xA  }
0x37: {  	_ =	task.clear_ibuf [dreg:s23], $0x4FFFF;
	_ =	strace $0x90000055  }
0x38: {  	s29 =	simm.s32 $0xA;
	_ =	strace $0x80000057  }
0x39: {  	_ =	swait.ge [sflag:s29], $0x1  }
0x3a: {  	[sflag:s29] =	ssyncadd.s32 $0xFFFFFFFF  }
0x3b: {  	_ =	strace $0x90000057  }
0x3c: {  	_ =	sfence  }
0x3d: {  	s30 =	sld [smem:$0x0];
	_ =	sdelay $0x2  }
0x3e: {  	s31 =	sshll.u32 s1, $0xD;
	s1 =	sshrl.u32 s1, $0x2  }
0x3f: {  	s4 =	sand.u32 $0x4000, s31;
	s1 =	sadd.s32 s1, s30  }
0x40: {  	s0 =	sor.u32 s4, s0;
	s1 =	sshll.u32 s1, $0x11  }
0x41: {  	s0 =	sor.u32 s1, s0  }
0x42: {  	s0 =	sadd.s32 $0x8F2B, s0  }
0x43: {  	[sflag:s0] =	ssyncadd.remote.s32 $0x1  }
0x44: {  	_ =	sfence.sel $0xFFFF  }
0x45: {  	[dreg:$0x0] =	wrdreg $0xFFFFFFFF;
	(pc) =	sbr.abs _section_cstart, $3  }
0x46: {  	[dreg:$0x1] =	wrdreg $0xFFFFFFFF  }
0x47: {  	_ =	task.clear_ibuf [dreg:s23], $0x2FFFF;
	_ =	strace $0x9FFFFFFF  }
0x48: {  	(tm) =	ssettm $0x7FFFFFFF  }
0x49: {  	_ =	shalt  }
tec
execute0_lowered:
.L_overlay_start_1:
0x0: {  	(tag) =	ssettag $0x1  }
0x1: {  	s0 =	srdreg.scid  }
0x2: {  	s5 =	rddreg [dreg:$0x0];
	s1 =	stileid.u32;
	s4 =	simm.s32 $0x1  }
0x3: {  	s6 =	simm.s32 $0x2;
	s8 =	simm.s32 $0x0;
	s2 =	sshll.u32 s0, $0x4  }
0x4: {  	s9 =	simm.s32 $0x0;
	s13 =	simm.s32 $0x0;
	s2 =	sand.u32 $0x10, s2  }
.Ltmp0:
0x5: {  	s10 =	simm.s32 $0x0;
	s3 =	sor.u32 s1, s2;
	(pc) =	sbr.rel .LBB1_1-.Ltmp0, $4  }
0x6: {  	s0 =	rddreg [dreg:$0x1];
	_ =	strace $0x80000056;
	s3 =	sshll.u32 s3, $0x1  }
0x7: {  	s12 =	simm.s32 $0x0;
	[sflag:s4] =	ssyncpa.u1 $0x0;
	s7 =	ssub.s32 $0x400, s3  }
0x8: {  	s2 =	sadd.s32 $0x60F200, s5;
	[sflag:s6] =	ssyncpa.u1 $0x0;
	s6 =	sshrl.u32 s7, $0x6  }
0x9: {  	s5 =	sadd.s32 $0x80FC00, s5;
	s11 =	smov.u32 s3;
	s7 =	sadd.s32 $0x2, s6  }
.LBB1_9:
0xa: {  	s15 =	sshll.u32 s12, $0xE  }
0xb: {  	s16 =	sshll.u32 s10, $0xA;
	s15 =	sand.u32 $0x4000, s15  }
0xc: {  	s16 =	sadd.s32 s5, s16;
	s15 =	sor.u32 $0x8000, s15  }
0xd: {  	[hbm4b:s16+s8] =	stream.linear.scatter [tilespmem:s15], [sflag:$0x2], s14, $0x38;
	[tilespmem:$0x10000] =	vst v63  }
.LBB1_10:
0xe: {  	p0 =	slt.u32 s12, $0x2  }
0xf: {  	p1 =	sgt.s32 @!p0 s13, $0x3FF  }
0x10: {  	s14 =	smov.u32 s13;
	s15 =	sshra.s32 @!p0 s13, $0x1F;
	p1 =	por !p1, p0  }
0x11: {  	s13 =	sand.u32 @!p0 s15, s13;
	s14 =	simm.s32 @p1 $0x3FF  }
0x12: {  	s13 =	ssub.s32 @!p0 s14, s13  }
0x13: {  	s13 =	sadd.s32 @!p0 $0xFFFFFC01, s13  }
0x14: {  	s14 =	sshll.u32 @!p0 s13, $0xF  }
0x15: {  	p1 =	sgt.s32 @!p0 s13, $0x1;
	s13 =	ssub.s32 @!p0 $0x10000, s14  }
0x16: {  	s15 =	sadd.s32 $0x40, s11;
	p1 =	por !p1, p0;
	s13 =	sshrl.u32 @!p0 s13, $0x2  }
0x17: {  	s13 =	simm.s32 @!p1 $0x0;
	p1 =	sgt.s32 s15, $0x400  }
0x18: {  	s15 =	smov.u32 @p1 s3;
	p1 =	sne.s32 s12, s7  }
.Ltmp1:
0x19: {  	_ = 	snop;
	(pc) =	sbr.rel @!p1 .LBB1_11-.Ltmp1, $4  }
0x1a: {  	s14 =	simm.s32 @!p0 $0x2  }
0x1b: {  	s9 =	sadd.s32 $0x4000, s9;
	_ =	swait.ge @!p0 [sflag:s14], s13;
	s16 =	ssub.s32 @!p0 $0x0, s13  }
0x1c: {  	s13 =	smov.u32 s10;
	s12 =	sadd.s32 $0x1, s12;
	[sflag:s14] =	ssyncset.done @!p0 $0x0  }
0x1d: {  	s10 =	smov.u32 s11;
	s11 =	smov.u32 s15;
	[sflag:s14] =	ssyncadd.s32 @!p0 s16  }
.LBB1_1:
0x1e: {  	p0 =	sgt.u32 s12, s6  }
0x1f: {  	p1 =	sgt.s32 @!p0 s11, $0x3FF  }
0x20: {  	s14 =	smov.u32 s11;
	s15 =	sshra.s32 @!p0 s11, $0x1F;
	p1 =	por !p1, p0  }
0x21: {  	s15 =	sand.u32 @!p0 s15, s11;
	s14 =	simm.s32 @p1 $0x3FF  }
0x22: {  	s14 =	ssub.s32 @!p0 s14, s15  }
0x23: {  	s14 =	sadd.s32 @!p0 $0xFFFFFC01, s14  }
0x24: {  	s17 =	simm.s32 @!p0 $0x0;
	s15 =	sxor.u32 @!p0 $0xFFFFFFFF, s12;
	s16 =	sshll.u32 @!p0 s14, $0xF  }
0x25: {  	s15 =	sshll.u32 @!p0 s15, $0xE;
	p1 =	sgt.s32 @!p0 s14, $0x1;
	s14 =	ssub.s32 @!p0 $0x10000, s16  }
0x26: {  	p1 =	por !p1, p0;
	s16 =	sshll.u32 @!p0 s11, $0xA;
	s14 =	sshrl.u32 @!p0 s14, $0x2  }
0x27: {  	s15 =	sand.u32 @!p0 $0x4000, s15;
	s16 =	sadd.s32 @!p0 s2, s16;
	s14 =	simm.s32 @!p1 $0x0  }
0x28: {  	[tilespmem:s15], [sflag:$0x1] =	stream.linear.gather @!p0 [hbm4b:s16+s17], s14, $0x38;
	[tilespmem:$0x10000] =	vst v63  }
0x29: {  	p0 =	seq.s32 s12, $0x0  }
0x2a: {  	p1 =	sge.u32 @!p0 s12, s7  }
0x2b: {  	p0 =	por p0, p1  }
.Ltmp2:
0x2c: {  	_ = 	snop;
	(pc) =	sbr.rel @p0 .LBB1_10-.Ltmp2, $1  }
0x2d: {  	_ =	sdelay $0x3  }
0x2e: {  	p0 =	sgt.s32 s10, $0x3FF;
	s14 =	smov.u32 s10;
	s15 =	sshra.s32 s10, $0x1F  }
0x2f: {  	s14 =	simm.s32 @!p0 $0x3FF;
	s15 =	sand.u32 s15, s10  }
0x30: {  	s14 =	ssub.s32 s14, s15  }
0x31: {  	s16 =	sadd.s32 $0x2, s10;
	s14 =	sadd.s32 $0xFFFFFC01, s14  }
0x32: {  	p1 =	slt.s32 s16, $0x401;
	s30 =	sshll.u32 s14, $0xF  }
0x33: {  	s16 =	simm.s32 @!p1 $0x401;
	s15 =	ssub.s32 $0x10000, s30  }
0x34: {  	p0 =	sgt.s32 s14, $0x1;
	s14 =	sshrl.u32 s15, $0x2;
	s15 =	ssub.s32 s16, s10  }
0x35: {  	s14 =	simm.s32 @p0 $0x0;
	p0 =	slt.s32 s15, $0x1  }
.Ltmp3:
0x36: {  	_ = 	snop;
	(pc) =	sbr.rel @p0 .LBB1_9-.Ltmp3, $4  }
0x37: {  	_ = 	snop  }
0x38: {  	_ =	swait.ge [sflag:s4], s14  }
0x39: {  	s31 =	ssub.s32 $0x0, s14;
	[sflag:s4] =	ssyncset.done $0x0  }
0x3a: {  	[sflag:s4] =	ssyncadd.s32 s31  }
0x3b: {  	s17 =	sand.u32 $0x4000, s9  }
0x3c: {  	s18 =	simm.s32 $0x0;
	s16 =	sor.u32 $0x8040, s17;
	s17 =	sor.u32 $0x40, s17  }
.LBB1_4:
0x3d: {  	s19 =	smov.u32 s17;
	s20 =	smov.u32 s16;
	s21 =	simm.s32 $0x0  }
.LBB1_5:
0x3e: {  	v0 =	vmov s19;
	_ =	sdelay $0x3  }
0x3f: {  	s23 =	simm.s32 $0x0  }
0x40: {  	v6 =	vld.idx.msk [tilespmem:v0+s23+$0x30 ss:$0x1], $0xffff  }
0x41: {  	v7 =	vld.idx.msk [tilespmem:v0+s23+$0xFFFFFFC0 ss:$0x1], $0xffff  }
0x42: {  	v5 =	vld.idx.msk [tilespmem:v0+s23+$0xFFFFFFD0 ss:$0x1], $0xffff  }
0x43: {  	v4 =	vld.idx.msk [tilespmem:v0+s23+$0xFFFFFFE0 ss:$0x1], $0xffff  }
0x44: {  	v3 =	vld.idx.msk [tilespmem:v0+s23+$0xFFFFFFF0 ss:$0x1], $0xffff  }
0x45: {  	v1 =	vld.idx.msk [tilespmem:v0+s23+$0x0 ss:$0x1], $0xffff  }
0x46: {  	v2 =	vld.idx.msk [tilespmem:v0+s23+$0x10 ss:$0x1], $0xffff;
	[tilespmem:s20+$0x30] =	vst v6  }
0x47: {  	s22 =	simm.s32 $0x80;
	s24 =	simm.s32 $0x400;
	[tilespmem:s20+$0xFFFFFFC0] =	vst v7;
	v6 =	vld.idx.msk [tilespmem:v0+s23+$0x20 ss:$0x1], $0xffff;
	s23 =	smov.u32 s20  }
.LBB1_6:
0x48: {  	p0 =	sne.s32 s24, $0xE00;
	v7 =	vld.idx.msk [tilespmem:v0+s22+$0x30 ss:$0x1], $0xffff;
	[tilespmem:s23+$0xFFFFFFD0] =	vst v5  }
0x49: {  	v8 =	vld.idx.msk [tilespmem:v0+s22+$0xFFFFFFC0 ss:$0x1], $0xffff;
	[tilespmem:s23+$0xFFFFFFE0] =	vst v4  }
0x4a: {  	v5 =	vld.idx.msk [tilespmem:v0+s22+$0xFFFFFFD0 ss:$0x1], $0xffff;
	[tilespmem:s23+$0xFFFFFFF0] =	vst v3  }
.Ltmp4:
0x4b: {  	v4 =	vld.idx.msk [tilespmem:v0+s22+$0xFFFFFFE0 ss:$0x1], $0xffff;
	[tilespmem:s23+$0x0] =	vst v1;
	(pc) =	sbr.rel @p0 .LBB1_6-.Ltmp4, $4  }
0x4c: {  	v3 =	vld.idx.msk [tilespmem:v0+s22+$0xFFFFFFF0 ss:$0x1], $0xffff;
	[tilespmem:s23+$0x10] =	vst v2  }
0x4d: {  	v1 =	vld.idx.msk [tilespmem:v0+s22+$0x0 ss:$0x1], $0xffff;
	[tilespmem:s23+$0x20] =	vst v6;
	s23 =	sadd.s32 $0x400, s23  }
0x4e: {  	v2 =	vld.idx.msk [tilespmem:v0+s22+$0x10 ss:$0x1], $0xffff;
	[tilespmem:s23+$0x30] =	vst v7  }
0x4f: {  	[tilespmem:s23+$0xFFFFFFC0] =	vst v8;
	v6 =	vld.idx.msk [tilespmem:v0+s22+$0x20 ss:$0x1], $0xffff;
	s22 =	sshra.s32 s24, $0x2;
	s24 =	sadd.s32 $0x200, s24  }
0x50: {  	_ =	sdelay $0x2  }
0x51: {  	[tilespmem:s23+$0xFFFFFFD0] =	vst v5  }
0x52: {  	v56 =	vld.idx.msk [tilespmem:v0+s22+$0x30 ss:$0x1], $0xffff;
	[tilespmem:s23+$0xFFFFFFE0] =	vst v4  }
0x53: {  	v57 =	vld.idx.msk [tilespmem:v0+s22+$0xFFFFFFC0 ss:$0x1], $0xffff;
	[tilespmem:s23+$0xFFFFFFF0] =	vst v3  }
0x54: {  	v58 =	vld.idx.msk [tilespmem:v0+s22+$0xFFFFFFD0 ss:$0x1], $0xffff;
	[tilespmem:s23+$0x0] =	vst v1  }
0x55: {  	v59 =	vld.idx.msk [tilespmem:v0+s22+$0xFFFFFFE0 ss:$0x1], $0xffff;
	[tilespmem:s23+$0x10] =	vst v2  }
0x56: {  	v60 =	vld.idx.msk [tilespmem:v0+s22+$0xFFFFFFF0 ss:$0x1], $0xffff;
	s31 =	sadd.s32 $0x400, s23;
	[tilespmem:s23+$0x20] =	vst v6  }
0x57: {  	v61 =	vld.idx.msk [tilespmem:v0+s22+$0x0 ss:$0x1], $0xffff;
	[tilespmem:s31+$0x30] =	vst v56  }
0x58: {  	v62 =	vld.idx.msk [tilespmem:v0+s22+$0x10 ss:$0x1], $0xffff;
	s21 =	sadd.s32 $0x1, s21;
	[tilespmem:s31+$0xFFFFFFC0] =	vst v57  }
0x59: {  	v63 =	vld.idx.msk [tilespmem:v0+s22+$0x20 ss:$0x1], $0xffff;
	p0 =	sne.s32 s21, $0x8;
	[tilespmem:s31+$0xFFFFFFD0] =	vst v58  }
.Ltmp5:
0x5a: {  	[tilespmem:s31+$0xFFFFFFE0] =	vst v59;
	(pc) =	sbr.rel @p0 .LBB1_5-.Ltmp5, $4  }
0x5b: {  	[tilespmem:s31+$0xFFFFFFF0] =	vst v60  }
0x5c: {  	[tilespmem:s31+$0x0] =	vst v61  }
0x5d: {  	[tilespmem:s31+$0x10] =	vst v62  }
0x5e: {  	s20 =	sadd.s32 $0x80, s20;
	s19 =	sadd.s32 $0x400, s19;
	[tilespmem:s31+$0x20] =	vst v63  }
0x5f: {  	s18 =	sadd.s32 $0x1, s18  }
0x60: {  	p0 =	sne.s32 s18, s15  }
.Ltmp6:
0x61: {  	_ = 	snop;
	(pc) =	sbr.rel @p0 .LBB1_4-.Ltmp6, $4  }
.Ltmp7:
0x62: {  	_ = 	snop;
	(pc) =	sbr.rel @!p0 .LBB1_9-.Ltmp7, $4  }
0x63: {  	_ = 	snop  }
0x64: {  	_ = 	snop  }
0x65: {  	s16 =	sadd.s32 $0x2000, s16;
	s17 =	sadd.s32 $0x2000, s17  }
0x66: {  	_ = 	snop  }
.LBB1_11:
0x67: {  	_ =	sfence.sel $0x180000  }
0x68: {  	s2 =	simm.s32 $0x1;
	[bflag:$0x0] =	sbarrier.arrive $0xFFFF  }
0x69: {  	s31 =	simm.s32 $0x2;
	[sflag:s2] =	ssyncpa.u1 $0x1  }
0x6a: {  	[sflag:s31] =	ssyncpa.u1 $0x1  }
0x6b: {  	p0 =	sne.s32 s1, $0x0;
	_ =	strace $0x90000056  }
0x6c: {  	s0 =	sadd.s32 @!p0 $0x100000, s0;
	[bflag:$0x2] =	sbarrier.arrive $0xFFFF  }
0x6d: {  	[sflag:s0] =	ssyncadd.tile.s32 @!p0 $0x1;
	_ =	shalt  }
.Lfunc_end1:
_tile_overlayer_lowered:
.L_overlay_start_2:
0x6e: {  	(tag) =	ssettag $0x2  }
0x6f: {  	s0 =	rddreg [dreg:$0x0];
	s2 =	stileid.u32  }
0x70: {  	s1 =	rddreg [dreg:$0x1];
	p0 =	sne.s32 s2, $0x0  }
0x71: {  	s3 =	rddreg [dreg:$0x2];
	[bflag:$0x3] =	sbarrier.arrive $0xFFFF;
	s2 =	simm.s32 @!p0 $0x1C01  }
0x72: {  	[timem:s3], [sflag:s2] =	dma.local @!p0 [hbm:s0], s1  }
0x73: {  	s0 =	simm.s32 @!p0 $0x1  }
0x74: {  	_ =	swait.ge @!p0 [sflag:s0], s1  }
0x75: {  	s1 =	ssub.s32 @!p0 $0x0, s1;
	[sflag:s0] =	ssyncset.done @!p0 $0x0  }
0x76: {  	[sflag:s0] =	ssyncadd.s32 @!p0 s1  }
0x77: {  	[bflag:$0x3] =	sbarrier.arrive $0xFFFF  }
0x78: {  	_ =	shalt  }

// kernel: sparse-core-data-format-call.2.cloned.1.call-start
scs
called_computation.2_lowered:
.L_overlay_start_0:
0x0: {  	s2 =	sld [smem:$0x3FD9]  }
0x1: {  	s3 =	sld [smem:$0x3FFE];
	_ =	sdelay $0x1  }
0x2: {  	s1 =	srdreg.scid  }
0x3: {  	s0 =	sand.u32 $0x1, s1  }
0x4: {  	s18 =	sshll.u32 s0, $0xA;
	s2 =	sadd.s32 s3, s2  }
0x5: {  	s2 =	sadd.s32 s2, s18  }
0x6: {  	[smem:$0x3FC6] =	sst s2  }
0x7: {  	_ = 	snop  }
0x8: {  	(tm) =	ssettm $0x1  }
0x9: {  	s19 =	sld [smem:$0x3FFB];
	_ =	sdelay $0x3  }
0xa: {  	_ =	strace s19  }
0xb: {  	s2 =	sld [smem:$0x3FFC];
	_ =	sdelay $0x3  }
0xc: {  	_ =	strace s2  }
0xd: {  	s2 =	sld [smem:$0x3FFD];
	_ =	sdelay $0x3  }
0xe: {  	_ =	strace s2  }
0xf: {  	_ =	strace $0x8FFFFFFF  }
0x10: {  	s20 =	sld [smem:$0x3FDB];
	_ =	sdelay $0x1  }
0x11: {  	s21 =	simm.s32 $_scs_section_size  }
0x12: {  	s4 =	simm.s32 $_size__tile_overlayer_lowered;
	s5 =	simm.s32 $_tile_overlayer_lowered  }
0x13: {  	s6 =	simm.s32 $0x1BFF;
	s22 =	sshll.u32 s5, $0x1;
	s3 =	sadd.s32 s21, s20  }
0x14: {  	s23 =	simm.s32 $0x0;
	s4 =	sshll.u32 s4, $0x1;
	s5 =	sadd.s32 s22, s3  }
0x15: {  	[timem:s23], [sflag:s6] =	dma.local [hbm:s5], s4  }
0x16: {  	_ =	swait.ge [sflag:s6], s4  }
0x17: {  	s4 =	ssub.s32 $0x0, s4;
	[sflag:s6] =	ssyncset.done $0x0  }
0x18: {  	[sflag:s6] =	ssyncadd.s32 s4;
	_ =	sdelay $0x1  }
0x19: {  	s24 =	simm.s32 $0x1B8B  }
0x1a: {  	_ =	swait.ge [sflag:s24], $0x1  }
0x1b: {  	[sflag:s24] =	ssyncset.done $0x0  }
0x1c: {  	[sflag:s24] =	ssyncadd.s32 $0xFFFFFFFF  }
0x1d: {  	s4 =	sld [smem:$0x0]  }
0x1e: {  	s5 =	sand.u32 $0xFFFFFFFE, s1  }
0x1f: {  	p0 =	sne.s32 s1, s5  }
0x20: {  	s5 =	sshll.u32 @p0 s5, $0xE  }
0x21: {  	s5 =	sadd.s32 @p0 $0x11B8D, s5;
	s6 =	sshll.u32 @p0 s4, $0x11  }
0x22: {  	s5 =	sor.u32 @p0 s6, s5  }
0x23: {  	[sflag:s5] =	ssyncadd.remote.s32 @p0 $0x1;
	_ =	sdelay $0x1  }
0x24: {  	s5 =	simm.s32 @p0 $0x1B8D  }
0x25: {  	_ =	swait.eq @p0 [sflag:s5], $0x1  }
0x26: {  	[sflag:s5] =	ssyncadd.s32 @p0 $0xFFFFFFFF  }
0x27: {  	s6 =	sshll.u32 @!p0 s1, $0xE  }
0x28: {  	s6 =	sor.u32 @!p0 $0x4000, s6;
	s5 =	simm.s32 @!p0 $0x1B8D  }
0x29: {  	s4 =	sshll.u32 @!p0 s4, $0x11;
	s6 =	sadd.s32 @!p0 $0x11B8D, s6;
	_ =	swait.eq @!p0 [sflag:s5], $0x1  }
0x2a: {  	s4 =	sor.u32 @!p0 s4, s6;
	[sflag:s5] =	ssyncadd.s32 @!p0 $0xFFFFFFFF  }
0x2b: {  	s26 =	simm.s32 $0x1B8E;
	s25 =	sld [smem:$0x3FFE];
	[sflag:s4] =	ssyncadd.remote.s32 @!p0 $0x1  }
0x2c: {  	s27 =	simm.s32 $execute0_lowered;
	[smem:$0x3FD2] =	sst s26  }
0x2d: {  	s5 =	sshll.u32 s27, $0x1;
	_ =	strace $0x8000004F;
	[dreg:$0x1] =	wrdreg $0xFFFFFFFF  }
0x2e: {  	s28 =	simm.s32 $_size_execute0_lowered;
	s3 =	sadd.s32 s3, s5;
	[dreg:$0x0] =	wrdreg $0x0  }
0x2f: {  	s5 =	sshll.u32 s28, $0x1;
	[dreg:$0x2] =	wrdreg s3  }
0x30: {  	[dreg:$0x3] =	wrdreg s5  }
0x31: {  	[dreg:$0x4] =	wrdreg $0xC0  }
0x32: {  	_ =	task [dreg:s23], $0x5FFFF  }
0x33: {  	[dreg:$0x1] =	wrdreg $0xFFFFFFFF  }
0x34: {  	[dreg:$0x0] =	wrdreg $0x60  }
0x35: {  	[dreg:$0x2] =	wrdreg s25  }
0x36: {  	[dreg:$0x3] =	wrdreg $0xB  }
0x37: {  	_ =	task.clear_ibuf [dreg:s23], $0x4FFFF;
	_ =	strace $0x9000004F  }
0x38: {  	s29 =	simm.s32 $0xB;
	_ =	strace $0x80000051  }
0x39: {  	_ =	swait.ge [sflag:s29], $0x1  }
0x3a: {  	[sflag:s29] =	ssyncadd.s32 $0xFFFFFFFF  }
0x3b: {  	_ =	strace $0x90000051  }
0x3c: {  	_ =	sfence  }
0x3d: {  	s30 =	sld [smem:$0x0];
	_ =	sdelay $0x2  }
0x3e: {  	s31 =	sshll.u32 s1, $0xD;
	s1 =	sshrl.u32 s1, $0x2  }
0x3f: {  	s4 =	sand.u32 $0x4000, s31;
	s1 =	sadd.s32 s1, s30  }
0x40: {  	s0 =	sor.u32 s4, s0;
	s1 =	sshll.u32 s1, $0x11  }
0x41: {  	s0 =	sor.u32 s1, s0  }
0x42: {  	s0 =	sadd.s32 $0x8F2B, s0  }
0x43: {  	[sflag:s0] =	ssyncadd.remote.s32 $0x1  }
0x44: {  	_ =	sfence.sel $0xFFFF  }
0x45: {  	[dreg:$0x0] =	wrdreg $0xFFFFFFFF;
	(pc) =	sbr.abs _section_cstart, $3  }
0x46: {  	[dreg:$0x1] =	wrdreg $0xFFFFFFFF  }
0x47: {  	_ =	task.clear_ibuf [dreg:s23], $0x2FFFF;
	_ =	strace $0x9FFFFFFF  }
0x48: {  	(tm) =	ssettm $0x7FFFFFFF  }
0x49: {  	_ =	shalt  }
tec
execute0_lowered:
.L_overlay_start_1:
0x0: {  	(tag) =	ssettag $0x1  }
0x1: {  	s0 =	srdreg.scid  }
0x2: {  	s5 =	rddreg [dreg:$0x0];
	s1 =	stileid.u32;
	s4 =	simm.s32 $0x1  }
0x3: {  	s6 =	simm.s32 $0x2;
	s8 =	simm.s32 $0x0;
	s2 =	sshll.u32 s0, $0x4  }
0x4: {  	s9 =	simm.s32 $0x0;
	s13 =	simm.s32 $0x0;
	s2 =	sand.u32 $0x10, s2  }
.Ltmp0:
0x5: {  	s10 =	simm.s32 $0x0;
	s3 =	sor.u32 s1, s2;
	(pc) =	sbr.rel .LBB1_1-.Ltmp0, $4  }
0x6: {  	s0 =	rddreg [dreg:$0x1];
	_ =	strace $0x80000050;
	s3 =	sshll.u32 s3, $0x1  }
0x7: {  	s12 =	simm.s32 $0x0;
	[sflag:s4] =	ssyncpa.u1 $0x0;
	s7 =	ssub.s32 $0x400, s3  }
0x8: {  	s2 =	sadd.s32 $0x206600, s5;
	[sflag:s6] =	ssyncpa.u1 $0x0;
	s6 =	sshrl.u32 s7, $0x6  }
0x9: {  	s5 =	sadd.s32 $0x306A00, s5;
	s11 =	smov.u32 s3;
	s7 =	sadd.s32 $0x2, s6  }
.LBB1_9:
0xa: {  	s15 =	sshll.u32 s12, $0xE  }
0xb: {  	s16 =	sshll.u32 s10, $0xA;
	s15 =	sand.u32 $0x4000, s15  }
0xc: {  	s16 =	sadd.s32 s5, s16;
	s15 =	sor.u32 $0x8000, s15  }
0xd: {  	[hbm4b:s16+s8] =	stream.linear.scatter [tilespmem:s15], [sflag:$0x2], s14, $0x38;
	[tilespmem:$0x10000] =	vst v63  }
.LBB1_10:
0xe: {  	p0 =	slt.u32 s12, $0x2  }
0xf: {  	p1 =	sgt.s32 @!p0 s13, $0x3FF  }
0x10: {  	s14 =	smov.u32 s13;
	s15 =	sshra.s32 @!p0 s13, $0x1F;
	p1 =	por !p1, p0  }
0x11: {  	s13 =	sand.u32 @!p0 s15, s13;
	s14 =	simm.s32 @p1 $0x3FF  }
0x12: {  	s13 =	ssub.s32 @!p0 s14, s13  }
0x13: {  	s13 =	sadd.s32 @!p0 $0xFFFFFC01, s13  }
0x14: {  	s14 =	sshll.u32 @!p0 s13, $0xF  }
0x15: {  	p1 =	sgt.s32 @!p0 s13, $0x1;
	s13 =	ssub.s32 @!p0 $0x10000, s14  }
0x16: {  	s15 =	sadd.s32 $0x40, s11;
	p1 =	por !p1, p0;
	s13 =	sshrl.u32 @!p0 s13, $0x2  }
0x17: {  	s13 =	simm.s32 @!p1 $0x0;
	p1 =	sgt.s32 s15, $0x400  }
0x18: {  	s15 =	smov.u32 @p1 s3;
	p1 =	sne.s32 s12, s7  }
.Ltmp1:
0x19: {  	_ = 	snop;
	(pc) =	sbr.rel @!p1 .LBB1_11-.Ltmp1, $4  }
0x1a: {  	s14 =	simm.s32 @!p0 $0x2  }
0x1b: {  	s9 =	sadd.s32 $0x4000, s9;
	_ =	swait.ge @!p0 [sflag:s14], s13;
	s16 =	ssub.s32 @!p0 $0x0, s13  }
0x1c: {  	s13 =	smov.u32 s10;
	s12 =	sadd.s32 $0x1, s12;
	[sflag:s14] =	ssyncset.done @!p0 $0x0  }
0x1d: {  	s10 =	smov.u32 s11;
	s11 =	smov.u32 s15;
	[sflag:s14] =	ssyncadd.s32 @!p0 s16  }
.LBB1_1:
0x1e: {  	p0 =	sgt.u32 s12, s6  }
0x1f: {  	p1 =	sgt.s32 @!p0 s11, $0x3FF  }
0x20: {  	s14 =	smov.u32 s11;
	s15 =	sshra.s32 @!p0 s11, $0x1F;
	p1 =	por !p1, p0  }
0x21: {  	s15 =	sand.u32 @!p0 s15, s11;
	s14 =	simm.s32 @p1 $0x3FF  }
0x22: {  	s14 =	ssub.s32 @!p0 s14, s15  }
0x23: {  	s14 =	sadd.s32 @!p0 $0xFFFFFC01, s14  }
0x24: {  	s17 =	simm.s32 @!p0 $0x0;
	s15 =	sxor.u32 @!p0 $0xFFFFFFFF, s12;
	s16 =	sshll.u32 @!p0 s14, $0xF  }
0x25: {  	s15 =	sshll.u32 @!p0 s15, $0xE;
	p1 =	sgt.s32 @!p0 s14, $0x1;
	s14 =	ssub.s32 @!p0 $0x10000, s16  }
0x26: {  	p1 =	por !p1, p0;
	s16 =	sshll.u32 @!p0 s11, $0xA;
	s14 =	sshrl.u32 @!p0 s14, $0x2  }
0x27: {  	s15 =	sand.u32 @!p0 $0x4000, s15;
	s16 =	sadd.s32 @!p0 s2, s16;
	s14 =	simm.s32 @!p1 $0x0  }
0x28: {  	[tilespmem:s15], [sflag:$0x1] =	stream.linear.gather @!p0 [hbm4b:s16+s17], s14, $0x38;
	[tilespmem:$0x10000] =	vst v63  }
0x29: {  	p0 =	seq.s32 s12, $0x0  }
0x2a: {  	p1 =	sge.u32 @!p0 s12, s7  }
0x2b: {  	p0 =	por p0, p1  }
.Ltmp2:
0x2c: {  	_ = 	snop;
	(pc) =	sbr.rel @p0 .LBB1_10-.Ltmp2, $1  }
0x2d: {  	_ =	sdelay $0x3  }
0x2e: {  	p0 =	sgt.s32 s10, $0x3FF;
	s14 =	smov.u32 s10;
	s15 =	sshra.s32 s10, $0x1F  }
0x2f: {  	s14 =	simm.s32 @!p0 $0x3FF;
	s15 =	sand.u32 s15, s10  }
0x30: {  	s14 =	ssub.s32 s14, s15  }
0x31: {  	s16 =	sadd.s32 $0x2, s10;
	s14 =	sadd.s32 $0xFFFFFC01, s14  }
0x32: {  	p1 =	slt.s32 s16, $0x401;
	s30 =	sshll.u32 s14, $0xF  }
0x33: {  	s16 =	simm.s32 @!p1 $0x401;
	s15 =	ssub.s32 $0x10000, s30  }
0x34: {  	p0 =	sgt.s32 s14, $0x1;
	s14 =	sshrl.u32 s15, $0x2;
	s15 =	ssub.s32 s16, s10  }
0x35: {  	s14 =	simm.s32 @p0 $0x0;
	p0 =	slt.s32 s15, $0x1  }
.Ltmp3:
0x36: {  	_ = 	snop;
	(pc) =	sbr.rel @p0 .LBB1_9-.Ltmp3, $4  }
0x37: {  	_ = 	snop  }
0x38: {  	_ =	swait.ge [sflag:s4], s14  }
0x39: {  	s31 =	ssub.s32 $0x0, s14;
	[sflag:s4] =	ssyncset.done $0x0  }
0x3a: {  	[sflag:s4] =	ssyncadd.s32 s31  }
0x3b: {  	s17 =	sand.u32 $0x4000, s9  }
0x3c: {  	s18 =	simm.s32 $0x0;
	s16 =	sor.u32 $0x8040, s17;
	s17 =	sor.u32 $0x40, s17  }
.LBB1_4:
0x3d: {  	s19 =	smov.u32 s17;
	s20 =	smov.u32 s16;
	s21 =	simm.s32 $0x0  }
.LBB1_5:
0x3e: {  	v0 =	vmov s19;
	_ =	sdelay $0x3  }
0x3f: {  	s23 =	simm.s32 $0x0  }
0x40: {  	v6 =	vld.idx.msk [tilespmem:v0+s23+$0x30 ss:$0x1], $0xffff  }
0x41: {  	v7 =	vld.idx.msk [tilespmem:v0+s23+$0xFFFFFFC0 ss:$0x1], $0xffff  }
0x42: {  	v5 =	vld.idx.msk [tilespmem:v0+s23+$0xFFFFFFD0 ss:$0x1], $0xffff  }
0x43: {  	v4 =	vld.idx.msk [tilespmem:v0+s23+$0xFFFFFFE0 ss:$0x1], $0xffff  }
0x44: {  	v3 =	vld.idx.msk [tilespmem:v0+s23+$0xFFFFFFF0 ss:$0x1], $0xffff  }
0x45: {  	v1 =	vld.idx.msk [tilespmem:v0+s23+$0x0 ss:$0x1], $0xffff  }
0x46: {  	v2 =	vld.idx.msk [tilespmem:v0+s23+$0x10 ss:$0x1], $0xffff;
	[tilespmem:s20+$0x30] =	vst v6  }
0x47: {  	s22 =	simm.s32 $0x80;
	s24 =	simm.s32 $0x400;
	[tilespmem:s20+$0xFFFFFFC0] =	vst v7;
	v6 =	vld.idx.msk [tilespmem:v0+s23+$0x20 ss:$0x1], $0xffff;
	s23 =	smov.u32 s20  }
.LBB1_6:
0x48: {  	p0 =	sne.s32 s24, $0xE00;
	v7 =	vld.idx.msk [tilespmem:v0+s22+$0x30 ss:$0x1], $0xffff;
	[tilespmem:s23+$0xFFFFFFD0] =	vst v5  }
0x49: {  	v8 =	vld.idx.msk [tilespmem:v0+s22+$0xFFFFFFC0 ss:$0x1], $0xffff;
	[tilespmem:s23+$0xFFFFFFE0] =	vst v4  }
0x4a: {  	v5 =	vld.idx.msk [tilespmem:v0+s22+$0xFFFFFFD0 ss:$0x1], $0xffff;
	[tilespmem:s23+$0xFFFFFFF0] =	vst v3  }
.Ltmp4:
0x4b: {  	v4 =	vld.idx.msk [tilespmem:v0+s22+$0xFFFFFFE0 ss:$0x1], $0xffff;
	[tilespmem:s23+$0x0] =	vst v1;
	(pc) =	sbr.rel @p0 .LBB1_6-.Ltmp4, $4  }
0x4c: {  	v3 =	vld.idx.msk [tilespmem:v0+s22+$0xFFFFFFF0 ss:$0x1], $0xffff;
	[tilespmem:s23+$0x10] =	vst v2  }
0x4d: {  	v1 =	vld.idx.msk [tilespmem:v0+s22+$0x0 ss:$0x1], $0xffff;
	[tilespmem:s23+$0x20] =	vst v6;
	s23 =	sadd.s32 $0x400, s23  }
0x4e: {  	v2 =	vld.idx.msk [tilespmem:v0+s22+$0x10 ss:$0x1], $0xffff;
	[tilespmem:s23+$0x30] =	vst v7  }
0x4f: {  	[tilespmem:s23+$0xFFFFFFC0] =	vst v8;
	v6 =	vld.idx.msk [tilespmem:v0+s22+$0x20 ss:$0x1], $0xffff;
	s22 =	sshra.s32 s24, $0x2;
	s24 =	sadd.s32 $0x200, s24  }
0x50: {  	_ =	sdelay $0x2  }
0x51: {  	[tilespmem:s23+$0xFFFFFFD0] =	vst v5  }
0x52: {  	v56 =	vld.idx.msk [tilespmem:v0+s22+$0x30 ss:$0x1], $0xffff;
	[tilespmem:s23+$0xFFFFFFE0] =	vst v4  }
0x53: {  	v57 =	vld.idx.msk [tilespmem:v0+s22+$0xFFFFFFC0 ss:$0x1], $0xffff;
	[tilespmem:s23+$0xFFFFFFF0] =	vst v3  }
0x54: {  	v58 =	vld.idx.msk [tilespmem:v0+s22+$0xFFFFFFD0 ss:$0x1], $0xffff;
	[tilespmem:s23+$0x0] =	vst v1  }
0x55: {  	v59 =	vld.idx.msk [tilespmem:v0+s22+$0xFFFFFFE0 ss:$0x1], $0xffff;
	[tilespmem:s23+$0x10] =	vst v2  }
0x56: {  	v60 =	vld.idx.msk [tilespmem:v0+s22+$0xFFFFFFF0 ss:$0x1], $0xffff;
	s31 =	sadd.s32 $0x400, s23;
	[tilespmem:s23+$0x20] =	vst v6  }
0x57: {  	v61 =	vld.idx.msk [tilespmem:v0+s22+$0x0 ss:$0x1], $0xffff;
	[tilespmem:s31+$0x30] =	vst v56  }
0x58: {  	v62 =	vld.idx.msk [tilespmem:v0+s22+$0x10 ss:$0x1], $0xffff;
	s21 =	sadd.s32 $0x1, s21;
	[tilespmem:s31+$0xFFFFFFC0] =	vst v57  }
0x59: {  	v63 =	vld.idx.msk [tilespmem:v0+s22+$0x20 ss:$0x1], $0xffff;
	p0 =	sne.s32 s21, $0x8;
	[tilespmem:s31+$0xFFFFFFD0] =	vst v58  }
.Ltmp5:
0x5a: {  	[tilespmem:s31+$0xFFFFFFE0] =	vst v59;
	(pc) =	sbr.rel @p0 .LBB1_5-.Ltmp5, $4  }
0x5b: {  	[tilespmem:s31+$0xFFFFFFF0] =	vst v60  }
0x5c: {  	[tilespmem:s31+$0x0] =	vst v61  }
0x5d: {  	[tilespmem:s31+$0x10] =	vst v62  }
0x5e: {  	s20 =	sadd.s32 $0x80, s20;
	s19 =	sadd.s32 $0x400, s19;
	[tilespmem:s31+$0x20] =	vst v63  }
0x5f: {  	s18 =	sadd.s32 $0x1, s18  }
0x60: {  	p0 =	sne.s32 s18, s15  }
.Ltmp6:
0x61: {  	_ = 	snop;
	(pc) =	sbr.rel @p0 .LBB1_4-.Ltmp6, $4  }
.Ltmp7:
0x62: {  	_ = 	snop;
	(pc) =	sbr.rel @!p0 .LBB1_9-.Ltmp7, $4  }
0x63: {  	_ = 	snop  }
0x64: {  	_ = 	snop  }
0x65: {  	s16 =	sadd.s32 $0x2000, s16;
	s17 =	sadd.s32 $0x2000, s17  }
0x66: {  	_ = 	snop  }
.LBB1_11:
0x67: {  	_ =	sfence.sel $0x180000  }
0x68: {  	s2 =	simm.s32 $0x1;
	[bflag:$0x0] =	sbarrier.arrive $0xFFFF  }
0x69: {  	s31 =	simm.s32 $0x2;
	[sflag:s2] =	ssyncpa.u1 $0x1  }
0x6a: {  	[sflag:s31] =	ssyncpa.u1 $0x1  }
0x6b: {  	p0 =	sne.s32 s1, $0x0;
	_ =	strace $0x90000050  }
0x6c: {  	s0 =	sadd.s32 @!p0 $0x100000, s0;
	[bflag:$0x2] =	sbarrier.arrive $0xFFFF  }
0x6d: {  	[sflag:s0] =	ssyncadd.tile.s32 @!p0 $0x1;
	_ =	shalt  }
.Lfunc_end1:
_tile_overlayer_lowered:
.L_overlay_start_2:
0x6e: {  	(tag) =	ssettag $0x2  }
0x6f: {  	s0 =	rddreg [dreg:$0x0];
	s2 =	stileid.u32  }
0x70: {  	s1 =	rddreg [dreg:$0x1];
	p0 =	sne.s32 s2, $0x0  }
0x71: {  	s3 =	rddreg [dreg:$0x2];
	[bflag:$0x3] =	sbarrier.arrive $0xFFFF;
	s2 =	simm.s32 @!p0 $0x1C01  }
0x72: {  	[timem:s3], [sflag:s2] =	dma.local @!p0 [hbm:s0], s1  }
0x73: {  	s0 =	simm.s32 @!p0 $0x1  }
0x74: {  	_ =	swait.ge @!p0 [sflag:s0], s1  }
0x75: {  	s1 =	ssub.s32 @!p0 $0x0, s1;
	[sflag:s0] =	ssyncset.done @!p0 $0x0  }
0x76: {  	[sflag:s0] =	ssyncadd.s32 @!p0 s1  }
0x77: {  	[bflag:$0x3] =	sbarrier.arrive $0xFFFF  }
0x78: {  	_ =	shalt  }

// kernel: sparse-core-data-format-call.3.cloned.1.call-start
scs
called_computation.3_lowered:
.L_overlay_start_0:
0x0: {  	s1 =	sld [smem:$0x3FD9]  }
0x1: {  	s2 =	sld [smem:$0x3FFE];
	_ =	sdelay $0x1  }
0x2: {  	s3 =	srdreg.scid  }
0x3: {  	s0 =	sand.u32 $0x1, s3  }
0x4: {  	s17 =	sshll.u32 s0, $0xA;
	s1 =	sadd.s32 s2, s1  }
0x5: {  	s1 =	sadd.s32 s1, s17  }
0x6: {  	[smem:$0x3FC6] =	sst s1  }
0x7: {  	_ = 	snop  }
0x8: {  	(tm) =	ssettm $0x1  }
0x9: {  	s18 =	sld [smem:$0x3FFB];
	_ =	sdelay $0x3  }
0xa: {  	_ =	strace s18  }
0xb: {  	s1 =	sld [smem:$0x3FFC];
	_ =	sdelay $0x3  }
0xc: {  	_ =	strace s1  }
0xd: {  	s1 =	sld [smem:$0x3FFD];
	_ =	sdelay $0x3  }
0xe: {  	_ =	strace s1  }
0xf: {  	_ =	strace $0x8FFFFFFF  }
0x10: {  	s19 =	sld [smem:$0x3FDB];
	_ =	sdelay $0x1  }
0x11: {  	s20 =	simm.s32 $_scs_section_size  }
0x12: {  	s4 =	simm.s32 $_size__tile_overlayer_lowered;
	s5 =	simm.s32 $_tile_overlayer_lowered  }
0x13: {  	s23 =	simm.s32 $0x1BFF;
	s22 =	sshll.u32 s5, $0x1;
	s1 =	sadd.s32 s20, s19  }
0x14: {  	s6 =	simm.s32 $0x0;
	s21 =	sshll.u32 s4, $0x1;
	s4 =	sadd.s32 s22, s1  }
0x15: {  	[timem:s6], [sflag:s23] =	dma.local [hbm:s4], s21  }
0x16: {  	_ =	swait.ge [sflag:s23], s21  }
0x17: {  	s2 =	ssub.s32 $0x0, s21;
	[sflag:s23] =	ssyncset.done $0x0  }
0x18: {  	[sflag:s23] =	ssyncadd.s32 s2;
	_ =	sdelay $0x1  }
0x19: {  	s24 =	simm.s32 $0x1B8B  }
0x1a: {  	_ =	swait.ge [sflag:s24], $0x1  }
0x1b: {  	[sflag:s24] =	ssyncset.done $0x0  }
0x1c: {  	s26 =	simm.s32 $0x1B8E;
	s25 =	sld [smem:$0x3FFE];
	[sflag:s24] =	ssyncadd.s32 $0xFFFFFFFF  }
0x1d: {  	s27 =	simm.s32 $execute0_lowered;
	[smem:$0x3FD2] =	sst s26  }
0x1e: {  	s4 =	sshll.u32 s27, $0x1;
	_ =	strace $0x8000004C;
	[dreg:$0x1] =	wrdreg $0xFFFFFFFF  }
0x1f: {  	s28 =	simm.s32 $_size_execute0_lowered;
	s1 =	sadd.s32 s1, s4;
	[dreg:$0x0] =	wrdreg $0x0  }
0x20: {  	s4 =	sshll.u32 s28, $0x1;
	[dreg:$0x2] =	wrdreg s1  }
0x21: {  	[dreg:$0x3] =	wrdreg s4  }
0x22: {  	[dreg:$0x4] =	wrdreg $0xC0  }
0x23: {  	_ =	task [dreg:s6], $0x5FFFF  }
0x24: {  	[dreg:$0x1] =	wrdreg $0xFFFFFFFF  }
0x25: {  	[dreg:$0x0] =	wrdreg $0x60  }
0x26: {  	[dreg:$0x2] =	wrdreg s25  }
0x27: {  	[dreg:$0x3] =	wrdreg $0xC  }
0x28: {  	_ =	task.clear_ibuf [dreg:s6], $0x4FFFF;
	_ =	strace $0x9000004C  }
0x29: {  	s29 =	simm.s32 $0xC;
	_ =	strace $0x8000004E  }
0x2a: {  	_ =	swait.ge [sflag:s29], $0x1  }
0x2b: {  	[sflag:s29] =	ssyncadd.s32 $0xFFFFFFFF  }
0x2c: {  	_ =	strace $0x9000004E  }
0x2d: {  	_ =	sfence  }
0x2e: {  	s30 =	sld [smem:$0x0];
	_ =	sdelay $0x2  }
0x2f: {  	s31 =	sshll.u32 s3, $0xD;
	s3 =	sshrl.u32 s3, $0x2  }
0x30: {  	s2 =	sand.u32 $0x4000, s31;
	s1 =	sadd.s32 s3, s30  }
0x31: {  	s0 =	sor.u32 s2, s0;
	s1 =	sshll.u32 s1, $0x11  }
0x32: {  	s0 =	sor.u32 s1, s0  }
0x33: {  	s0 =	sadd.s32 $0x8F2B, s0  }
0x34: {  	[sflag:s0] =	ssyncadd.remote.s32 $0x1  }
0x35: {  	_ =	sfence.sel $0xFFFF  }
0x36: {  	[dreg:$0x0] =	wrdreg $0xFFFFFFFF;
	(pc) =	sbr.abs _section_cstart, $3  }
0x37: {  	[dreg:$0x1] =	wrdreg $0xFFFFFFFF  }
0x38: {  	_ =	task.clear_ibuf [dreg:s6], $0x2FFFF;
	_ =	strace $0x9FFFFFFF  }
0x39: {  	(tm) =	ssettm $0x7FFFFFFF  }
tec
execute0_lowered:
.L_overlay_start_1:
0x0: {  	(tag) =	ssettag $0x1  }
0x1: {  	s0 =	srdreg.scid  }
0x2: {  	s5 =	rddreg [dreg:$0x0];
	s1 =	stileid.u32;
	s4 =	simm.s32 $0x1  }
0x3: {  	s6 =	simm.s32 $0x2;
	s8 =	simm.s32 $0x0;
	s2 =	sshll.u32 s0, $0x4  }
0x4: {  	s9 =	simm.s32 $0x0;
	s13 =	simm.s32 $0x0;
	s2 =	sand.u32 $0x10, s2  }
.Ltmp0:
0x5: {  	s10 =	simm.s32 $0x0;
	s3 =	sor.u32 s1, s2;
	(pc) =	sbr.rel .LBB1_1-.Ltmp0, $4  }
0x6: {  	s0 =	rddreg [dreg:$0x1];
	_ =	strace $0x8000004D;
	s3 =	sshll.u32 s3, $0x1  }
0x7: {  	s12 =	simm.s32 $0x0;
	[sflag:s4] =	ssyncpa.u1 $0x0;
	s7 =	ssub.s32 $0x400, s3  }
0x8: {  	s2 =	sadd.s32 $0x5E00, s5;
	[sflag:s6] =	ssyncpa.u1 $0x0;
	s6 =	sshrl.u32 s7, $0x6  }
0x9: {  	s5 =	sadd.s32 $0x40EC00, s5;
	s11 =	smov.u32 s3;
	s7 =	sadd.s32 $0x2, s6  }
.LBB1_9:
0xa: {  	s15 =	sshll.u32 s12, $0xE  }
0xb: {  	s16 =	sshll.u32 s10, $0xA;
	s15 =	sand.u32 $0x4000, s15  }
0xc: {  	s16 =	sadd.s32 s5, s16;
	s15 =	sor.u32 $0x8000, s15  }
0xd: {  	[hbm4b:s16+s8] =	stream.linear.scatter [tilespmem:s15], [sflag:$0x2], s14, $0x38;
	[tilespmem:$0x10000] =	vst v63  }
.LBB1_10:
0xe: {  	p0 =	slt.u32 s12, $0x2  }
0xf: {  	p1 =	sgt.s32 @!p0 s13, $0x3FF  }
0x10: {  	s14 =	smov.u32 s13;
	s15 =	sshra.s32 @!p0 s13, $0x1F;
	p1 =	por !p1, p0  }
0x11: {  	s13 =	sand.u32 @!p0 s15, s13;
	s14 =	simm.s32 @p1 $0x3FF  }
0x12: {  	s13 =	ssub.s32 @!p0 s14, s13  }
0x13: {  	s13 =	sadd.s32 @!p0 $0xFFFFFC01, s13  }
0x14: {  	s14 =	sshll.u32 @!p0 s13, $0xF  }
0x15: {  	p1 =	sgt.s32 @!p0 s13, $0x1;
	s13 =	ssub.s32 @!p0 $0x10000, s14  }
0x16: {  	s15 =	sadd.s32 $0x40, s11;
	p1 =	por !p1, p0;
	s13 =	sshrl.u32 @!p0 s13, $0x2  }
0x17: {  	s13 =	simm.s32 @!p1 $0x0;
	p1 =	sgt.s32 s15, $0x400  }
0x18: {  	s15 =	smov.u32 @p1 s3;
	p1 =	sne.s32 s12, s7  }
.Ltmp1:
0x19: {  	_ = 	snop;
	(pc) =	sbr.rel @!p1 .LBB1_11-.Ltmp1, $4  }
0x1a: {  	s14 =	simm.s32 @!p0 $0x2  }
0x1b: {  	s9 =	sadd.s32 $0x4000, s9;
	_ =	swait.ge @!p0 [sflag:s14], s13;
	s16 =	ssub.s32 @!p0 $0x0, s13  }
0x1c: {  	s13 =	smov.u32 s10;
	s12 =	sadd.s32 $0x1, s12;
	[sflag:s14] =	ssyncset.done @!p0 $0x0  }
0x1d: {  	s10 =	smov.u32 s11;
	s11 =	smov.u32 s15;
	[sflag:s14] =	ssyncadd.s32 @!p0 s16  }
.LBB1_1:
0x1e: {  	p0 =	sgt.u32 s12, s6  }
0x1f: {  	p1 =	sgt.s32 @!p0 s11, $0x3FF  }
0x20: {  	s14 =	smov.u32 s11;
	s15 =	sshra.s32 @!p0 s11, $0x1F;
	p1 =	por !p1, p0  }
0x21: {  	s15 =	sand.u32 @!p0 s15, s11;
	s14 =	simm.s32 @p1 $0x3FF  }
0x22: {  	s14 =	ssub.s32 @!p0 s14, s15  }
0x23: {  	s14 =	sadd.s32 @!p0 $0xFFFFFC01, s14  }
0x24: {  	s17 =	simm.s32 @!p0 $0x0;
	s15 =	sxor.u32 @!p0 $0xFFFFFFFF, s12;
	s16 =	sshll.u32 @!p0 s14, $0xF  }
0x25: {  	s15 =	sshll.u32 @!p0 s15, $0xE;
	p1 =	sgt.s32 @!p0 s14, $0x1;
	s14 =	ssub.s32 @!p0 $0x10000, s16  }
0x26: {  	p1 =	por !p1, p0;
	s16 =	sshll.u32 @!p0 s11, $0xA;
	s14 =	sshrl.u32 @!p0 s14, $0x2  }
0x27: {  	s15 =	sand.u32 @!p0 $0x4000, s15;
	s16 =	sadd.s32 @!p0 s2, s16;
	s14 =	simm.s32 @!p1 $0x0  }
0x28: {  	[tilespmem:s15], [sflag:$0x1] =	stream.linear.gather @!p0 [hbm4b:s16+s17], s14, $0x38;
	[tilespmem:$0x10000] =	vst v63  }
0x29: {  	p0 =	seq.s32 s12, $0x0  }
0x2a: {  	p1 =	sge.u32 @!p0 s12, s7  }
0x2b: {  	p0 =	por p0, p1  }
.Ltmp2:
0x2c: {  	_ = 	snop;
	(pc) =	sbr.rel @p0 .LBB1_10-.Ltmp2, $1  }
0x2d: {  	_ =	sdelay $0x3  }
0x2e: {  	p0 =	sgt.s32 s10, $0x3FF;
	s14 =	smov.u32 s10;
	s15 =	sshra.s32 s10, $0x1F  }
0x2f: {  	s14 =	simm.s32 @!p0 $0x3FF;
	s15 =	sand.u32 s15, s10  }
0x30: {  	s14 =	ssub.s32 s14, s15  }
0x31: {  	s16 =	sadd.s32 $0x2, s10;
	s14 =	sadd.s32 $0xFFFFFC01, s14  }
0x32: {  	p1 =	slt.s32 s16, $0x401;
	s30 =	sshll.u32 s14, $0xF  }
0x33: {  	s16 =	simm.s32 @!p1 $0x401;
	s15 =	ssub.s32 $0x10000, s30  }
0x34: {  	p0 =	sgt.s32 s14, $0x1;
	s14 =	sshrl.u32 s15, $0x2;
	s15 =	ssub.s32 s16, s10  }
0x35: {  	s14 =	simm.s32 @p0 $0x0;
	p0 =	slt.s32 s15, $0x1  }
.Ltmp3:
0x36: {  	_ = 	snop;
	(pc) =	sbr.rel @p0 .LBB1_9-.Ltmp3, $4  }
0x37: {  	_ = 	snop  }
0x38: {  	_ =	swait.ge [sflag:s4], s14  }
0x39: {  	s31 =	ssub.s32 $0x0, s14;
	[sflag:s4] =	ssyncset.done $0x0  }
0x3a: {  	[sflag:s4] =	ssyncadd.s32 s31  }
0x3b: {  	s17 =	sand.u32 $0x4000, s9  }
0x3c: {  	s18 =	simm.s32 $0x0;
	s16 =	sor.u32 $0x8040, s17;
	s17 =	sor.u32 $0x40, s17  }
.LBB1_4:
0x3d: {  	s19 =	smov.u32 s17;
	s20 =	smov.u32 s16;
	s21 =	simm.s32 $0x0  }
.LBB1_5:
0x3e: {  	v0 =	vmov s19;
	_ =	sdelay $0x3  }
0x3f: {  	s23 =	simm.s32 $0x0  }
0x40: {  	v6 =	vld.idx.msk [tilespmem:v0+s23+$0x30 ss:$0x1], $0xffff  }
0x41: {  	v7 =	vld.idx.msk [tilespmem:v0+s23+$0xFFFFFFC0 ss:$0x1], $0xffff  }
0x42: {  	v5 =	vld.idx.msk [tilespmem:v0+s23+$0xFFFFFFD0 ss:$0x1], $0xffff  }
0x43: {  	v4 =	vld.idx.msk [tilespmem:v0+s23+$0xFFFFFFE0 ss:$0x1], $0xffff  }
0x44: {  	v3 =	vld.idx.msk [tilespmem:v0+s23+$0xFFFFFFF0 ss:$0x1], $0xffff  }
0x45: {  	v1 =	vld.idx.msk [tilespmem:v0+s23+$0x0 ss:$0x1], $0xffff  }
0x46: {  	v2 =	vld.idx.msk [tilespmem:v0+s23+$0x10 ss:$0x1], $0xffff;
	[tilespmem:s20+$0x30] =	vst v6  }
0x47: {  	s22 =	simm.s32 $0x80;
	s24 =	simm.s32 $0x400;
	[tilespmem:s20+$0xFFFFFFC0] =	vst v7;
	v6 =	vld.idx.msk [tilespmem:v0+s23+$0x20 ss:$0x1], $0xffff;
	s23 =	smov.u32 s20  }
.LBB1_6:
0x48: {  	p0 =	sne.s32 s24, $0xE00;
	v7 =	vld.idx.msk [tilespmem:v0+s22+$0x30 ss:$0x1], $0xffff;
	[tilespmem:s23+$0xFFFFFFD0] =	vst v5  }
0x49: {  	v8 =	vld.idx.msk [tilespmem:v0+s22+$0xFFFFFFC0 ss:$0x1], $0xffff;
	[tilespmem:s23+$0xFFFFFFE0] =	vst v4  }
0x4a: {  	v5 =	vld.idx.msk [tilespmem:v0+s22+$0xFFFFFFD0 ss:$0x1], $0xffff;
	[tilespmem:s23+$0xFFFFFFF0] =	vst v3  }
.Ltmp4:
0x4b: {  	v4 =	vld.idx.msk [tilespmem:v0+s22+$0xFFFFFFE0 ss:$0x1], $0xffff;
	[tilespmem:s23+$0x0] =	vst v1;
	(pc) =	sbr.rel @p0 .LBB1_6-.Ltmp4, $4  }
0x4c: {  	v3 =	vld.idx.msk [tilespmem:v0+s22+$0xFFFFFFF0 ss:$0x1], $0xffff;
	[tilespmem:s23+$0x10] =	vst v2  }
0x4d: {  	v1 =	vld.idx.msk [tilespmem:v0+s22+$0x0 ss:$0x1], $0xffff;
	[tilespmem:s23+$0x20] =	vst v6;
	s23 =	sadd.s32 $0x400, s23  }
0x4e: {  	v2 =	vld.idx.msk [tilespmem:v0+s22+$0x10 ss:$0x1], $0xffff;
	[tilespmem:s23+$0x30] =	vst v7  }
0x4f: {  	[tilespmem:s23+$0xFFFFFFC0] =	vst v8;
	v6 =	vld.idx.msk [tilespmem:v0+s22+$0x20 ss:$0x1], $0xffff;
	s22 =	sshra.s32 s24, $0x2;
	s24 =	sadd.s32 $0x200, s24  }
0x50: {  	_ =	sdelay $0x2  }
0x51: {  	[tilespmem:s23+$0xFFFFFFD0] =	vst v5  }
0x52: {  	v56 =	vld.idx.msk [tilespmem:v0+s22+$0x30 ss:$0x1], $0xffff;
	[tilespmem:s23+$0xFFFFFFE0] =	vst v4  }
0x53: {  	v57 =	vld.idx.msk [tilespmem:v0+s22+$0xFFFFFFC0 ss:$0x1], $0xffff;
	[tilespmem:s23+$0xFFFFFFF0] =	vst v3  }
0x54: {  	v58 =	vld.idx.msk [tilespmem:v0+s22+$0xFFFFFFD0 ss:$0x1], $0xffff;
	[tilespmem:s23+$0x0] =	vst v1  }
0x55: {  	v59 =	vld.idx.msk [tilespmem:v0+s22+$0xFFFFFFE0 ss:$0x1], $0xffff;
	[tilespmem:s23+$0x10] =	vst v2  }
0x56: {  	v60 =	vld.idx.msk [tilespmem:v0+s22+$0xFFFFFFF0 ss:$0x1], $0xffff;
	s31 =	sadd.s32 $0x400, s23;
	[tilespmem:s23+$0x20] =	vst v6  }
0x57: {  	v61 =	vld.idx.msk [tilespmem:v0+s22+$0x0 ss:$0x1], $0xffff;
	[tilespmem:s31+$0x30] =	vst v56  }
0x58: {  	v62 =	vld.idx.msk [tilespmem:v0+s22+$0x10 ss:$0x1], $0xffff;
	s21 =	sadd.s32 $0x1, s21;
	[tilespmem:s31+$0xFFFFFFC0] =	vst v57  }
0x59: {  	v63 =	vld.idx.msk [tilespmem:v0+s22+$0x20 ss:$0x1], $0xffff;
	p0 =	sne.s32 s21, $0x8;
	[tilespmem:s31+$0xFFFFFFD0] =	vst v58  }
.Ltmp5:
0x5a: {  	[tilespmem:s31+$0xFFFFFFE0] =	vst v59;
	(pc) =	sbr.rel @p0 .LBB1_5-.Ltmp5, $4  }
0x5b: {  	[tilespmem:s31+$0xFFFFFFF0] =	vst v60  }
0x5c: {  	[tilespmem:s31+$0x0] =	vst v61  }
0x5d: {  	[tilespmem:s31+$0x10] =	vst v62  }
0x5e: {  	s20 =	sadd.s32 $0x80, s20;
	s19 =	sadd.s32 $0x400, s19;
	[tilespmem:s31+$0x20] =	vst v63  }
0x5f: {  	s18 =	sadd.s32 $0x1, s18  }
0x60: {  	p0 =	sne.s32 s18, s15  }
.Ltmp6:
0x61: {  	_ = 	snop;
	(pc) =	sbr.rel @p0 .LBB1_4-.Ltmp6, $4  }
.Ltmp7:
0x62: {  	_ = 	snop;
	(pc) =	sbr.rel @!p0 .LBB1_9-.Ltmp7, $4  }
0x63: {  	_ = 	snop  }
0x64: {  	_ = 	snop  }
0x65: {  	s16 =	sadd.s32 $0x2000, s16;
	s17 =	sadd.s32 $0x2000, s17  }
0x66: {  	_ = 	snop  }
.LBB1_11:
0x67: {  	_ =	sfence.sel $0x180000  }
0x68: {  	s2 =	simm.s32 $0x1;
	[bflag:$0x0] =	sbarrier.arrive $0xFFFF  }
0x69: {  	s31 =	simm.s32 $0x2;
	[sflag:s2] =	ssyncpa.u1 $0x1  }
0x6a: {  	[sflag:s31] =	ssyncpa.u1 $0x1  }
0x6b: {  	p0 =	sne.s32 s1, $0x0;
	_ =	strace $0x9000004D  }
0x6c: {  	s0 =	sadd.s32 @!p0 $0x100000, s0;
	[bflag:$0x2] =	sbarrier.arrive $0xFFFF  }
0x6d: {  	[sflag:s0] =	ssyncadd.tile.s32 @!p0 $0x1;
	_ =	shalt  }
.Lfunc_end1:
_tile_overlayer_lowered:
.L_overlay_start_2:
0x6e: {  	(tag) =	ssettag $0x2  }
0x6f: {  	s0 =	rddreg [dreg:$0x0];
	s2 =	stileid.u32  }
0x70: {  	s1 =	rddreg [dreg:$0x1];
	p0 =	sne.s32 s2, $0x0  }
0x71: {  	s3 =	rddreg [dreg:$0x2];
	[bflag:$0x3] =	sbarrier.arrive $0xFFFF;
	s2 =	simm.s32 @!p0 $0x1C01  }
0x72: {  	[timem:s3], [sflag:s2] =	dma.local @!p0 [hbm:s0], s1  }
0x73: {  	s0 =	simm.s32 @!p0 $0x1  }
0x74: {  	_ =	swait.ge @!p0 [sflag:s0], s1  }
0x75: {  	s1 =	ssub.s32 @!p0 $0x0, s1;
	[sflag:s0] =	ssyncset.done @!p0 $0x0  }
0x76: {  	[sflag:s0] =	ssyncadd.s32 @!p0 s1  }
0x77: {  	[bflag:$0x3] =	sbarrier.arrive $0xFFFF  }
0x78: {  	_ =	shalt  }

// kernel: sparse-core-data-format-call.4.cloned.1.call-start
scs
called_computation.4_lowered:
.L_overlay_start_0:
0x0: {  	s2 =	sld [smem:$0x3FD9]  }
0x1: {  	s3 =	sld [smem:$0x3FFE];
	_ =	sdelay $0x1  }
0x2: {  	s1 =	srdreg.scid  }
0x3: {  	s0 =	sand.u32 $0x1, s1  }
0x4: {  	s18 =	sshll.u32 s0, $0xA;
	s2 =	sadd.s32 s3, s2  }
0x5: {  	s2 =	sadd.s32 s2, s18  }
0x6: {  	[smem:$0x3FC6] =	sst s2  }
0x7: {  	_ = 	snop  }
0x8: {  	(tm) =	ssettm $0x1  }
0x9: {  	s19 =	sld [smem:$0x3FFB];
	_ =	sdelay $0x3  }
0xa: {  	_ =	strace s19  }
0xb: {  	s2 =	sld [smem:$0x3FFC];
	_ =	sdelay $0x3  }
0xc: {  	_ =	strace s2  }
0xd: {  	s2 =	sld [smem:$0x3FFD];
	_ =	sdelay $0x3  }
0xe: {  	_ =	strace s2  }
0xf: {  	_ =	strace $0x8FFFFFFF  }
0x10: {  	s20 =	sld [smem:$0x3FDB];
	_ =	sdelay $0x1  }
0x11: {  	s21 =	simm.s32 $_scs_section_size  }
0x12: {  	s4 =	simm.s32 $_size__tile_overlayer_lowered;
	s5 =	simm.s32 $_tile_overlayer_lowered  }
0x13: {  	s6 =	simm.s32 $0x1BFF;
	s22 =	sshll.u32 s5, $0x1;
	s3 =	sadd.s32 s21, s20  }
0x14: {  	s23 =	simm.s32 $0x0;
	s4 =	sshll.u32 s4, $0x1;
	s5 =	sadd.s32 s22, s3  }
0x15: {  	[timem:s23], [sflag:s6] =	dma.local [hbm:s5], s4  }
0x16: {  	_ =	swait.ge [sflag:s6], s4  }
0x17: {  	s4 =	ssub.s32 $0x0, s4;
	[sflag:s6] =	ssyncset.done $0x0  }
0x18: {  	[sflag:s6] =	ssyncadd.s32 s4;
	_ =	sdelay $0x1  }
0x19: {  	s24 =	simm.s32 $0x1B8B  }
0x1a: {  	_ =	swait.ge [sflag:s24], $0x1  }
0x1b: {  	[sflag:s24] =	ssyncset.done $0x0  }
0x1c: {  	[sflag:s24] =	ssyncadd.s32 $0xFFFFFFFF  }
0x1d: {  	s4 =	sld [smem:$0x0]  }
0x1e: {  	s5 =	sand.u32 $0xFFFFFFFE, s1  }
0x1f: {  	p0 =	sne.s32 s1, s5  }
0x20: {  	s5 =	sshll.u32 @p0 s5, $0xE  }
0x21: {  	s5 =	sadd.s32 @p0 $0x11B8D, s5;
	s6 =	sshll.u32 @p0 s4, $0x11  }
0x22: {  	s5 =	sor.u32 @p0 s6, s5  }
0x23: {  	[sflag:s5] =	ssyncadd.remote.s32 @p0 $0x1;
	_ =	sdelay $0x1  }
0x24: {  	s5 =	simm.s32 @p0 $0x1B8D  }
0x25: {  	_ =	swait.eq @p0 [sflag:s5], $0x1  }
0x26: {  	[sflag:s5] =	ssyncadd.s32 @p0 $0xFFFFFFFF  }
0x27: {  	s6 =	sshll.u32 @!p0 s1, $0xE  }
0x28: {  	s6 =	sor.u32 @!p0 $0x4000, s6;
	s5 =	simm.s32 @!p0 $0x1B8D  }
0x29: {  	s4 =	sshll.u32 @!p0 s4, $0x11;
	s6 =	sadd.s32 @!p0 $0x11B8D, s6;
	_ =	swait.eq @!p0 [sflag:s5], $0x1  }
0x2a: {  	s4 =	sor.u32 @!p0 s4, s6;
	[sflag:s5] =	ssyncadd.s32 @!p0 $0xFFFFFFFF  }
0x2b: {  	s26 =	simm.s32 $0x1B8E;
	s25 =	sld [smem:$0x3FFE];
	[sflag:s4] =	ssyncadd.remote.s32 @!p0 $0x1  }
0x2c: {  	s27 =	simm.s32 $execute0_lowered;
	[smem:$0x3FD2] =	sst s26  }
0x2d: {  	s5 =	sshll.u32 s27, $0x1;
	_ =	strace $0x80000049;
	[dreg:$0x1] =	wrdreg $0xFFFFFFFF  }
0x2e: {  	s28 =	simm.s32 $_size_execute0_lowered;
	s3 =	sadd.s32 s3, s5;
	[dreg:$0x0] =	wrdreg $0x0  }
0x2f: {  	s5 =	sshll.u32 s28, $0x1;
	[dreg:$0x2] =	wrdreg s3  }
0x30: {  	[dreg:$0x3] =	wrdreg s5  }
0x31: {  	[dreg:$0x4] =	wrdreg $0xC0  }
0x32: {  	_ =	task [dreg:s23], $0x5FFFF  }
0x33: {  	[dreg:$0x1] =	wrdreg $0xFFFFFFFF  }
0x34: {  	[dreg:$0x0] =	wrdreg $0x60  }
0x35: {  	[dreg:$0x2] =	wrdreg s25  }
0x36: {  	[dreg:$0x3] =	wrdreg $0x9  }
0x37: {  	_ =	task.clear_ibuf [dreg:s23], $0x4FFFF;
	_ =	strace $0x90000049  }
0x38: {  	s29 =	simm.s32 $0x9;
	_ =	strace $0x8000004B  }
0x39: {  	_ =	swait.ge [sflag:s29], $0x1  }
0x3a: {  	[sflag:s29] =	ssyncadd.s32 $0xFFFFFFFF  }
0x3b: {  	_ =	strace $0x9000004B  }
0x3c: {  	_ =	sfence  }
0x3d: {  	s30 =	sld [smem:$0x0];
	_ =	sdelay $0x2  }
0x3e: {  	s31 =	sshll.u32 s1, $0xD;
	s1 =	sshrl.u32 s1, $0x2  }
0x3f: {  	s4 =	sand.u32 $0x4000, s31;
	s1 =	sadd.s32 s1, s30  }
0x40: {  	s0 =	sor.u32 s4, s0;
	s1 =	sshll.u32 s1, $0x11  }
0x41: {  	s0 =	sor.u32 s1, s0  }
0x42: {  	s0 =	sadd.s32 $0x8F2B, s0  }
0x43: {  	[sflag:s0] =	ssyncadd.remote.s32 $0x1  }
0x44: {  	_ =	sfence.sel $0xFFFF  }
0x45: {  	[dreg:$0x0] =	wrdreg $0xFFFFFFFF;
	(pc) =	sbr.abs _section_cstart, $3  }
0x46: {  	[dreg:$0x1] =	wrdreg $0xFFFFFFFF  }
0x47: {  	_ =	task.clear_ibuf [dreg:s23], $0x2FFFF;
	_ =	strace $0x9FFFFFFF  }
0x48: {  	(tm) =	ssettm $0x7FFFFFFF  }
0x49: {  	_ =	shalt  }
tec
execute0_lowered:
.L_overlay_start_1:
0x0: {  	(tag) =	ssettag $0x1  }
0x1: {  	s4 =	rddreg [dreg:$0x0];
	s1 =	stileid.u32  }
0x2: {  	s2 =	srdreg.scid;
	s0 =	rddreg [dreg:$0x1]  }
0x3: {  	_ =	strace $0x8000004A;
	s5 =	simm.s32 $0x1;
	s8 =	simm.s32 $0x2  }
0x4: {  	s16 =	simm.s32 $0x0;
	p0 =	por $0x0, $0x0;
	s18 =	simm.s32 $0x0  }
0x5: {  	s17 =	simm.s32 $0x0;
	s9 =	simm.s32 $0x0;
	s10 =	simm.s32 $0x0  }
0x6: {  	s11 =	simm.s32 $0x0;
	s3 =	sshll.u32 s1, $0x4;
	s2 =	sshll.u32 s2, $0x8  }
.Ltmp0:
0x7: {  	s14 =	simm.s32 $0x0;
	s3 =	sor.u32 s3, s2;
	(pc) =	sbr.rel .LBB1_1-.Ltmp0, $4  }
0x8: {  	s15 =	simm.s32 $0x0;
	[sflag:s5] =	ssyncpa.u1 $0x0;
	s3 =	sand.u32 $0x180, s3  }
0x9: {  	s7 =	sand.u32 $0x7, s1;
	s2 =	sadd.s32 $0x30A600, s4;
	s6 =	ssub.s32 $0x2000, s3  }
0xa: {  	s4 =	sadd.s32 $0x106200, s4;
	[sflag:s8] =	ssyncpa.u1 $0x0;
	s6 =	sshrl.u32 s6, $0x9  }
0xb: {  	s13 =	smov.u32 s7;
	s12 =	smov.u32 s3;
	s8 =	sadd.s32 $0x2, s6  }
.LBB1_5:
0xc: {  	p1 =	slt.u32 s15, $0x2  }
0xd: {  	p2 =	sgt.s32 @!p1 s18, $0x7  }
0xe: {  	s19 =	smov.u32 s18;
	s20 =	sshra.s32 @!p1 s18, $0x1F;
	p2 =	por !p2, p1  }
0xf: {  	s18 =	sand.u32 @!p1 s20, s18;
	s19 =	simm.s32 @p2 $0x7  }
0x10: {  	p3 =	sgt.s32 @!p1 s16, $0x1F88;
	s18 =	ssub.s32 @!p1 s19, s18  }
0x11: {  	p3 =	por !p3, p1;
	s20 =	smov.u32 s16;
	s19 =	sadd.s32 @!p1 $0xFFFFFFF9, s18  }
0x12: {  	s18 =	ssub.s32 @!p1 $0x8, s18;
	p2 =	sgt.s32 @!p1 s19, $0x0;
	s19 =	sshra.s32 @!p1 s16, $0x1F  }
0x13: {  	s16 =	sand.u32 @!p1 s19, s16;
	s19 =	ssub.s32 @!p1 $0x0, s17;
	p2 =	por !p2, p1  }
0x14: {  	s20 =	simm.s32 @p3 $0x1F88;
	s17 =	smin.u32 @!p1 s17, s19;
	s18 =	simm.s32 @!p2 $0x0  }
0x15: {  	s16 =	ssub.s32 @!p1 s20, s16;
	s20 =	smov.u32 s13;
	p2 =	sgt.s32 @!p1 s17, $0x7F  }
0x16: {  	s19 =	sadd.s32 @!p1 $0xFFFFE078, s16;
	s17 =	ssub.s32 @!p1 $0x80, s17;
	p2 =	por !p2, p1  }
0x17: {  	s16 =	ssub.s32 @!p1 $0x2008, s16;
	p3 =	sgt.s32 @!p1 s19, $0x7F;
	s17 =	simm.s32 @!p2 $0x0  }
0x18: {  	s19 =	sadd.s32 $0x200, s12;
	p2 =	por !p3, p1;
	s17 =	smul.u32 @!p1 s17, s18  }
0x19: {  	s16 =	simm.s32 @!p2 $0x0;
	p2 =	sgt.s32 s19, $0x2000;
	s18 =	sadd.s32 $0x8, s13  }
0x1a: {  	s21 =	smov.u32 s14;
	s20 =	smov.u32 @p2 s18  }
0x1b: {  	s16 =	smul.u32 @!p1 s16, s17;
	p3 =	sgt.s32 s20, $0x7;
	s17 =	sadd.s32 $0x80, s14  }
0x1c: {  	p0 =	por !p0, !p0;
	s22 =	simm.s32 @!p1 $0x2;
	s21 =	smov.u32 @p3 s17  }
0x1d: {  	s19 =	smov.u32 @p2 s3;
	s18 =	smov.u32 s10;
	p2 =	sgt.s32 s21, $0x7F  }
0x1e: {  	s10 =	smov.u32 s13;
	s21 =	simm.s32 @p2 $0x0;
	p2 =	sne.s32 s15, s8  }
.Ltmp1:
0x1f: {  	s20 =	smov.u32 @p3 s7;
	s17 =	smov.u32 s11;
	(pc) =	sbr.rel @!p2 .LBB1_6-.Ltmp1, $4  }
0x20: {  	s11 =	smov.u32 s14;
	s16 =	sand.u32 @!p1 $0x3FFFFFFF, s16;
	s13 =	smov.u32 s20  }
0x21: {  	_ =	swait.ge @!p1 [sflag:s22], s16;
	s23 =	ssub.s32 @!p1 $0x0, s16;
	s16 =	smov.u32 s9  }
0x22: {  	s15 =	sadd.s32 $0x1, s15;
	s9 =	smov.u32 s12;
	[sflag:s22] =	ssyncset.done @!p1 $0x0  }
0x23: {  	s12 =	smov.u32 s19;
	s14 =	smov.u32 s21;
	[sflag:s22] =	ssyncadd.s32 @!p1 s23  }
.LBB1_1:
0x24: {  	p1 =	sgt.u32 s15, s6  }
0x25: {  	s19 =	sshrl.u32 @!p1 s13, $0x3  }
0x26: {  	s20 =	sshll.u32 @!p1 s12, $0x3;
	s19 =	smul.u32 @!p1 $0x10400, s19  }
0x27: {  	s21 =	sshll.u32 @!p1 s13, $0x7;
	s20 =	sand.u32 @!p1 $0xFFFFFC00, s20  }
0x28: {  	s19 =	sadd.s32 @!p1 s19, s20;
	s20 =	sand.u32 @!p1 $0x380, s21  }
0x29: {  	s21 =	sand.u32 @!p1 $0x7F, s12;
	s19 =	sor.u32 @!p1 s20, s19  }
0x2a: {  	s20 =	sor.u32 @!p1 s21, s19  }
0x2b: {  	s21 =	smulhi.u32 @!p1 $0xFC0FC0FD, s20  }
0x2c: {  	s19 =	smulhi.u32 @!p1 $0xFC0FC0FD, s19  }
0x2d: {  	s21 =	sshrl.u32 @!p1 s21, $0xD  }
0x2e: {  	s19 =	sshrl.u32 @!p1 s19, $0xD;
	s21 =	smul.u32 @!p1 $0x2080, s21  }
0x2f: {  	s22 =	sxor.u32 @!p1 $0xFFFFFFFF, s15;
	s23 =	smul.u32 @!p1 $0x2080, s14;
	s19 =	sand.u32 @!p1 $0x7, s19  }
0x30: {  	s22 =	sshll.u32 @!p1 s22, $0xE;
	s19 =	smul.u32 @!p1 $0x410, s19;
	s20 =	ssub.s32 @!p1 s20, s21  }
0x31: {  	s21 =	sand.u32 @!p1 $0x4000, s22;
	s22 =	sadd.s32 @!p1 s2, s23;
	s23 =	sand.u32 @!p1 $0x7, s20  }
0x32: {  	s20 =	sshrl.u32 @!p1 s20, $0x3;
	s19 =	sadd.s32 @!p1 s19, s22;
	s22 =	sshll.u32 @!p1 s23, $0x12  }
0x33: {  	s19 =	sadd.s32 @!p1 s20, s19;
	s20 =	sor.u32 @!p1 $0x80, s22;
	s22 =	simm.s32 @!p1 $0x10400  }
0x34: {  	[tilespmem:s21], [sflag:$0x1] =	stream.strided.gather @!p1 [hbm4b:s19+s20], $0x4000, s22, s20, $0x38;
	[tilespmem:$0x10100] =	vst v63  }
0x35: {  	p1 =	seq.s32 s15, $0x0  }
0x36: {  	p2 =	sge.u32 @!p1 s15, s8  }
0x37: {  	p1 =	por p1, p2  }
.Ltmp2:
0x38: {  	_ = 	snop;
	(pc) =	sbr.rel @p1 .LBB1_5-.Ltmp2, $1  }
0x39: {  	_ =	sdelay $0x3  }
0x3a: {  	s19 =	simm.s32 $0x1  }
0x3b: {  	_ =	swait.ge [sflag:s5], $0x4000;
	s19 =	simm.s32 @!p0 $0x0  }
0x3c: {  	[sflag:s5] =	ssyncset.done $0x0;
	s20 =	sshll.u32 s19, $0xE  }
0x3d: {  	[sflag:s5] =	ssyncadd.s32 $0xFFFFC000;
	s20 =	sor.u32 $0x40, s20  }
0x3e: {  	s19 =	smul.u32 $0x10200, s19;
	v0 =	vld [tilespmem:s20+$0x30]  }
0x3f: {  	v1 =	vld [tilespmem:s20+$0xFFFFFFD0]  }
0x40: {  	s19 =	sshrl.u32 s19, $0x2;
	v5 =	vld [tilespmem:s20+$0xFFFFFFE0]  }
0x41: {  	v6 =	vld [tilespmem:s20+$0xFFFFFFF0];
	s22 =	sor.u32 $0x8000, s19  }
0x42: {  	s31 =	sand.u32 $0x1, s15;
	v4 =	vld [tilespmem:s20+$0x0];
	s21 =	sadd.s32 $0x0, s22  }
0x43: {  	v3 =	vld [tilespmem:s20+$0x10];
	s19 =	smul.u32 $0x10200, s31;
	[tilespmem:s21+$0x3870 ss:$0x81] =	vst.msk $0xffff, v0  }
0x44: {  	v2 =	vld [tilespmem:s20+$0x20];
	[tilespmem:s21+$0x810 ss:$0x81] =	vst.msk $0xffff, v1  }
0x45: {  	s19 =	sshrl.u32 s19, $0x2;
	v0 =	vld [tilespmem:s20+$0xFFFFFFC0];
	[tilespmem:s21+$0x1020 ss:$0x81] =	vst.msk $0xffff, v5;
	s20 =	sadd.s32 $0x80, s20  }
0x46: {  	s23 =	simm.s32 $0x4;
	s24 =	simm.s32 $0x8;
	s19 =	sor.u32 $0x8000, s19;
	[tilespmem:s21+$0x1830 ss:$0x81] =	vst.msk $0xffff, v6;
	v1 =	vld [tilespmem:s20+$0x30]  }
.LBB1_3:
0x47: {  	p1 =	sne.s32 s24, $0x1FC;
	v5 =	vld [tilespmem:s20+$0xFFFFFFD0];
	[tilespmem:s21+$0x2040 ss:$0x81] =	vst.msk $0xffff, v4  }
0x48: {  	v6 =	vld [tilespmem:s20+$0xFFFFFFE0];
	[tilespmem:s21+$0x2850 ss:$0x81] =	vst.msk $0xffff, v3  }
0x49: {  	s25 =	sshra.s32 s23, $0x2;
	s23 =	smov.u32 s24;
	v7 =	vld [tilespmem:s20+$0xFFFFFFF0];
	[tilespmem:s21+$0x3060 ss:$0x81] =	vst.msk $0xffff, v2  }
.Ltmp3:
0x4a: {  	v4 =	vld [tilespmem:s20+$0x0];
	[tilespmem:s21+$0x0 ss:$0x81] =	vst.msk $0xffff, v0;
	s21 =	sadd.s32 s25, s22;
	(pc) =	sbr.rel @p1 .LBB1_3-.Ltmp3, $4  }
0x4b: {  	v3 =	vld [tilespmem:s20+$0x10];
	[tilespmem:s21+$0x3870 ss:$0x81] =	vst.msk $0xffff, v1  }
0x4c: {  	[tilespmem:s21+$0x810 ss:$0x81] =	vst.msk $0xffff, v5;
	v2 =	vld [tilespmem:s20+$0x20]  }
0x4d: {  	v0 =	vld [tilespmem:s20+$0xFFFFFFC0];
	[tilespmem:s21+$0x1020 ss:$0x81] =	vst.msk $0xffff, v6;
	s20 =	sadd.s32 $0x80, s20  }
0x4e: {  	s24 =	sadd.s32 $0x4, s24;
	v1 =	vld [tilespmem:s20+$0x30];
	[tilespmem:s21+$0x1830 ss:$0x81] =	vst.msk $0xffff, v7  }
0x4f: {  	s24 =	sshll.u32 s9, $0x7  }
0x50: {  	s25 =	sshll.u32 s11, $0x3;
	p1 =	sgt.s32 s10, $0x7;
	s29 =	sshra.s32 s10, $0x1F  }
0x51: {  	s23 =	sshra.s32 s23, $0x2;
	s26 =	sand.u32 $0xFFFFFC00, s24;
	s25 =	sand.u32 $0xFFFFFC00, s25  }
0x52: {  	s28 =	ssub.s32 $0x0, s11;
	s24 =	sand.u32 $0x380, s24;
	s25 =	sadd.s32 s25, s26  }
0x53: {  	[tilespmem:s21+$0x2040 ss:$0x81] =	vst.msk $0xffff, v4;
	s22 =	sadd.s32 s23, s22;
	s24 =	sor.u32 s24, s25;
	s25 =	smov.u32 s10  }
0x54: {  	[tilespmem:s21+$0x2850 ss:$0x81] =	vst.msk $0xffff, v3;
	s26 =	sand.u32 s29, s10;
	s24 =	sshrl.u32 s24, $0x7;
	s25 =	simm.s32 @!p1 $0x7  }
0x55: {  	v5 =	vld [tilespmem:s20+$0xFFFFFFD0];
	[tilespmem:s21+$0x3060 ss:$0x81] =	vst.msk $0xffff, v2;
	s29 =	sshra.s32 s9, $0x1F;
	s27 =	smulhi.u32 $0xFFC01, s24;
	s25 =	ssub.s32 s25, s26  }
0x56: {  	v58 =	vld [tilespmem:s20+$0xFFFFFFE0];
	[tilespmem:s21+$0x0 ss:$0x81] =	vst.msk $0xffff, v0;
	s21 =	sand.u32 s29, s9;
	s30 =	sadd.s32 $0xFFFFFFF9, s25;
	s23 =	ssub.s32 $0x8, s25  }
0x57: {  	v59 =	vld [tilespmem:s20+$0xFFFFFFF0];
	s25 =	smov.u32 s9;
	s31 =	sshrl.u32 s27, $0x1;
	p1 =	sgt.s32 s30, $0x0  }
0x58: {  	v60 =	vld [tilespmem:s20+$0x0];
	s27 =	smin.u32 s11, s28;
	s23 =	simm.s32 @p1 $0x0;
	p1 =	sgt.s32 s9, $0x1F88  }
0x59: {  	v61 =	vld [tilespmem:s20+$0x10];
	[tilespmem:s22+$0x3870 ss:$0x81] =	vst.msk $0xffff, v1;
	s25 =	simm.s32 @!p1 $0x1F88;
	p1 =	sgt.s32 s27, $0x7F;
	s27 =	ssub.s32 $0x80, s27  }
0x5a: {  	v62 =	vld [tilespmem:s20+$0x20];
	[tilespmem:s22+$0x810 ss:$0x81] =	vst.msk $0xffff, v5;
	s30 =	smul.u32 $0x2008, s31;
	s21 =	ssub.s32 s25, s21;
	s27 =	simm.s32 @p1 $0x0  }
0x5b: {  	v63 =	vld [tilespmem:s20+$0xFFFFFFC0];
	[tilespmem:s22+$0x1020 ss:$0x81] =	vst.msk $0xffff, v58;
	s28 =	sshrl.u32 s11, $0x3;
	s31 =	smul.u32 s27, s23;
	s26 =	sadd.s32 $0xFFFFE078, s21  }
0x5c: {  	[tilespmem:s22+$0x1830 ss:$0x81] =	vst.msk $0xffff, v59;
	s21 =	ssub.s32 $0x2008, s21;
	s27 =	smul.u32 $0x20080, s10;
	p1 =	sgt.s32 s26, $0x7F  }
.Ltmp4:
0x5d: {  	[tilespmem:s22+$0x2040 ss:$0x81] =	vst.msk $0xffff, v60;
	s29 =	sand.u32 $0xF, s28;
	s21 =	simm.s32 @p1 $0x0;
	(pc) =	sbr.rel .LBB1_5-.Ltmp4, $4  }
0x5e: {  	[tilespmem:s22+$0x2850 ss:$0x81] =	vst.msk $0xffff, v61;
	s24 =	ssub.s32 s24, s30;
	s23 =	sadd.s32 s4, s27;
	s20 =	smul.u32 s21, s31  }
0x5f: {  	[tilespmem:s22+$0x3060 ss:$0x81] =	vst.msk $0xffff, v62;
	s30 =	sshll.u32 s24, $0x4;
	s21 =	sadd.s32 s29, s23  }
0x60: {  	[tilespmem:s22+$0x0 ss:$0x81] =	vst.msk $0xffff, v63;
	s31 =	sand.u32 $0x7, s11;
	s21 =	sadd.s32 s30, s21;
	s20 =	sand.u32 $0x3FFFFFFF, s20  }
0x61: {  	[hbm4b:s21+s31] =	stream.linear.scatter [tilespmem:s19], [sflag:$0x2], s20, $0x20;
	[tilespmem:$0x10100] =	vst v63  }
.LBB1_6:
0x62: {  	_ =	sfence.sel $0x180000  }
0x63: {  	s2 =	simm.s32 $0x1;
	[bflag:$0x0] =	sbarrier.arrive $0xFFFF  }
0x64: {  	s31 =	simm.s32 $0x2;
	[sflag:s2] =	ssyncpa.u1 $0x1  }
0x65: {  	[sflag:s31] =	ssyncpa.u1 $0x1  }
0x66: {  	p0 =	sne.s32 s1, $0x0;
	_ =	strace $0x9000004A  }
0x67: {  	s0 =	sadd.s32 @!p0 $0x100000, s0;
	[bflag:$0x2] =	sbarrier.arrive $0xFFFF  }
0x68: {  	[sflag:s0] =	ssyncadd.tile.s32 @!p0 $0x1;
	_ =	shalt  }
.Lfunc_end1:
_tile_overlayer_lowered:
.L_overlay_start_2:
0x69: {  	(tag) =	ssettag $0x2  }
0x6a: {  	s0 =	rddreg [dreg:$0x0];
	s2 =	stileid.u32  }
0x6b: {  	s1 =	rddreg [dreg:$0x1];
	p0 =	sne.s32 s2, $0x0  }
0x6c: {  	s3 =	rddreg [dreg:$0x2];
	[bflag:$0x3] =	sbarrier.arrive $0xFFFF;
	s2 =	simm.s32 @!p0 $0x1C01  }
0x6d: {  	[timem:s3], [sflag:s2] =	dma.local @!p0 [hbm:s0], s1  }
0x6e: {  	s0 =	simm.s32 @!p0 $0x1  }
0x6f: {  	_ =	swait.ge @!p0 [sflag:s0], s1  }
0x70: {  	s1 =	ssub.s32 @!p0 $0x0, s1;
	[sflag:s0] =	ssyncset.done @!p0 $0x0  }
0x71: {  	[sflag:s0] =	ssyncadd.s32 @!p0 s1  }
0x72: {  	[bflag:$0x3] =	sbarrier.arrive $0xFFFF  }
0x73: {  	_ =	shalt  }

// kernel: sparse-core-data-format-call.5.cloned.1.call-start
scs
called_computation.5_lowered:
.L_overlay_start_0:
0x0: {  	s1 =	sld [smem:$0x3FD9]  }
0x1: {  	s2 =	sld [smem:$0x3FFE];
	_ =	sdelay $0x1  }
0x2: {  	s3 =	srdreg.scid  }
0x3: {  	s0 =	sand.u32 $0x1, s3  }
0x4: {  	s17 =	sshll.u32 s0, $0xA;
	s1 =	sadd.s32 s2, s1  }
0x5: {  	s1 =	sadd.s32 s1, s17  }
0x6: {  	[smem:$0x3FC6] =	sst s1  }
0x7: {  	_ = 	snop  }
0x8: {  	(tm) =	ssettm $0x1  }
0x9: {  	s18 =	sld [smem:$0x3FFB];
	_ =	sdelay $0x3  }
0xa: {  	_ =	strace s18  }
0xb: {  	s1 =	sld [smem:$0x3FFC];
	_ =	sdelay $0x3  }
0xc: {  	_ =	strace s1  }
0xd: {  	s1 =	sld [smem:$0x3FFD];
	_ =	sdelay $0x3  }
0xe: {  	_ =	strace s1  }
0xf: {  	_ =	strace $0x8FFFFFFF  }
0x10: {  	s19 =	sld [smem:$0x3FDB];
	_ =	sdelay $0x1  }
0x11: {  	s20 =	simm.s32 $_scs_section_size  }
0x12: {  	s4 =	simm.s32 $_size__tile_overlayer_lowered;
	s5 =	simm.s32 $_tile_overlayer_lowered  }
0x13: {  	s23 =	simm.s32 $0x1BFF;
	s22 =	sshll.u32 s5, $0x1;
	s1 =	sadd.s32 s20, s19  }
0x14: {  	s6 =	simm.s32 $0x0;
	s21 =	sshll.u32 s4, $0x1;
	s4 =	sadd.s32 s22, s1  }
0x15: {  	[timem:s6], [sflag:s23] =	dma.local [hbm:s4], s21  }
0x16: {  	_ =	swait.ge [sflag:s23], s21  }
0x17: {  	s2 =	ssub.s32 $0x0, s21;
	[sflag:s23] =	ssyncset.done $0x0  }
0x18: {  	[sflag:s23] =	ssyncadd.s32 s2;
	_ =	sdelay $0x1  }
0x19: {  	s24 =	simm.s32 $0x1B8B  }
0x1a: {  	_ =	swait.ge [sflag:s24], $0x1  }
0x1b: {  	[sflag:s24] =	ssyncset.done $0x0  }
0x1c: {  	s26 =	simm.s32 $0x1B8E;
	s25 =	sld [smem:$0x3FFE];
	[sflag:s24] =	ssyncadd.s32 $0xFFFFFFFF  }
0x1d: {  	s27 =	simm.s32 $execute0_lowered;
	[smem:$0x3FD2] =	sst s26  }
0x1e: {  	s4 =	sshll.u32 s27, $0x1;
	_ =	strace $0x80000046;
	[dreg:$0x1] =	wrdreg $0xFFFFFFFF  }
0x1f: {  	s28 =	simm.s32 $_size_execute0_lowered;
	s1 =	sadd.s32 s1, s4;
	[dreg:$0x0] =	wrdreg $0x0  }
0x20: {  	s4 =	sshll.u32 s28, $0x1;
	[dreg:$0x2] =	wrdreg s1  }
0x21: {  	[dreg:$0x3] =	wrdreg s4  }
0x22: {  	[dreg:$0x4] =	wrdreg $0xC0  }
0x23: {  	_ =	task [dreg:s6], $0x5FFFF  }
0x24: {  	[dreg:$0x1] =	wrdreg $0xFFFFFFFF  }
0x25: {  	[dreg:$0x0] =	wrdreg $0x60  }
0x26: {  	[dreg:$0x2] =	wrdreg s25  }
0x27: {  	[dreg:$0x3] =	wrdreg $0xA  }
0x28: {  	_ =	task.clear_ibuf [dreg:s6], $0x4FFFF;
	_ =	strace $0x90000046  }
0x29: {  	s29 =	simm.s32 $0xA;
	_ =	strace $0x80000048  }
0x2a: {  	_ =	swait.ge [sflag:s29], $0x1  }
0x2b: {  	[sflag:s29] =	ssyncadd.s32 $0xFFFFFFFF  }
0x2c: {  	_ =	strace $0x90000048  }
0x2d: {  	_ =	sfence  }
0x2e: {  	s30 =	sld [smem:$0x0];
	_ =	sdelay $0x2  }
0x2f: {  	s31 =	sshll.u32 s3, $0xD;
	s3 =	sshrl.u32 s3, $0x2  }
0x30: {  	s2 =	sand.u32 $0x4000, s31;
	s1 =	sadd.s32 s3, s30  }
0x31: {  	s0 =	sor.u32 s2, s0;
	s1 =	sshll.u32 s1, $0x11  }
0x32: {  	s0 =	sor.u32 s1, s0  }
0x33: {  	s0 =	sadd.s32 $0x8F2B, s0  }
0x34: {  	[sflag:s0] =	ssyncadd.remote.s32 $0x1  }
0x35: {  	_ =	sfence.sel $0xFFFF  }
0x36: {  	[dreg:$0x0] =	wrdreg $0xFFFFFFFF;
	(pc) =	sbr.abs _section_cstart, $3  }
0x37: {  	[dreg:$0x1] =	wrdreg $0xFFFFFFFF  }
0x38: {  	_ =	task.clear_ibuf [dreg:s6], $0x2FFFF;
	_ =	strace $0x9FFFFFFF  }
0x39: {  	(tm) =	ssettm $0x7FFFFFFF  }
tec
execute0_lowered:
.L_overlay_start_1:
0x0: {  	(tag) =	ssettag $0x1  }
0x1: {  	s4 =	rddreg [dreg:$0x0];
	s1 =	stileid.u32  }
0x2: {  	s2 =	srdreg.scid;
	s0 =	rddreg [dreg:$0x1]  }
0x3: {  	_ =	strace $0x80000047;
	s5 =	simm.s32 $0x1;
	s8 =	simm.s32 $0x2  }
0x4: {  	s16 =	simm.s32 $0x0;
	p0 =	por $0x0, $0x0;
	s18 =	simm.s32 $0x0  }
0x5: {  	s17 =	simm.s32 $0x0;
	s9 =	simm.s32 $0x0;
	s10 =	simm.s32 $0x0  }
0x6: {  	s11 =	simm.s32 $0x0;
	s3 =	sshll.u32 s1, $0x4;
	s2 =	sshll.u32 s2, $0x8  }
.Ltmp0:
0x7: {  	s14 =	simm.s32 $0x0;
	s3 =	sor.u32 s3, s2;
	(pc) =	sbr.rel .LBB1_1-.Ltmp0, $4  }
0x8: {  	s15 =	simm.s32 $0x0;
	[sflag:s5] =	ssyncpa.u1 $0x0;
	s3 =	sand.u32 $0x180, s3  }
0x9: {  	s7 =	sand.u32 $0x7, s1;
	s2 =	sadd.s32 $0x206600, s4;
	s6 =	ssub.s32 $0x2000, s3  }
0xa: {  	s4 =	sadd.s32 $0x5E00, s4;
	[sflag:s8] =	ssyncpa.u1 $0x0;
	s6 =	sshrl.u32 s6, $0x9  }
0xb: {  	s13 =	smov.u32 s7;
	s12 =	smov.u32 s3;
	s8 =	sadd.s32 $0x2, s6  }
.LBB1_5:
0xc: {  	p1 =	slt.u32 s15, $0x2  }
0xd: {  	p2 =	sgt.s32 @!p1 s18, $0x7  }
0xe: {  	s19 =	smov.u32 s18;
	s20 =	sshra.s32 @!p1 s18, $0x1F;
	p2 =	por !p2, p1  }
0xf: {  	s18 =	sand.u32 @!p1 s20, s18;
	s19 =	simm.s32 @p2 $0x7  }
0x10: {  	p3 =	sgt.s32 @!p1 s16, $0x1F88;
	s18 =	ssub.s32 @!p1 s19, s18  }
0x11: {  	p3 =	por !p3, p1;
	s20 =	smov.u32 s16;
	s19 =	sadd.s32 @!p1 $0xFFFFFFF9, s18  }
0x12: {  	s18 =	ssub.s32 @!p1 $0x8, s18;
	p2 =	sgt.s32 @!p1 s19, $0x0;
	s19 =	sshra.s32 @!p1 s16, $0x1F  }
0x13: {  	s16 =	sand.u32 @!p1 s19, s16;
	s19 =	ssub.s32 @!p1 $0x0, s17;
	p2 =	por !p2, p1  }
0x14: {  	s20 =	simm.s32 @p3 $0x1F88;
	s17 =	smin.u32 @!p1 s17, s19;
	s18 =	simm.s32 @!p2 $0x0  }
0x15: {  	s16 =	ssub.s32 @!p1 s20, s16;
	s20 =	smov.u32 s13;
	p2 =	sgt.s32 @!p1 s17, $0x7F  }
0x16: {  	s19 =	sadd.s32 @!p1 $0xFFFFE078, s16;
	s17 =	ssub.s32 @!p1 $0x80, s17;
	p2 =	por !p2, p1  }
0x17: {  	s16 =	ssub.s32 @!p1 $0x2008, s16;
	p3 =	sgt.s32 @!p1 s19, $0x7F;
	s17 =	simm.s32 @!p2 $0x0  }
0x18: {  	s19 =	sadd.s32 $0x200, s12;
	p2 =	por !p3, p1;
	s17 =	smul.u32 @!p1 s17, s18  }
0x19: {  	s16 =	simm.s32 @!p2 $0x0;
	p2 =	sgt.s32 s19, $0x2000;
	s18 =	sadd.s32 $0x8, s13  }
0x1a: {  	s21 =	smov.u32 s14;
	s20 =	smov.u32 @p2 s18  }
0x1b: {  	s16 =	smul.u32 @!p1 s16, s17;
	p3 =	sgt.s32 s20, $0x7;
	s17 =	sadd.s32 $0x80, s14  }
0x1c: {  	p0 =	por !p0, !p0;
	s22 =	simm.s32 @!p1 $0x2;
	s21 =	smov.u32 @p3 s17  }
0x1d: {  	s19 =	smov.u32 @p2 s3;
	s18 =	smov.u32 s10;
	p2 =	sgt.s32 s21, $0x7F  }
0x1e: {  	s10 =	smov.u32 s13;
	s21 =	simm.s32 @p2 $0x0;
	p2 =	sne.s32 s15, s8  }
.Ltmp1:
0x1f: {  	s20 =	smov.u32 @p3 s7;
	s17 =	smov.u32 s11;
	(pc) =	sbr.rel @!p2 .LBB1_6-.Ltmp1, $4  }
0x20: {  	s11 =	smov.u32 s14;
	s16 =	sand.u32 @!p1 $0x3FFFFFFF, s16;
	s13 =	smov.u32 s20  }
0x21: {  	_ =	swait.ge @!p1 [sflag:s22], s16;
	s23 =	ssub.s32 @!p1 $0x0, s16;
	s16 =	smov.u32 s9  }
0x22: {  	s15 =	sadd.s32 $0x1, s15;
	s9 =	smov.u32 s12;
	[sflag:s22] =	ssyncset.done @!p1 $0x0  }
0x23: {  	s12 =	smov.u32 s19;
	s14 =	smov.u32 s21;
	[sflag:s22] =	ssyncadd.s32 @!p1 s23  }
.LBB1_1:
0x24: {  	p1 =	sgt.u32 s15, s6  }
0x25: {  	s19 =	sshrl.u32 @!p1 s13, $0x3  }
0x26: {  	s20 =	sshll.u32 @!p1 s12, $0x3;
	s19 =	smul.u32 @!p1 $0x10400, s19  }
0x27: {  	s21 =	sshll.u32 @!p1 s13, $0x7;
	s20 =	sand.u32 @!p1 $0xFFFFFC00, s20  }
0x28: {  	s19 =	sadd.s32 @!p1 s19, s20;
	s20 =	sand.u32 @!p1 $0x380, s21  }
0x29: {  	s21 =	sand.u32 @!p1 $0x7F, s12;
	s19 =	sor.u32 @!p1 s20, s19  }
0x2a: {  	s20 =	sor.u32 @!p1 s21, s19  }
0x2b: {  	s21 =	smulhi.u32 @!p1 $0xFC0FC0FD, s20  }
0x2c: {  	s19 =	smulhi.u32 @!p1 $0xFC0FC0FD, s19  }
0x2d: {  	s21 =	sshrl.u32 @!p1 s21, $0xD  }
0x2e: {  	s19 =	sshrl.u32 @!p1 s19, $0xD;
	s21 =	smul.u32 @!p1 $0x2080, s21  }
0x2f: {  	s22 =	sxor.u32 @!p1 $0xFFFFFFFF, s15;
	s23 =	smul.u32 @!p1 $0x2080, s14;
	s19 =	sand.u32 @!p1 $0x7, s19  }
0x30: {  	s22 =	sshll.u32 @!p1 s22, $0xE;
	s19 =	smul.u32 @!p1 $0x410, s19;
	s20 =	ssub.s32 @!p1 s20, s21  }
0x31: {  	s21 =	sand.u32 @!p1 $0x4000, s22;
	s22 =	sadd.s32 @!p1 s2, s23;
	s23 =	sand.u32 @!p1 $0x7, s20  }
0x32: {  	s20 =	sshrl.u32 @!p1 s20, $0x3;
	s19 =	sadd.s32 @!p1 s19, s22;
	s22 =	sshll.u32 @!p1 s23, $0x12  }
0x33: {  	s19 =	sadd.s32 @!p1 s20, s19;
	s20 =	sor.u32 @!p1 $0x80, s22;
	s22 =	simm.s32 @!p1 $0x10400  }
0x34: {  	[tilespmem:s21], [sflag:$0x1] =	stream.strided.gather @!p1 [hbm4b:s19+s20], $0x4000, s22, s20, $0x38;
	[tilespmem:$0x10100] =	vst v63  }
0x35: {  	p1 =	seq.s32 s15, $0x0  }
0x36: {  	p2 =	sge.u32 @!p1 s15, s8  }
0x37: {  	p1 =	por p1, p2  }
.Ltmp2:
0x38: {  	_ = 	snop;
	(pc) =	sbr.rel @p1 .LBB1_5-.Ltmp2, $1  }
0x39: {  	_ =	sdelay $0x3  }
0x3a: {  	s19 =	simm.s32 $0x1  }
0x3b: {  	_ =	swait.ge [sflag:s5], $0x4000;
	s19 =	simm.s32 @!p0 $0x0  }
0x3c: {  	[sflag:s5] =	ssyncset.done $0x0;
	s20 =	sshll.u32 s19, $0xE  }
0x3d: {  	[sflag:s5] =	ssyncadd.s32 $0xFFFFC000;
	s20 =	sor.u32 $0x40, s20  }
0x3e: {  	s19 =	smul.u32 $0x10200, s19;
	v0 =	vld [tilespmem:s20+$0x30]  }
0x3f: {  	v1 =	vld [tilespmem:s20+$0xFFFFFFD0]  }
0x40: {  	s19 =	sshrl.u32 s19, $0x2;
	v5 =	vld [tilespmem:s20+$0xFFFFFFE0]  }
0x41: {  	v6 =	vld [tilespmem:s20+$0xFFFFFFF0];
	s22 =	sor.u32 $0x8000, s19  }
0x42: {  	s31 =	sand.u32 $0x1, s15;
	v4 =	vld [tilespmem:s20+$0x0];
	s21 =	sadd.s32 $0x0, s22  }
0x43: {  	v3 =	vld [tilespmem:s20+$0x10];
	s19 =	smul.u32 $0x10200, s31;
	[tilespmem:s21+$0x3870 ss:$0x81] =	vst.msk $0xffff, v0  }
0x44: {  	v2 =	vld [tilespmem:s20+$0x20];
	[tilespmem:s21+$0x810 ss:$0x81] =	vst.msk $0xffff, v1  }
0x45: {  	s19 =	sshrl.u32 s19, $0x2;
	v0 =	vld [tilespmem:s20+$0xFFFFFFC0];
	[tilespmem:s21+$0x1020 ss:$0x81] =	vst.msk $0xffff, v5;
	s20 =	sadd.s32 $0x80, s20  }
0x46: {  	s23 =	simm.s32 $0x4;
	s24 =	simm.s32 $0x8;
	s19 =	sor.u32 $0x8000, s19;
	[tilespmem:s21+$0x1830 ss:$0x81] =	vst.msk $0xffff, v6;
	v1 =	vld [tilespmem:s20+$0x30]  }
.LBB1_3:
0x47: {  	p1 =	sne.s32 s24, $0x1FC;
	v5 =	vld [tilespmem:s20+$0xFFFFFFD0];
	[tilespmem:s21+$0x2040 ss:$0x81] =	vst.msk $0xffff, v4  }
0x48: {  	v6 =	vld [tilespmem:s20+$0xFFFFFFE0];
	[tilespmem:s21+$0x2850 ss:$0x81] =	vst.msk $0xffff, v3  }
0x49: {  	s25 =	sshra.s32 s23, $0x2;
	s23 =	smov.u32 s24;
	v7 =	vld [tilespmem:s20+$0xFFFFFFF0];
	[tilespmem:s21+$0x3060 ss:$0x81] =	vst.msk $0xffff, v2  }
.Ltmp3:
0x4a: {  	v4 =	vld [tilespmem:s20+$0x0];
	[tilespmem:s21+$0x0 ss:$0x81] =	vst.msk $0xffff, v0;
	s21 =	sadd.s32 s25, s22;
	(pc) =	sbr.rel @p1 .LBB1_3-.Ltmp3, $4  }
0x4b: {  	v3 =	vld [tilespmem:s20+$0x10];
	[tilespmem:s21+$0x3870 ss:$0x81] =	vst.msk $0xffff, v1  }
0x4c: {  	[tilespmem:s21+$0x810 ss:$0x81] =	vst.msk $0xffff, v5;
	v2 =	vld [tilespmem:s20+$0x20]  }
0x4d: {  	v0 =	vld [tilespmem:s20+$0xFFFFFFC0];
	[tilespmem:s21+$0x1020 ss:$0x81] =	vst.msk $0xffff, v6;
	s20 =	sadd.s32 $0x80, s20  }
0x4e: {  	s24 =	sadd.s32 $0x4, s24;
	v1 =	vld [tilespmem:s20+$0x30];
	[tilespmem:s21+$0x1830 ss:$0x81] =	vst.msk $0xffff, v7  }
0x4f: {  	s24 =	sshll.u32 s9, $0x7  }
0x50: {  	s25 =	sshll.u32 s11, $0x3;
	p1 =	sgt.s32 s10, $0x7;
	s29 =	sshra.s32 s10, $0x1F  }
0x51: {  	s23 =	sshra.s32 s23, $0x2;
	s26 =	sand.u32 $0xFFFFFC00, s24;
	s25 =	sand.u32 $0xFFFFFC00, s25  }
0x52: {  	s28 =	ssub.s32 $0x0, s11;
	s24 =	sand.u32 $0x380, s24;
	s25 =	sadd.s32 s25, s26  }
0x53: {  	[tilespmem:s21+$0x2040 ss:$0x81] =	vst.msk $0xffff, v4;
	s22 =	sadd.s32 s23, s22;
	s24 =	sor.u32 s24, s25;
	s25 =	smov.u32 s10  }
0x54: {  	[tilespmem:s21+$0x2850 ss:$0x81] =	vst.msk $0xffff, v3;
	s26 =	sand.u32 s29, s10;
	s24 =	sshrl.u32 s24, $0x7;
	s25 =	simm.s32 @!p1 $0x7  }
0x55: {  	v5 =	vld [tilespmem:s20+$0xFFFFFFD0];
	[tilespmem:s21+$0x3060 ss:$0x81] =	vst.msk $0xffff, v2;
	s29 =	sshra.s32 s9, $0x1F;
	s27 =	smulhi.u32 $0xFFC01, s24;
	s25 =	ssub.s32 s25, s26  }
0x56: {  	v58 =	vld [tilespmem:s20+$0xFFFFFFE0];
	[tilespmem:s21+$0x0 ss:$0x81] =	vst.msk $0xffff, v0;
	s21 =	sand.u32 s29, s9;
	s30 =	sadd.s32 $0xFFFFFFF9, s25;
	s23 =	ssub.s32 $0x8, s25  }
0x57: {  	v59 =	vld [tilespmem:s20+$0xFFFFFFF0];
	s25 =	smov.u32 s9;
	s31 =	sshrl.u32 s27, $0x1;
	p1 =	sgt.s32 s30, $0x0  }
0x58: {  	v60 =	vld [tilespmem:s20+$0x0];
	s27 =	smin.u32 s11, s28;
	s23 =	simm.s32 @p1 $0x0;
	p1 =	sgt.s32 s9, $0x1F88  }
0x59: {  	v61 =	vld [tilespmem:s20+$0x10];
	[tilespmem:s22+$0x3870 ss:$0x81] =	vst.msk $0xffff, v1;
	s25 =	simm.s32 @!p1 $0x1F88;
	p1 =	sgt.s32 s27, $0x7F;
	s27 =	ssub.s32 $0x80, s27  }
0x5a: {  	v62 =	vld [tilespmem:s20+$0x20];
	[tilespmem:s22+$0x810 ss:$0x81] =	vst.msk $0xffff, v5;
	s30 =	smul.u32 $0x2008, s31;
	s21 =	ssub.s32 s25, s21;
	s27 =	simm.s32 @p1 $0x0  }
0x5b: {  	v63 =	vld [tilespmem:s20+$0xFFFFFFC0];
	[tilespmem:s22+$0x1020 ss:$0x81] =	vst.msk $0xffff, v58;
	s28 =	sshrl.u32 s11, $0x3;
	s31 =	smul.u32 s27, s23;
	s26 =	sadd.s32 $0xFFFFE078, s21  }
0x5c: {  	[tilespmem:s22+$0x1830 ss:$0x81] =	vst.msk $0xffff, v59;
	s21 =	ssub.s32 $0x2008, s21;
	s27 =	smul.u32 $0x20080, s10;
	p1 =	sgt.s32 s26, $0x7F  }
.Ltmp4:
0x5d: {  	[tilespmem:s22+$0x2040 ss:$0x81] =	vst.msk $0xffff, v60;
	s29 =	sand.u32 $0xF, s28;
	s21 =	simm.s32 @p1 $0x0;
	(pc) =	sbr.rel .LBB1_5-.Ltmp4, $4  }
0x5e: {  	[tilespmem:s22+$0x2850 ss:$0x81] =	vst.msk $0xffff, v61;
	s24 =	ssub.s32 s24, s30;
	s23 =	sadd.s32 s4, s27;
	s20 =	smul.u32 s21, s31  }
0x5f: {  	[tilespmem:s22+$0x3060 ss:$0x81] =	vst.msk $0xffff, v62;
	s30 =	sshll.u32 s24, $0x4;
	s21 =	sadd.s32 s29, s23  }
0x60: {  	[tilespmem:s22+$0x0 ss:$0x81] =	vst.msk $0xffff, v63;
	s31 =	sand.u32 $0x7, s11;
	s21 =	sadd.s32 s30, s21;
	s20 =	sand.u32 $0x3FFFFFFF, s20  }
0x61: {  	[hbm4b:s21+s31] =	stream.linear.scatter [tilespmem:s19], [sflag:$0x2], s20, $0x20;
	[tilespmem:$0x10100] =	vst v63  }
.LBB1_6:
0x62: {  	_ =	sfence.sel $0x180000  }
0x63: {  	s2 =	simm.s32 $0x1;
	[bflag:$0x0] =	sbarrier.arrive $0xFFFF  }
0x64: {  	s31 =	simm.s32 $0x2;
	[sflag:s2] =	ssyncpa.u1 $0x1  }
0x65: {  	[sflag:s31] =	ssyncpa.u1 $0x1  }
0x66: {  	p0 =	sne.s32 s1, $0x0;
	_ =	strace $0x90000047  }
0x67: {  	s0 =	sadd.s32 @!p0 $0x100000, s0;
	[bflag:$0x2] =	sbarrier.arrive $0xFFFF  }
0x68: {  	[sflag:s0] =	ssyncadd.tile.s32 @!p0 $0x1;
	_ =	shalt  }
.Lfunc_end1:
_tile_overlayer_lowered:
.L_overlay_start_2:
0x69: {  	(tag) =	ssettag $0x2  }
0x6a: {  	s0 =	rddreg [dreg:$0x0];
	s2 =	stileid.u32  }
0x6b: {  	s1 =	rddreg [dreg:$0x1];
	p0 =	sne.s32 s2, $0x0  }
0x6c: {  	s3 =	rddreg [dreg:$0x2];
	[bflag:$0x3] =	sbarrier.arrive $0xFFFF;
	s2 =	simm.s32 @!p0 $0x1C01  }
0x6d: {  	[timem:s3], [sflag:s2] =	dma.local @!p0 [hbm:s0], s1  }
0x6e: {  	s0 =	simm.s32 @!p0 $0x1  }
0x6f: {  	_ =	swait.ge @!p0 [sflag:s0], s1  }
0x70: {  	s1 =	ssub.s32 @!p0 $0x0, s1;
	[sflag:s0] =	ssyncset.done @!p0 $0x0  }
0x71: {  	[sflag:s0] =	ssyncadd.s32 @!p0 s1  }
0x72: {  	[bflag:$0x3] =	sbarrier.arrive $0xFFFF  }
0x73: {  	_ =	shalt  }

// kernel: sparse-core-data-format-call.cloned.1.call-start
scs
called_computation_lowered:
.L_overlay_start_0:
0x0: {  	s2 =	sld [smem:$0x3FD9]  }
0x1: {  	s3 =	sld [smem:$0x3FFE];
	_ =	sdelay $0x1  }
0x2: {  	s1 =	srdreg.scid  }
0x3: {  	s0 =	sand.u32 $0x1, s1  }
0x4: {  	s18 =	sshll.u32 s0, $0xA;
	s2 =	sadd.s32 s3, s2  }
0x5: {  	s2 =	sadd.s32 s2, s18  }
0x6: {  	[smem:$0x3FC6] =	sst s2  }
0x7: {  	_ = 	snop  }
0x8: {  	(tm) =	ssettm $0x1  }
0x9: {  	s19 =	sld [smem:$0x3FFB];
	_ =	sdelay $0x3  }
0xa: {  	_ =	strace s19  }
0xb: {  	s2 =	sld [smem:$0x3FFC];
	_ =	sdelay $0x3  }
0xc: {  	_ =	strace s2  }
0xd: {  	s2 =	sld [smem:$0x3FFD];
	_ =	sdelay $0x3  }
0xe: {  	_ =	strace s2  }
0xf: {  	_ =	strace $0x8FFFFFFF  }
0x10: {  	s20 =	sld [smem:$0x3FDB];
	_ =	sdelay $0x1  }
0x11: {  	s21 =	simm.s32 $_scs_section_size  }
0x12: {  	s4 =	simm.s32 $_size__tile_overlayer_lowered;
	s5 =	simm.s32 $_tile_overlayer_lowered  }
0x13: {  	s6 =	simm.s32 $0x1BFF;
	s22 =	sshll.u32 s5, $0x1;
	s3 =	sadd.s32 s21, s20  }
0x14: {  	s23 =	simm.s32 $0x0;
	s4 =	sshll.u32 s4, $0x1;
	s5 =	sadd.s32 s22, s3  }
0x15: {  	[timem:s23], [sflag:s6] =	dma.local [hbm:s5], s4  }
0x16: {  	_ =	swait.ge [sflag:s6], s4  }
0x17: {  	s4 =	ssub.s32 $0x0, s4;
	[sflag:s6] =	ssyncset.done $0x0  }
0x18: {  	[sflag:s6] =	ssyncadd.s32 s4;
	_ =	sdelay $0x1  }
0x19: {  	s24 =	simm.s32 $0x1B8B  }
0x1a: {  	_ =	swait.ge [sflag:s24], $0x1  }
0x1b: {  	[sflag:s24] =	ssyncset.done $0x0  }
0x1c: {  	[sflag:s24] =	ssyncadd.s32 $0xFFFFFFFF  }
0x1d: {  	s4 =	sld [smem:$0x0]  }
0x1e: {  	s5 =	sand.u32 $0xFFFFFFFE, s1  }
0x1f: {  	p0 =	sne.s32 s1, s5  }
0x20: {  	s5 =	sshll.u32 @p0 s5, $0xE  }
0x21: {  	s5 =	sadd.s32 @p0 $0x11B8D, s5;
	s6 =	sshll.u32 @p0 s4, $0x11  }
0x22: {  	s5 =	sor.u32 @p0 s6, s5  }
0x23: {  	[sflag:s5] =	ssyncadd.remote.s32 @p0 $0x1;
	_ =	sdelay $0x1  }
0x24: {  	s5 =	simm.s32 @p0 $0x1B8D  }
0x25: {  	_ =	swait.eq @p0 [sflag:s5], $0x1  }
0x26: {  	[sflag:s5] =	ssyncadd.s32 @p0 $0xFFFFFFFF  }
0x27: {  	s6 =	sshll.u32 @!p0 s1, $0xE  }
0x28: {  	s6 =	sor.u32 @!p0 $0x4000, s6;
	s5 =	simm.s32 @!p0 $0x1B8D  }
0x29: {  	s4 =	sshll.u32 @!p0 s4, $0x11;
	s6 =	sadd.s32 @!p0 $0x11B8D, s6;
	_ =	swait.eq @!p0 [sflag:s5], $0x1  }
0x2a: {  	s4 =	sor.u32 @!p0 s4, s6;
	[sflag:s5] =	ssyncadd.s32 @!p0 $0xFFFFFFFF  }
0x2b: {  	s26 =	simm.s32 $0x1B8E;
	s25 =	sld [smem:$0x3FFE];
	[sflag:s4] =	ssyncadd.remote.s32 @!p0 $0x1  }
0x2c: {  	s27 =	simm.s32 $execute0_lowered;
	[smem:$0x3FD2] =	sst s26  }
0x2d: {  	s5 =	sshll.u32 s27, $0x1;
	_ =	strace $0x80000052;
	[dreg:$0x1] =	wrdreg $0xFFFFFFFF  }
0x2e: {  	s28 =	simm.s32 $_size_execute0_lowered;
	s3 =	sadd.s32 s3, s5;
	[dreg:$0x0] =	wrdreg $0x0  }
0x2f: {  	s5 =	sshll.u32 s28, $0x1;
	[dreg:$0x2] =	wrdreg s3  }
0x30: {  	[dreg:$0x3] =	wrdreg s5  }
0x31: {  	[dreg:$0x4] =	wrdreg $0xC0  }
0x32: {  	_ =	task [dreg:s23], $0x5FFFF  }
0x33: {  	[dreg:$0x1] =	wrdreg $0xFFFFFFFF  }
0x34: {  	[dreg:$0x0] =	wrdreg $0x60  }
0x35: {  	[dreg:$0x2] =	wrdreg s25  }
0x36: {  	[dreg:$0x3] =	wrdreg $0x9  }
0x37: {  	_ =	task.clear_ibuf [dreg:s23], $0x4FFFF;
	_ =	strace $0x90000052  }
0x38: {  	s29 =	simm.s32 $0x9;
	_ =	strace $0x80000054  }
0x39: {  	_ =	swait.ge [sflag:s29], $0x1  }
0x3a: {  	[sflag:s29] =	ssyncadd.s32 $0xFFFFFFFF  }
0x3b: {  	_ =	strace $0x90000054  }
0x3c: {  	_ =	sfence  }
0x3d: {  	s30 =	sld [smem:$0x0];
	_ =	sdelay $0x2  }
0x3e: {  	s31 =	sshll.u32 s1, $0xD;
	s1 =	sshrl.u32 s1, $0x2  }
0x3f: {  	s4 =	sand.u32 $0x4000, s31;
	s1 =	sadd.s32 s1, s30  }
0x40: {  	s0 =	sor.u32 s4, s0;
	s1 =	sshll.u32 s1, $0x11  }
0x41: {  	s0 =	sor.u32 s1, s0  }
0x42: {  	s0 =	sadd.s32 $0x8F2B, s0  }
0x43: {  	[sflag:s0] =	ssyncadd.remote.s32 $0x1  }
0x44: {  	_ =	sfence.sel $0xFFFF  }
0x45: {  	[dreg:$0x0] =	wrdreg $0xFFFFFFFF;
	(pc) =	sbr.abs _section_cstart, $3  }
0x46: {  	[dreg:$0x1] =	wrdreg $0xFFFFFFFF  }
0x47: {  	_ =	task.clear_ibuf [dreg:s23], $0x2FFFF;
	_ =	strace $0x9FFFFFFF  }
0x48: {  	(tm) =	ssettm $0x7FFFFFFF  }
0x49: {  	_ =	shalt  }
tec
execute0_lowered:
.L_overlay_start_1:
0x0: {  	(tag) =	ssettag $0x1  }
0x1: {  	s0 =	srdreg.scid  }
0x2: {  	s5 =	rddreg [dreg:$0x0];
	s1 =	stileid.u32;
	s4 =	simm.s32 $0x1  }
0x3: {  	s6 =	simm.s32 $0x2;
	s8 =	simm.s32 $0x0;
	s2 =	sshll.u32 s0, $0x4  }
0x4: {  	s9 =	simm.s32 $0x0;
	s13 =	simm.s32 $0x0;
	s2 =	sand.u32 $0x10, s2  }
.Ltmp0:
0x5: {  	s10 =	simm.s32 $0x0;
	s3 =	sor.u32 s1, s2;
	(pc) =	sbr.rel .LBB1_1-.Ltmp0, $4  }
0x6: {  	s0 =	rddreg [dreg:$0x1];
	_ =	strace $0x80000053;
	s3 =	sshll.u32 s3, $0x1  }
0x7: {  	s12 =	simm.s32 $0x0;
	[sflag:s4] =	ssyncpa.u1 $0x0;
	s7 =	ssub.s32 $0x400, s3  }
0x8: {  	s2 =	sadd.s32 $0x106200, s5;
	[sflag:s6] =	ssyncpa.u1 $0x0;
	s6 =	sshrl.u32 s7, $0x6  }
0x9: {  	s5 =	sadd.s32 $0x70F800, s5;
	s11 =	smov.u32 s3;
	s7 =	sadd.s32 $0x2, s6  }
.LBB1_9:
0xa: {  	s15 =	sshll.u32 s12, $0xE  }
0xb: {  	s16 =	sshll.u32 s10, $0xA;
	s15 =	sand.u32 $0x4000, s15  }
0xc: {  	s16 =	sadd.s32 s5, s16;
	s15 =	sor.u32 $0x8000, s15  }
0xd: {  	[hbm4b:s16+s8] =	stream.linear.scatter [tilespmem:s15], [sflag:$0x2], s14, $0x38;
	[tilespmem:$0x10000] =	vst v63  }
.LBB1_10:
0xe: {  	p0 =	slt.u32 s12, $0x2  }
0xf: {  	p1 =	sgt.s32 @!p0 s13, $0x3FF  }
0x10: {  	s14 =	smov.u32 s13;
	s15 =	sshra.s32 @!p0 s13, $0x1F;
	p1 =	por !p1, p0  }
0x11: {  	s13 =	sand.u32 @!p0 s15, s13;
	s14 =	simm.s32 @p1 $0x3FF  }
0x12: {  	s13 =	ssub.s32 @!p0 s14, s13  }
0x13: {  	s13 =	sadd.s32 @!p0 $0xFFFFFC01, s13  }
0x14: {  	s14 =	sshll.u32 @!p0 s13, $0xF  }
0x15: {  	p1 =	sgt.s32 @!p0 s13, $0x1;
	s13 =	ssub.s32 @!p0 $0x10000, s14  }
0x16: {  	s15 =	sadd.s32 $0x40, s11;
	p1 =	por !p1, p0;
	s13 =	sshrl.u32 @!p0 s13, $0x2  }
0x17: {  	s13 =	simm.s32 @!p1 $0x0;
	p1 =	sgt.s32 s15, $0x400  }
0x18: {  	s15 =	smov.u32 @p1 s3;
	p1 =	sne.s32 s12, s7  }
.Ltmp1:
0x19: {  	_ = 	snop;
	(pc) =	sbr.rel @!p1 .LBB1_11-.Ltmp1, $4  }
0x1a: {  	s14 =	simm.s32 @!p0 $0x2  }
0x1b: {  	s9 =	sadd.s32 $0x4000, s9;
	_ =	swait.ge @!p0 [sflag:s14], s13;
	s16 =	ssub.s32 @!p0 $0x0, s13  }
0x1c: {  	s13 =	smov.u32 s10;
	s12 =	sadd.s32 $0x1, s12;
	[sflag:s14] =	ssyncset.done @!p0 $0x0  }
0x1d: {  	s10 =	smov.u32 s11;
	s11 =	smov.u32 s15;
	[sflag:s14] =	ssyncadd.s32 @!p0 s16  }
.LBB1_1:
0x1e: {  	p0 =	sgt.u32 s12, s6  }
0x1f: {  	p1 =	sgt.s32 @!p0 s11, $0x3FF  }
0x20: {  	s14 =	smov.u32 s11;
	s15 =	sshra.s32 @!p0 s11, $0x1F;
	p1 =	por !p1, p0  }
0x21: {  	s15 =	sand.u32 @!p0 s15, s11;
	s14 =	simm.s32 @p1 $0x3FF  }
0x22: {  	s14 =	ssub.s32 @!p0 s14, s15  }
0x23: {  	s14 =	sadd.s32 @!p0 $0xFFFFFC01, s14  }
0x24: {  	s17 =	simm.s32 @!p0 $0x0;
	s15 =	sxor.u32 @!p0 $0xFFFFFFFF, s12;
	s16 =	sshll.u32 @!p0 s14, $0xF  }
0x25: {  	s15 =	sshll.u32 @!p0 s15, $0xE;
	p1 =	sgt.s32 @!p0 s14, $0x1;
	s14 =	ssub.s32 @!p0 $0x10000, s16  }
0x26: {  	p1 =	por !p1, p0;
	s16 =	sshll.u32 @!p0 s11, $0xA;
	s14 =	sshrl.u32 @!p0 s14, $0x2  }
0x27: {  	s15 =	sand.u32 @!p0 $0x4000, s15;
	s16 =	sadd.s32 @!p0 s2, s16;
	s14 =	simm.s32 @!p1 $0x0  }
0x28: {  	[tilespmem:s15], [sflag:$0x1] =	stream.linear.gather @!p0 [hbm4b:s16+s17], s14, $0x38;
	[tilespmem:$0x10000] =	vst v63  }
0x29: {  	p0 =	seq.s32 s12, $0x0  }
0x2a: {  	p1 =	sge.u32 @!p0 s12, s7  }
0x2b: {  	p0 =	por p0, p1  }
.Ltmp2:
0x2c: {  	_ = 	snop;
	(pc) =	sbr.rel @p0 .LBB1_10-.Ltmp2, $1  }
0x2d: {  	_ =	sdelay $0x3  }
0x2e: {  	p0 =	sgt.s32 s10, $0x3FF;
	s14 =	smov.u32 s10;
	s15 =	sshra.s32 s10, $0x1F  }
0x2f: {  	s14 =	simm.s32 @!p0 $0x3FF;
	s15 =	sand.u32 s15, s10  }
0x30: {  	s14 =	ssub.s32 s14, s15  }
0x31: {  	s16 =	sadd.s32 $0x2, s10;
	s14 =	sadd.s32 $0xFFFFFC01, s14  }
0x32: {  	p1 =	slt.s32 s16, $0x401;
	s30 =	sshll.u32 s14, $0xF  }
0x33: {  	s16 =	simm.s32 @!p1 $0x401;
	s15 =	ssub.s32 $0x10000, s30  }
0x34: {  	p0 =	sgt.s32 s14, $0x1;
	s14 =	sshrl.u32 s15, $0x2;
	s15 =	ssub.s32 s16, s10  }
0x35: {  	s14 =	simm.s32 @p0 $0x0;
	p0 =	slt.s32 s15, $0x1  }
.Ltmp3:
0x36: {  	_ = 	snop;
	(pc) =	sbr.rel @p0 .LBB1_9-.Ltmp3, $4  }
0x37: {  	_ = 	snop  }
0x38: {  	_ =	swait.ge [sflag:s4], s14  }
0x39: {  	s31 =	ssub.s32 $0x0, s14;
	[sflag:s4] =	ssyncset.done $0x0  }
0x3a: {  	[sflag:s4] =	ssyncadd.s32 s31  }
0x3b: {  	s17 =	sand.u32 $0x4000, s9  }
0x3c: {  	s18 =	simm.s32 $0x0;
	s16 =	sor.u32 $0x8040, s17;
	s17 =	sor.u32 $0x40, s17  }
.LBB1_4:
0x3d: {  	s19 =	smov.u32 s17;
	s20 =	smov.u32 s16;
	s21 =	simm.s32 $0x0  }
.LBB1_5:
0x3e: {  	v0 =	vmov s19;
	_ =	sdelay $0x3  }
0x3f: {  	s23 =	simm.s32 $0x0  }
0x40: {  	v6 =	vld.idx.msk [tilespmem:v0+s23+$0x30 ss:$0x1], $0xffff  }
0x41: {  	v7 =	vld.idx.msk [tilespmem:v0+s23+$0xFFFFFFC0 ss:$0x1], $0xffff  }
0x42: {  	v5 =	vld.idx.msk [tilespmem:v0+s23+$0xFFFFFFD0 ss:$0x1], $0xffff  }
0x43: {  	v4 =	vld.idx.msk [tilespmem:v0+s23+$0xFFFFFFE0 ss:$0x1], $0xffff  }
0x44: {  	v3 =	vld.idx.msk [tilespmem:v0+s23+$0xFFFFFFF0 ss:$0x1], $0xffff  }
0x45: {  	v1 =	vld.idx.msk [tilespmem:v0+s23+$0x0 ss:$0x1], $0xffff  }
0x46: {  	v2 =	vld.idx.msk [tilespmem:v0+s23+$0x10 ss:$0x1], $0xffff;
	[tilespmem:s20+$0x30] =	vst v6  }
0x47: {  	s22 =	simm.s32 $0x80;
	s24 =	simm.s32 $0x400;
	[tilespmem:s20+$0xFFFFFFC0] =	vst v7;
	v6 =	vld.idx.msk [tilespmem:v0+s23+$0x20 ss:$0x1], $0xffff;
	s23 =	smov.u32 s20  }
.LBB1_6:
0x48: {  	p0 =	sne.s32 s24, $0xE00;
	v7 =	vld.idx.msk [tilespmem:v0+s22+$0x30 ss:$0x1], $0xffff;
	[tilespmem:s23+$0xFFFFFFD0] =	vst v5  }
0x49: {  	v8 =	vld.idx.msk [tilespmem:v0+s22+$0xFFFFFFC0 ss:$0x1], $0xffff;
	[tilespmem:s23+$0xFFFFFFE0] =	vst v4  }
0x4a: {  	v5 =	vld.idx.msk [tilespmem:v0+s22+$0xFFFFFFD0 ss:$0x1], $0xffff;
	[tilespmem:s23+$0xFFFFFFF0] =	vst v3  }
.Ltmp4:
0x4b: {  	v4 =	vld.idx.msk [tilespmem:v0+s22+$0xFFFFFFE0 ss:$0x1], $0xffff;
	[tilespmem:s23+$0x0] =	vst v1;
	(pc) =	sbr.rel @p0 .LBB1_6-.Ltmp4, $4  }
0x4c: {  	v3 =	vld.idx.msk [tilespmem:v0+s22+$0xFFFFFFF0 ss:$0x1], $0xffff;
	[tilespmem:s23+$0x10] =	vst v2  }
0x4d: {  	v1 =	vld.idx.msk [tilespmem:v0+s22+$0x0 ss:$0x1], $0xffff;
	[tilespmem:s23+$0x20] =	vst v6;
	s23 =	sadd.s32 $0x400, s23  }
0x4e: {  	v2 =	vld.idx.msk [tilespmem:v0+s22+$0x10 ss:$0x1], $0xffff;
	[tilespmem:s23+$0x30] =	vst v7  }
0x4f: {  	[tilespmem:s23+$0xFFFFFFC0] =	vst v8;
	v6 =	vld.idx.msk [tilespmem:v0+s22+$0x20 ss:$0x1], $0xffff;
	s22 =	sshra.s32 s24, $0x2;
	s24 =	sadd.s32 $0x200, s24  }
0x50: {  	_ =	sdelay $0x2  }
0x51: {  	[tilespmem:s23+$0xFFFFFFD0] =	vst v5  }
0x52: {  	v56 =	vld.idx.msk [tilespmem:v0+s22+$0x30 ss:$0x1], $0xffff;
	[tilespmem:s23+$0xFFFFFFE0] =	vst v4  }
0x53: {  	v57 =	vld.idx.msk [tilespmem:v0+s22+$0xFFFFFFC0 ss:$0x1], $0xffff;
	[tilespmem:s23+$0xFFFFFFF0] =	vst v3  }
0x54: {  	v58 =	vld.idx.msk [tilespmem:v0+s22+$0xFFFFFFD0 ss:$0x1], $0xffff;
	[tilespmem:s23+$0x0] =	vst v1  }
0x55: {  	v59 =	vld.idx.msk [tilespmem:v0+s22+$0xFFFFFFE0 ss:$0x1], $0xffff;
	[tilespmem:s23+$0x10] =	vst v2  }
0x56: {  	v60 =	vld.idx.msk [tilespmem:v0+s22+$0xFFFFFFF0 ss:$0x1], $0xffff;
	s31 =	sadd.s32 $0x400, s23;
	[tilespmem:s23+$0x20] =	vst v6  }
0x57: {  	v61 =	vld.idx.msk [tilespmem:v0+s22+$0x0 ss:$0x1], $0xffff;
	[tilespmem:s31+$0x30] =	vst v56  }
0x58: {  	v62 =	vld.idx.msk [tilespmem:v0+s22+$0x10 ss:$0x1], $0xffff;
	s21 =	sadd.s32 $0x1, s21;
	[tilespmem:s31+$0xFFFFFFC0] =	vst v57  }
0x59: {  	v63 =	vld.idx.msk [tilespmem:v0+s22+$0x20 ss:$0x1], $0xffff;
	p0 =	sne.s32 s21, $0x8;
	[tilespmem:s31+$0xFFFFFFD0] =	vst v58  }
.Ltmp5:
0x5a: {  	[tilespmem:s31+$0xFFFFFFE0] =	vst v59;
	(pc) =	sbr.rel @p0 .LBB1_5-.Ltmp5, $4  }
0x5b: {  	[tilespmem:s31+$0xFFFFFFF0] =	vst v60  }
0x5c: {  	[tilespmem:s31+$0x0] =	vst v61  }
0x5d: {  	[tilespmem:s31+$0x10] =	vst v62  }
0x5e: {  	s20 =	sadd.s32 $0x80, s20;
	s19 =	sadd.s32 $0x400, s19;
	[tilespmem:s31+$0x20] =	vst v63  }
0x5f: {  	s18 =	sadd.s32 $0x1, s18  }
0x60: {  	p0 =	sne.s32 s18, s15  }
.Ltmp6:
0x61: {  	_ = 	snop;
	(pc) =	sbr.rel @p0 .LBB1_4-.Ltmp6, $4  }
.Ltmp7:
0x62: {  	_ = 	snop;
	(pc) =	sbr.rel @!p0 .LBB1_9-.Ltmp7, $4  }
0x63: {  	_ = 	snop  }
0x64: {  	_ = 	snop  }
0x65: {  	s16 =	sadd.s32 $0x2000, s16;
	s17 =	sadd.s32 $0x2000, s17  }
0x66: {  	_ = 	snop  }
.LBB1_11:
0x67: {  	_ =	sfence.sel $0x180000  }
0x68: {  	s2 =	simm.s32 $0x1;
	[bflag:$0x0] =	sbarrier.arrive $0xFFFF  }
0x69: {  	s31 =	simm.s32 $0x2;
	[sflag:s2] =	ssyncpa.u1 $0x1  }
0x6a: {  	[sflag:s31] =	ssyncpa.u1 $0x1  }
0x6b: {  	p0 =	sne.s32 s1, $0x0;
	_ =	strace $0x90000053  }
0x6c: {  	s0 =	sadd.s32 @!p0 $0x100000, s0;
	[bflag:$0x2] =	sbarrier.arrive $0xFFFF  }
0x6d: {  	[sflag:s0] =	ssyncadd.tile.s32 @!p0 $0x1;
	_ =	shalt  }
.Lfunc_end1:
_tile_overlayer_lowered:
.L_overlay_start_2:
0x6e: {  	(tag) =	ssettag $0x2  }
0x6f: {  	s0 =	rddreg [dreg:$0x0];
	s2 =	stileid.u32  }
0x70: {  	s1 =	rddreg [dreg:$0x1];
	p0 =	sne.s32 s2, $0x0  }
0x71: {  	s3 =	rddreg [dreg:$0x2];
	[bflag:$0x3] =	sbarrier.arrive $0xFFFF;
	s2 =	simm.s32 @!p0 $0x1C01  }
0x72: {  	[timem:s3], [sflag:s2] =	dma.local @!p0 [hbm:s0], s1  }
0x73: {  	s0 =	simm.s32 @!p0 $0x1  }
0x74: {  	_ =	swait.ge @!p0 [sflag:s0], s1  }
0x75: {  	s1 =	ssub.s32 @!p0 $0x0, s1;
	[sflag:s0] =	ssyncset.done @!p0 $0x0  }
0x76: {  	[sflag:s0] =	ssyncadd.s32 @!p0 s1  }
0x77: {  	[bflag:$0x3] =	sbarrier.arrive $0xFFFF  }
0x78: {  	_ =	shalt  }

</sc_bundles>
